<compile_context>
chip_gen: v7x
topology: tpu7x:2x2x1
jax: 0.10.2.dev20260603
libtpu: 0.0.44.dev20260713+nightly
codegen_flags: <defaults>
</compile_context>

<pallas_src>
import functools

import jax
import jax.numpy as jnp
from jax import lax
from jax.experimental import pallas as pl
from jax.experimental.pallas import tpu as pltpu
from jax.experimental.pallas import tpu_sc as plsc

N_NODES = 10000
D = 128
H = 64
E = 320000

NS = 16
BLK = 128
NBLK = 158
NBLK_IDX = NBLK + 2
EP_TILE = NBLK_IDX * BLK
PAD_N = 10240
ROWS_PER_TILE = PAD_N // NS
CHUNK = 128
NCHUNK = ROWS_PER_TILE // CHUNK

BM = 1000


def _mm_body(xu_ref, xr_ref, wu_ref, wr_ref, bu_ref, br_ref,
             y_ref, z_ref):
    tu = jnp.dot(xu_ref[...], wu_ref[...],
                 preferred_element_type=jnp.float32) + bu_ref[...]
    tr = jnp.dot(xr_ref[...], wr_ref[...],
                 preferred_element_type=jnp.float32) + br_ref[...]
    y_ref[0] = tu[:, :H]
    y_ref[1] = tr[:, :H]
    z_ref[0] = tr[:, H:]
    z_ref[1] = tu[:, H:]


def _dense_project(xu, xr, wu, wr, bu, br):
    return pl.pallas_call(
        _mm_body,
        grid=(N_NODES // BM,),
        in_specs=[
            pl.BlockSpec((BM, D), lambda i: (i, 0)),
            pl.BlockSpec((BM, D), lambda i: (i, 0)),
            pl.BlockSpec((D, 2 * H), lambda i: (0, 0)),
            pl.BlockSpec((D, 2 * H), lambda i: (0, 0)),
            pl.BlockSpec((1, 2 * H), lambda i: (0, 0)),
            pl.BlockSpec((1, 2 * H), lambda i: (0, 0)),
        ],
        out_specs=[
            pl.BlockSpec((2, BM, H), lambda i: (0, i, 0)),
            pl.BlockSpec((2, BM, H), lambda i: (0, i, 0)),
        ],
        out_shape=[
            jax.ShapeDtypeStruct((2, N_NODES, H), jnp.float32),
            jax.ShapeDtypeStruct((2, N_NODES, H), jnp.float32),
        ],
    )(xu, xr, wu, wr, bu, br)


def _split_body(o_ref, z_ref, u_ref, r_ref):
    u_ref[...] = jnp.maximum(o_ref[1] + z_ref[1], 0.0)
    r_ref[...] = jnp.maximum(o_ref[0] + z_ref[0], 0.0)


def _split_outputs(out_sc, z_all):
    return pl.pallas_call(
        _split_body,
        grid=(N_NODES // BM,),
        in_specs=[pl.BlockSpec((2, BM, H), lambda i: (0, i, 0)),
                  pl.BlockSpec((2, BM, H), lambda i: (0, i, 0))],
        out_specs=[
            pl.BlockSpec((BM, H), lambda i: (i, 0)),
            pl.BlockSpec((BM, H), lambda i: (i, 0)),
        ],
        out_shape=[
            jax.ShapeDtypeStruct((N_NODES, H), jnp.float32),
            jax.ShapeDtypeStruct((N_NODES, H), jnp.float32),
        ],
    )(out_sc, z_all)


_sc_mesh = plsc.VectorSubcoreMesh(core_axis_name="c", subcore_axis_name="s")


@functools.partial(
    pl.kernel,
    out_type=(pltpu.HBM((2, PAD_N, H), jnp.float32),
              pltpu.HBM((2, NS, PAD_N), jnp.float32)),
    mesh=_sc_mesh,
    scratch_types=[
        pltpu.VMEM((NBLK_IDX, BLK), jnp.int32),
        pltpu.VMEM((4, BLK), jnp.int32),
        pltpu.VMEM((2, BLK), jnp.int32),
        pltpu.VMEM((BLK, H), jnp.float32),
        pltpu.VMEM((BLK, H), jnp.float32),
        pltpu.VMEM((CHUNK, H), jnp.float32),
        pltpu.VMEM((CHUNK, H), jnp.float32),
        pltpu.VMEM((CHUNK, H), jnp.float32),
        pltpu.VMEM((PAD_N,), jnp.float32),
        pltpu.VMEM((NS, CHUNK), jnp.float32),
        pltpu.VMEM((CHUNK,), jnp.float32),
        pltpu.VMEM_SHARED((PAD_N, H), jnp.float32),
        pltpu.SemaphoreType.DMA,
        pltpu.SemaphoreType.DMA,
    ],
    compiler_params=pltpu.CompilerParams(use_tc_tiling_on_sc=False,
                                         needs_layout_passes=False),
)
def _sc_aggregate(y_tab, p_all, out, cnt_out,
                  pk_v, srcb, dstb, rows_v0, rows_v1, zblk64,
                  accv, outv, lcnt, cmrg, csum, acc_sh, sem0, sem1):
    c = lax.axis_index("c")
    s = lax.axis_index("s")

    zeros16 = jnp.zeros((16,), jnp.float32)
    ones16 = jnp.ones((16,), jnp.float32)

    def fill_row(i, carry):
        for k in range(H // 16):
            zblk64[i, pl.ds(k * 16, 16)] = zeros16
        return carry

    lax.fori_loop(0, CHUNK, fill_row, 0)

    def zero_cnt(i, carry):
        lcnt[pl.ds(i * 16, 16)] = zeros16
        return carry

    lax.fori_loop(0, PAD_N // 16, zero_cnt, 0)

    base = s * ROWS_PER_TILE
    for t in range(NCHUNK):
        pltpu.sync_copy(zblk64, acc_sh.at[pl.ds(base + t * CHUNK, CHUNK)])

    pltpu.sync_copy(p_all.at[c, s], pk_v)
    plsc.subcore_barrier()

    def unpack_src(j, slot):
        for k in range(BLK // 16):
            sl = pl.ds(k * 16, 16)
            srcb[slot, sl] = jnp.bitwise_and(pk_v[j, sl], 32767)

    def unpack_dst_and_count(j, slot):
        for k in range(BLK // 16):
            sl = pl.ds(k * 16, 16)
            dvec = jax.lax.shift_right_logical(pk_v[j, sl], 15)
            dstb[slot, sl] = dvec
            plsc.addupdate_scatter(lcnt, [dvec], ones16)

    unpack_src(0, 0)
    pltpu.async_copy(y_tab.at[srcb.at[0]], rows_v0, sem0)
    unpack_src(1, 1)
    pltpu.async_copy(y_tab.at[srcb.at[1]], rows_v1, sem1)

    def edge_pair(i, carry):
        j = 2 * i
        pltpu.make_async_copy(y_tab.at[srcb.at[j & 3]], rows_v0,
                              sem0).wait()
        unpack_dst_and_count(j, 0)
        pltpu.sync_copy(rows_v0, acc_sh.at[dstb.at[0]], add=True)
        unpack_src(j + 2, (j + 2) & 3)
        pltpu.async_copy(y_tab.at[srcb.at[(j + 2) & 3]], rows_v0, sem0)
        pltpu.make_async_copy(y_tab.at[srcb.at[(j + 1) & 3]], rows_v1,
                              sem1).wait()
        unpack_dst_and_count(j + 1, 1)
        pltpu.sync_copy(rows_v1, acc_sh.at[dstb.at[1]], add=True)
        unpack_src(j + 3, (j + 3) & 3)
        pltpu.async_copy(y_tab.at[srcb.at[(j + 3) & 3]], rows_v1, sem1)
        return carry

    lax.fori_loop(0, NBLK // 2, edge_pair, 0)
    pltpu.make_async_copy(y_tab.at[srcb.at[NBLK & 3]], rows_v0,
                          sem0).wait()
    pltpu.make_async_copy(y_tab.at[srcb.at[(NBLK + 1) & 3]], rows_v1,
                          sem1).wait()
    pltpu.sync_copy(lcnt, cnt_out.at[c, s])
    plsc.subcore_barrier()

    def chunk(t, carry):
        r0 = base + t * CHUNK
        pltpu.sync_copy(acc_sh.at[pl.ds(r0, CHUNK)], accv)
        pltpu.sync_copy(cnt_out.at[c, :, pl.ds(r0, CHUNK)], cmrg)

        def colsum(k, carry2):
            sl = pl.ds(k * 16, 16)

            def accum(p, acc):
                return acc + cmrg[p, sl]

            csum[sl] = lax.fori_loop(0, NS, accum, zeros16)
            return carry2

        lax.fori_loop(0, CHUNK // 16, colsum, 0)

        def row16(i, carry2):
            inv16 = 1.0 / jnp.maximum(csum[pl.ds(i * 16, 16)], 1.0)
            for r in range(16):
                inv = jnp.broadcast_to(inv16[r], (16,))
                for k in range(H // 16):
                    sl = pl.ds(k * 16, 16)
                    outv[i * 16 + r, sl] = accv[i * 16 + r, sl] * inv
            return carry2

        lax.fori_loop(0, CHUNK // 16, row16, 0)
        pltpu.sync_copy(outv, out.at[c].at[pl.ds(r0, CHUNK)])
        return carry

    lax.fori_loop(0, NCHUNK, chunk, 0)


def _edge_splits(ei, src_off):
    ei = ei.astype(jnp.int32)
    src = ei[0].reshape(NS, E // NS) + src_off
    dst = ei[1].reshape(NS, E // NS)
    pad = EP_TILE - E // NS
    src = jnp.pad(src, ((0, 0), (0, pad)),
                  constant_values=src_off)
    dst = jnp.pad(dst, ((0, 0), (0, pad)),
                  constant_values=N_NODES)
    packed = jnp.bitwise_or(jnp.left_shift(dst, 15), src)
    return packed.reshape(NS, NBLK_IDX, BLK)


def kernel(x_user, x_resource, edge_index_user_accessed_resource,
           edge_index_resource_rev_accessed_user,
           Wl_ur, Wr_ur, b_ur, Wl_ru, Wr_ru, b_ru):
    wu = jnp.concatenate([Wl_ur, Wr_ru], axis=1)
    wr = jnp.concatenate([Wl_ru, Wr_ur], axis=1)
    zeros_h = jnp.zeros((H,), jnp.float32)
    bu = jnp.concatenate([zeros_h, b_ru])[None, :]
    br = jnp.concatenate([zeros_h, b_ur])[None, :]

    y_tab, z_all = _dense_project(x_user, x_resource, wu, wr, bu, br)
    y_flat = y_tab.reshape(2 * N_NODES, H)

    pa = _edge_splits(edge_index_user_accessed_resource, 0)
    pb = _edge_splits(edge_index_resource_rev_accessed_user, N_NODES)
    p_all = jnp.stack([pa, pb])

    out_sc, _ = _sc_aggregate(y_flat, p_all)
    out_user, out_res = _split_outputs(out_sc, z_all)
    return (out_user, out_res)

# --- scband reference (transcript-rebuilt; emitter-appended) ---
"""Pipeline reference for scband-hetero-gnn-38001870635493 (READ-ONLY COPY).

The authoritative reference and input builder live on the scoring server;
editing this copy changes nothing except your own understanding.
"""

import jax, jax.numpy as jnp
import numpy as np

N_USER = 10000
N_RES = 10000
D = 128
H = 64
E = 320000


def setup_inputs(seed: int = 0) -> dict:
    key = jax.random.key(seed)
    ks = jax.random.split(key, 12)
    x_user = jax.random.normal(ks[0], (N_USER, D), dtype=jnp.float32)
    x_resource = jax.random.normal(ks[1], (N_RES, D), dtype=jnp.float32)
    # row 0 = src indices, row 1 = dst indices; both node sets have 10000 nodes
    ei_u2r = jax.random.randint(ks[2], (2, E), 0, N_USER, dtype=jnp.int64)
    ei_r2u = jax.random.randint(ks[3], (2, E), 0, N_RES, dtype=jnp.int64)
    s = 1.0 / np.sqrt(D)
    # SAGEConv (user->resource): lin_l (on aggregated src msgs, with bias), lin_r (on dst, no bias)
    Wl_ur = jax.random.uniform(ks[4], (D, H), minval=-s, maxval=s, dtype=jnp.float32)
    Wr_ur = jax.random.uniform(ks[5], (D, H), minval=-s, maxval=s, dtype=jnp.float32)
    b_ur = jax.random.uniform(ks[6], (H,), minval=-s, maxval=s, dtype=jnp.float32)
    # SAGEConv (resource->user)
    Wl_ru = jax.random.uniform(ks[7], (D, H), minval=-s, maxval=s, dtype=jnp.float32)
    Wr_ru = jax.random.uniform(ks[8], (D, H), minval=-s, maxval=s, dtype=jnp.float32)
    b_ru = jax.random.uniform(ks[9], (H,), minval=-s, maxval=s, dtype=jnp.float32)
    return {
        "x_user": x_user,
        "x_resource": x_resource,
        "edge_index_user_accessed_resource": ei_u2r,
        "edge_index_resource_rev_accessed_user": ei_r2u,
        "Wl_ur": Wl_ur, "Wr_ur": Wr_ur, "b_ur": b_ur,
        "Wl_ru": Wl_ru, "Wr_ru": Wr_ru, "b_ru": b_ru,
    }


def _sage_conv(x_src, x_dst, edge_index, n_dst, Wl, Wr, b):
    src = edge_index[0]
    dst = edge_index[1]
    msg = jnp.take(x_src, src, axis=0)
    summed = jax.ops.segment_sum(msg, dst, num_segments=n_dst)
    cnt = jax.ops.segment_sum(jnp.ones((msg.shape[0],), jnp.float32), dst, num_segments=n_dst)
    mean = summed / jnp.clip(cnt, 1.0)[:, None]
    return mean @ Wl + b + x_dst @ Wr


def reference(x_user, x_resource, edge_index_user_accessed_resource,
              edge_index_resource_rev_accessed_user,
              Wl_ur, Wr_ur, b_ur, Wl_ru, Wr_ru, b_ru):
    # HeteroConv: each dst node type receives messages from exactly one relation,
    # so the 'mean' cross-relation aggregation is the identity here.
    out_res = _sage_conv(x_user, x_resource, edge_index_user_accessed_resource,
                         N_RES, Wl_ur, Wr_ur, b_ur)
    out_user = _sage_conv(x_resource, x_user, edge_index_resource_rev_accessed_user,
                          N_USER, Wl_ru, Wr_ru, b_ru)
    # relu then dropout (eval mode -> identity)
    out_user = jax.nn.relu(out_user)
    out_res = jax.nn.relu(out_res)
    return (out_user, out_res)

if __name__ == "__main__":
    import jax
    _d = setup_inputs()
    print(jax.jit(kernel)(*tuple(_d.values())))

</pallas_src>

<mosaic_0001>
#map = affine_map<(d0, d1) -> (0, 0)>
#map1 = affine_map<(d0, d1) -> (0, 0, 0, 0)>
#map2 = affine_map<(d0, d1) -> (0, 0, 0)>
module attributes {stable_mosaic.version = 14 : i64} {
  func.func @_sc_aggregate(%arg0: i32, %arg1: i32, %arg2: memref<20000x64xf32, #tpu.memory_space<hbm>>, %arg3: memref<2x16x160x128xi32, #tpu.memory_space<hbm>>, %arg4: memref<2x10240x64xf32, #tpu.memory_space<hbm>>, %arg5: memref<2x16x10240xf32, #tpu.memory_space<hbm>>, %arg6: memref<160x128xi32, #tpu.memory_space<vmem>>, %arg7: memref<4x128xi32, #tpu.memory_space<vmem>>, %arg8: memref<2x128xi32, #tpu.memory_space<vmem>>, %arg9: memref<128x64xf32, #tpu.memory_space<vmem>>, %arg10: memref<128x64xf32, #tpu.memory_space<vmem>>, %arg11: memref<128x64xf32, #tpu.memory_space<vmem>>, %arg12: memref<128x64xf32, #tpu.memory_space<vmem>>, %arg13: memref<128x64xf32, #tpu.memory_space<vmem>>, %arg14: memref<10240xf32, #tpu.memory_space<vmem>>, %arg15: memref<16x128xf32, #tpu.memory_space<vmem>>, %arg16: memref<128xf32, #tpu.memory_space<vmem>>, %arg17: memref<10240x64xf32, #tpu.memory_space<vmem_shared>>, %arg18: memref<!tpu.dma_semaphore, #tpu.memory_space<semaphore_mem>>, %arg19: memref<!tpu.dma_semaphore, #tpu.memory_space<semaphore_mem>>) attributes {dimension_semantics = [#tpu.dimension_semantics<core_parallel>, #tpu.dimension_semantics<subcore_parallel>], iteration_bounds = array<i64: 2, 16>, scalar_prefetch = 0 : i64, scratch_operands = 14 : i64, tpu.core_type = #tpu.core_type<sc_vector_subcore>, window_params = [{transform_indices = #map}, {transform_indices = #map1}, {transform_indices = #map2}, {transform_indices = #map2}]} {
    %broadcast_in_dim3A = arith.constant 0.000000e+00 : f32
    %broadcast_in_dim3A_0 = vector.broadcast %broadcast_in_dim3A : f32 to vector<16xf32>
    %broadcast_in_dim3A_1 = arith.constant 1.000000e+00 : f32
    %broadcast_in_dim3A_2 = vector.broadcast %broadcast_in_dim3A_1 : f32 to vector<16xf32>
    %scan3A = arith.constant 0 : i32
    %scan3A_3 = arith.constant 0 : i32
    %scan3A_4 = arith.constant 128 : i32
    %scan3A_5 = arith.addi %scan3A_3, %scan3A_4 : i32
    %scan3A_6 = arith.constant 1 : i32
    scf.for %scan3A_236 = %scan3A_3 to %scan3A_5 step %scan3A_6  : i32 {
      %swap3A_237 = arith.index_cast %scan3A_236 : i32 to index
      %swap3A_238 = arith.constant 0 : index
      %swap3A_239 = tpu.vector_load %arg11[%swap3A_237, %swap3A_238] {strides = array<i32>} : memref<128x64xf32, #tpu.memory_space<vmem>>, vector<16xf32>,
      tpu.vector_store %arg11[%swap3A_237, %swap3A_238], %broadcast_in_dim3A_0 {strides = array<i32>} : memref<128x64xf32, #tpu.memory_space<vmem>>, vector<16xf32>,
      %swap3A_240 = arith.index_cast %scan3A_236 : i32 to index
      %swap3A_241 = arith.constant 16 : index
      %swap3A_242 = tpu.vector_load %arg11[%swap3A_240, %swap3A_241] {strides = array<i32>} : memref<128x64xf32, #tpu.memory_space<vmem>>, vector<16xf32>,
      tpu.vector_store %arg11[%swap3A_240, %swap3A_241], %broadcast_in_dim3A_0 {strides = array<i32>} : memref<128x64xf32, #tpu.memory_space<vmem>>, vector<16xf32>,
      %swap3A_243 = arith.index_cast %scan3A_236 : i32 to index
      %swap3A_244 = arith.constant 32 : index
      %swap3A_245 = tpu.vector_load %arg11[%swap3A_243, %swap3A_244] {strides = array<i32>} : memref<128x64xf32, #tpu.memory_space<vmem>>, vector<16xf32>,
      tpu.vector_store %arg11[%swap3A_243, %swap3A_244], %broadcast_in_dim3A_0 {strides = array<i32>} : memref<128x64xf32, #tpu.memory_space<vmem>>, vector<16xf32>,
      %swap3A_246 = arith.index_cast %scan3A_236 : i32 to index
      %swap3A_247 = arith.constant 48 : index
      %swap3A_248 = tpu.vector_load %arg11[%swap3A_246, %swap3A_247] {strides = array<i32>} : memref<128x64xf32, #tpu.memory_space<vmem>>, vector<16xf32>,
      tpu.vector_store %arg11[%swap3A_246, %swap3A_247], %broadcast_in_dim3A_0 {strides = array<i32>} : memref<128x64xf32, #tpu.memory_space<vmem>>, vector<16xf32>,
    }
    %scan3A_7 = arith.constant 128 : i32
    %scan3A_8 = arith.constant 0 : i32
    %scan3A_9 = arith.constant 0 : i32
    %scan3A_10 = arith.constant 640 : i32
    %scan3A_11 = arith.addi %scan3A_9, %scan3A_10 : i32
    %scan3A_12 = arith.constant 1 : i32
    scf.for %scan3A_236 = %scan3A_9 to %scan3A_11 step %scan3A_12  : i32 {
      %mul3A_237 = arith.constant 16 : i32
      %mul3A_238 = arith.muli %scan3A_236, %mul3A_237 : i32
      %swap3A_239 = arith.index_cast %mul3A_238 : i32 to index
      %swap3A_240 = tpu.vector_load %arg14[%swap3A_239] {strides = array<i32>} : memref<10240xf32, #tpu.memory_space<vmem>>, vector<16xf32>,
      tpu.vector_store %arg14[%swap3A_239], %broadcast_in_dim3A_0 {strides = array<i32>} : memref<10240xf32, #tpu.memory_space<vmem>>, vector<16xf32>,
    }
    %scan3A_13 = arith.constant 640 : i32
    %mul3A = arith.constant 640 : i32
    %mul3A_14 = arith.muli %arg1, %mul3A : i32
    %add3A = arith.constant 0 : i32
    %add3A_15 = arith.addi %mul3A_14, %add3A : i32
    "tpu.region"() ({
      %run_scoped3A = tpu.sem_alloc : memref<!tpu.dma_semaphore, #tpu.memory_space<semaphore_mem>>
      %dma_start3A_236 = arith.constant 0 : i32
      %dma_start3A_237 = tpu.memref_slice %arg17[%add3A_15, %dma_start3A_236] : memref<10240x64xf32, #tpu.memory_space<vmem_shared>> -> memref<128x64xf32, #tpu.memory_space<vmem_shared>>
      %dma_start3A_238 = arith.constant 0 : i32
      %dma_start3A_239 = tpu.memref_slice %arg17[%add3A_15, %dma_start3A_238] : memref<10240x64xf32, #tpu.memory_space<vmem_shared>> -> memref<128x64xf32, #tpu.memory_space<vmem_shared>>
      tpu.enqueue_dma source(%arg11 : memref<128x64xf32, #tpu.memory_space<vmem>>) target(%dma_start3A_239 : memref<128x64xf32, #tpu.memory_space<vmem_shared>>) target_semaphore(%run_scoped3A : memref<!tpu.dma_semaphore, #tpu.memory_space<semaphore_mem>>)
      %dma_wait3A_240 = arith.constant 0 : i32
      %dma_wait3A_241 = tpu.memref_slice %arg17[%add3A_15, %dma_wait3A_240] : memref<10240x64xf32, #tpu.memory_space<vmem_shared>> -> memref<128x64xf32, #tpu.memory_space<vmem_shared>>
      %dma_wait3A_242 = arith.constant 0 : i32
      %dma_wait3A_243 = tpu.memref_slice %arg17[%add3A_15, %dma_wait3A_242] : memref<10240x64xf32, #tpu.memory_space<vmem_shared>> -> memref<128x64xf32, #tpu.memory_space<vmem_shared>>
      tpu.wait_dma2 semaphore(%run_scoped3A : memref<!tpu.dma_semaphore, #tpu.memory_space<semaphore_mem>>) src(%arg11 : memref<128x64xf32, #tpu.memory_space<vmem>>) dst(%dma_wait3A_243 : memref<128x64xf32, #tpu.memory_space<vmem_shared>>)
      tpu.yield
    }) : () -> ()
    %add3A_16 = arith.constant 128 : i32
    %add3A_17 = arith.addi %mul3A_14, %add3A_16 : i32
    "tpu.region"() ({
      %run_scoped3A = tpu.sem_alloc : memref<!tpu.dma_semaphore, #tpu.memory_space<semaphore_mem>>
      %dma_start3A_236 = arith.constant 0 : i32
      %dma_start3A_237 = tpu.memref_slice %arg17[%add3A_17, %dma_start3A_236] : memref<10240x64xf32, #tpu.memory_space<vmem_shared>> -> memref<128x64xf32, #tpu.memory_space<vmem_shared>>
      %dma_start3A_238 = arith.constant 0 : i32
      %dma_start3A_239 = tpu.memref_slice %arg17[%add3A_17, %dma_start3A_238] : memref<10240x64xf32, #tpu.memory_space<vmem_shared>> -> memref<128x64xf32, #tpu.memory_space<vmem_shared>>
      tpu.enqueue_dma source(%arg11 : memref<128x64xf32, #tpu.memory_space<vmem>>) target(%dma_start3A_239 : memref<128x64xf32, #tpu.memory_space<vmem_shared>>) target_semaphore(%run_scoped3A : memref<!tpu.dma_semaphore, #tpu.memory_space<semaphore_mem>>)
      %dma_wait3A_240 = arith.constant 0 : i32
      %dma_wait3A_241 = tpu.memref_slice %arg17[%add3A_17, %dma_wait3A_240] : memref<10240x64xf32, #tpu.memory_space<vmem_shared>> -> memref<128x64xf32, #tpu.memory_space<vmem_shared>>
      %dma_wait3A_242 = arith.constant 0 : i32
      %dma_wait3A_243 = tpu.memref_slice %arg17[%add3A_17, %dma_wait3A_242] : memref<10240x64xf32, #tpu.memory_space<vmem_shared>> -> memref<128x64xf32, #tpu.memory_space<vmem_shared>>
      tpu.wait_dma2 semaphore(%run_scoped3A : memref<!tpu.dma_semaphore, #tpu.memory_space<semaphore_mem>>) src(%arg11 : memref<128x64xf32, #tpu.memory_space<vmem>>) dst(%dma_wait3A_243 : memref<128x64xf32, #tpu.memory_space<vmem_shared>>)
      tpu.yield
    }) : () -> ()
    %add3A_18 = arith.constant 256 : i32
    %add3A_19 = arith.addi %mul3A_14, %add3A_18 : i32
    "tpu.region"() ({
      %run_scoped3A = tpu.sem_alloc : memref<!tpu.dma_semaphore, #tpu.memory_space<semaphore_mem>>
      %dma_start3A_236 = arith.constant 0 : i32
      %dma_start3A_237 = tpu.memref_slice %arg17[%add3A_19, %dma_start3A_236] : memref<10240x64xf32, #tpu.memory_space<vmem_shared>> -> memref<128x64xf32, #tpu.memory_space<vmem_shared>>
      %dma_start3A_238 = arith.constant 0 : i32
      %dma_start3A_239 = tpu.memref_slice %arg17[%add3A_19, %dma_start3A_238] : memref<10240x64xf32, #tpu.memory_space<vmem_shared>> -> memref<128x64xf32, #tpu.memory_space<vmem_shared>>
      tpu.enqueue_dma source(%arg11 : memref<128x64xf32, #tpu.memory_space<vmem>>) target(%dma_start3A_239 : memref<128x64xf32, #tpu.memory_space<vmem_shared>>) target_semaphore(%run_scoped3A : memref<!tpu.dma_semaphore, #tpu.memory_space<semaphore_mem>>)
      %dma_wait3A_240 = arith.constant 0 : i32
      %dma_wait3A_241 = tpu.memref_slice %arg17[%add3A_19, %dma_wait3A_240] : memref<10240x64xf32, #tpu.memory_space<vmem_shared>> -> memref<128x64xf32, #tpu.memory_space<vmem_shared>>
      %dma_wait3A_242 = arith.constant 0 : i32
      %dma_wait3A_243 = tpu.memref_slice %arg17[%add3A_19, %dma_wait3A_242] : memref<10240x64xf32, #tpu.memory_space<vmem_shared>> -> memref<128x64xf32, #tpu.memory_space<vmem_shared>>
      tpu.wait_dma2 semaphore(%run_scoped3A : memref<!tpu.dma_semaphore, #tpu.memory_space<semaphore_mem>>) src(%arg11 : memref<128x64xf32, #tpu.memory_space<vmem>>) dst(%dma_wait3A_243 : memref<128x64xf32, #tpu.memory_space<vmem_shared>>)
      tpu.yield
    }) : () -> ()
    %add3A_20 = arith.constant 384 : i32
    %add3A_21 = arith.addi %mul3A_14, %add3A_20 : i32
    "tpu.region"() ({
      %run_scoped3A = tpu.sem_alloc : memref<!tpu.dma_semaphore, #tpu.memory_space<semaphore_mem>>
      %dma_start3A_236 = arith.constant 0 : i32
      %dma_start3A_237 = tpu.memref_slice %arg17[%add3A_21, %dma_start3A_236] : memref<10240x64xf32, #tpu.memory_space<vmem_shared>> -> memref<128x64xf32, #tpu.memory_space<vmem_shared>>
      %dma_start3A_238 = arith.constant 0 : i32
      %dma_start3A_239 = tpu.memref_slice %arg17[%add3A_21, %dma_start3A_238] : memref<10240x64xf32, #tpu.memory_space<vmem_shared>> -> memref<128x64xf32, #tpu.memory_space<vmem_shared>>
      tpu.enqueue_dma source(%arg11 : memref<128x64xf32, #tpu.memory_space<vmem>>) target(%dma_start3A_239 : memref<128x64xf32, #tpu.memory_space<vmem_shared>>) target_semaphore(%run_scoped3A : memref<!tpu.dma_semaphore, #tpu.memory_space<semaphore_mem>>)
      %dma_wait3A_240 = arith.constant 0 : i32
      %dma_wait3A_241 = tpu.memref_slice %arg17[%add3A_21, %dma_wait3A_240] : memref<10240x64xf32, #tpu.memory_space<vmem_shared>> -> memref<128x64xf32, #tpu.memory_space<vmem_shared>>
      %dma_wait3A_242 = arith.constant 0 : i32
      %dma_wait3A_243 = tpu.memref_slice %arg17[%add3A_21, %dma_wait3A_242] : memref<10240x64xf32, #tpu.memory_space<vmem_shared>> -> memref<128x64xf32, #tpu.memory_space<vmem_shared>>
      tpu.wait_dma2 semaphore(%run_scoped3A : memref<!tpu.dma_semaphore, #tpu.memory_space<semaphore_mem>>) src(%arg11 : memref<128x64xf32, #tpu.memory_space<vmem>>) dst(%dma_wait3A_243 : memref<128x64xf32, #tpu.memory_space<vmem_shared>>)
      tpu.yield
    }) : () -> ()
    %add3A_22 = arith.constant 512 : i32
    %add3A_23 = arith.addi %mul3A_14, %add3A_22 : i32
    "tpu.region"() ({
      %run_scoped3A = tpu.sem_alloc : memref<!tpu.dma_semaphore, #tpu.memory_space<semaphore_mem>>
      %dma_start3A_236 = arith.constant 0 : i32
      %dma_start3A_237 = tpu.memref_slice %arg17[%add3A_23, %dma_start3A_236] : memref<10240x64xf32, #tpu.memory_space<vmem_shared>> -> memref<128x64xf32, #tpu.memory_space<vmem_shared>>
      %dma_start3A_238 = arith.constant 0 : i32
      %dma_start3A_239 = tpu.memref_slice %arg17[%add3A_23, %dma_start3A_238] : memref<10240x64xf32, #tpu.memory_space<vmem_shared>> -> memref<128x64xf32, #tpu.memory_space<vmem_shared>>
      tpu.enqueue_dma source(%arg11 : memref<128x64xf32, #tpu.memory_space<vmem>>) target(%dma_start3A_239 : memref<128x64xf32, #tpu.memory_space<vmem_shared>>) target_semaphore(%run_scoped3A : memref<!tpu.dma_semaphore, #tpu.memory_space<semaphore_mem>>)
      %dma_wait3A_240 = arith.constant 0 : i32
      %dma_wait3A_241 = tpu.memref_slice %arg17[%add3A_23, %dma_wait3A_240] : memref<10240x64xf32, #tpu.memory_space<vmem_shared>> -> memref<128x64xf32, #tpu.memory_space<vmem_shared>>
      %dma_wait3A_242 = arith.constant 0 : i32
      %dma_wait3A_243 = tpu.memref_slice %arg17[%add3A_23, %dma_wait3A_242] : memref<10240x64xf32, #tpu.memory_space<vmem_shared>> -> memref<128x64xf32, #tpu.memory_space<vmem_shared>>
      tpu.wait_dma2 semaphore(%run_scoped3A : memref<!tpu.dma_semaphore, #tpu.memory_space<semaphore_mem>>) src(%arg11 : memref<128x64xf32, #tpu.memory_space<vmem>>) dst(%dma_wait3A_243 : memref<128x64xf32, #tpu.memory_space<vmem_shared>>)
      tpu.yield
    }) : () -> ()
    "tpu.region"() ({
      %run_scoped3A = tpu.sem_alloc : memref<!tpu.dma_semaphore, #tpu.memory_space<semaphore_mem>>
      %dma_start3A_236 = arith.constant 0 : i32
      %dma_start3A_237 = arith.constant 0 : i32
      %dma_start3A_238 = tpu.memref_slice %arg3[%arg0, %arg1, %dma_start3A_236, %dma_start3A_237] : memref<2x16x160x128xi32, #tpu.memory_space<hbm>> -> memref<1x1x160x128xi32, #tpu.memory_space<hbm>>
      %dma_start3A_239 = tpu.memref_squeeze %dma_start3A_238 : memref<1x1x160x128xi32, #tpu.memory_space<hbm>> -> memref<160x128xi32, #tpu.memory_space<hbm>>
      %dma_start3A_240 = arith.constant 0 : i32
      %dma_start3A_241 = arith.constant 0 : i32
      %dma_start3A_242 = tpu.memref_slice %arg3[%arg0, %arg1, %dma_start3A_240, %dma_start3A_241] : memref<2x16x160x128xi32, #tpu.memory_space<hbm>> -> memref<1x1x160x128xi32, #tpu.memory_space<hbm>>
      %dma_start3A_243 = tpu.memref_squeeze %dma_start3A_242 : memref<1x1x160x128xi32, #tpu.memory_space<hbm>> -> memref<160x128xi32, #tpu.memory_space<hbm>>
      tpu.enqueue_dma source(%dma_start3A_243 : memref<160x128xi32, #tpu.memory_space<hbm>>) target(%arg6 : memref<160x128xi32, #tpu.memory_space<vmem>>) target_semaphore(%run_scoped3A : memref<!tpu.dma_semaphore, #tpu.memory_space<semaphore_mem>>)
      %dma_wait3A_244 = arith.constant 0 : i32
      %dma_wait3A_245 = arith.constant 0 : i32
      %dma_wait3A_246 = tpu.memref_slice %arg3[%arg0, %arg1, %dma_wait3A_244, %dma_wait3A_245] : memref<2x16x160x128xi32, #tpu.memory_space<hbm>> -> memref<1x1x160x128xi32, #tpu.memory_space<hbm>>
      %dma_wait3A_247 = tpu.memref_squeeze %dma_wait3A_246 : memref<1x1x160x128xi32, #tpu.memory_space<hbm>> -> memref<160x128xi32, #tpu.memory_space<hbm>>
      %dma_wait3A_248 = arith.constant 0 : i32
      %dma_wait3A_249 = arith.constant 0 : i32
      %dma_wait3A_250 = tpu.memref_slice %arg3[%arg0, %arg1, %dma_wait3A_248, %dma_wait3A_249] : memref<2x16x160x128xi32, #tpu.memory_space<hbm>> -> memref<1x1x160x128xi32, #tpu.memory_space<hbm>>
      %dma_wait3A_251 = tpu.memref_squeeze %dma_wait3A_250 : memref<1x1x160x128xi32, #tpu.memory_space<hbm>> -> memref<160x128xi32, #tpu.memory_space<hbm>>
      tpu.wait_dma2 semaphore(%run_scoped3A : memref<!tpu.dma_semaphore, #tpu.memory_space<semaphore_mem>>) src(%dma_wait3A_251 : memref<160x128xi32, #tpu.memory_space<hbm>>) dst(%arg6 : memref<160x128xi32, #tpu.memory_space<vmem>>)
      tpu.yield
    }) : () -> ()
    %barrier3A = arith.constant 0 : index
    tpu.barrier barrier_id(%barrier3A)
    %get3A = arith.constant 0 : i32
    %get3A_24 = arith.index_cast %get3A : i32 to index
    %get3A_25 = arith.constant 0 : index
    %get3A_26 = tpu.vector_load %arg6[%get3A_24, %get3A_25] {strides = array<i32>} : memref<160x128xi32, #tpu.memory_space<vmem>>, vector<16xi32>,
    %and3A = arith.constant 32767 : i32
    %and3A_27 = vector.broadcast %and3A : i32 to vector<16xi32>
    %and3A_28 = arith.andi %get3A_26, %and3A_27 : vector<16xi32>
    %swap3A = arith.constant 0 : i32
    %swap3A_29 = arith.index_cast %swap3A : i32 to index
    %swap3A_30 = arith.constant 0 : index
    %swap3A_31 = tpu.vector_load %arg7[%swap3A_29, %swap3A_30] {strides = array<i32>} : memref<4x128xi32, #tpu.memory_space<vmem>>, vector<16xi32>,
    tpu.vector_store %arg7[%swap3A_29, %swap3A_30], %and3A_28 {strides = array<i32>} : memref<4x128xi32, #tpu.memory_space<vmem>>, vector<16xi32>,
    %get3A_32 = arith.constant 0 : i32
    %get3A_33 = arith.index_cast %get3A_32 : i32 to index
    %get3A_34 = arith.constant 16 : index
    %get3A_35 = tpu.vector_load %arg6[%get3A_33, %get3A_34] {strides = array<i32>} : memref<160x128xi32, #tpu.memory_space<vmem>>, vector<16xi32>,
    %and3A_36 = arith.constant 32767 : i32
    %and3A_37 = vector.broadcast %and3A_36 : i32 to vector<16xi32>
    %and3A_38 = arith.andi %get3A_35, %and3A_37 : vector<16xi32>
    %swap3A_39 = arith.constant 0 : i32
    %swap3A_40 = arith.index_cast %swap3A_39 : i32 to index
    %swap3A_41 = arith.constant 16 : index
    %swap3A_42 = tpu.vector_load %arg7[%swap3A_40, %swap3A_41] {strides = array<i32>} : memref<4x128xi32, #tpu.memory_space<vmem>>, vector<16xi32>,
    tpu.vector_store %arg7[%swap3A_40, %swap3A_41], %and3A_38 {strides = array<i32>} : memref<4x128xi32, #tpu.memory_space<vmem>>, vector<16xi32>,
    %get3A_43 = arith.constant 0 : i32
    %get3A_44 = arith.index_cast %get3A_43 : i32 to index
    %get3A_45 = arith.constant 32 : index
    %get3A_46 = tpu.vector_load %arg6[%get3A_44, %get3A_45] {strides = array<i32>} : memref<160x128xi32, #tpu.memory_space<vmem>>, vector<16xi32>,
    %and3A_47 = arith.constant 32767 : i32
    %and3A_48 = vector.broadcast %and3A_47 : i32 to vector<16xi32>
    %and3A_49 = arith.andi %get3A_46, %and3A_48 : vector<16xi32>
    %swap3A_50 = arith.constant 0 : i32
    %swap3A_51 = arith.index_cast %swap3A_50 : i32 to index
    %swap3A_52 = arith.constant 32 : index
    %swap3A_53 = tpu.vector_load %arg7[%swap3A_51, %swap3A_52] {strides = array<i32>} : memref<4x128xi32, #tpu.memory_space<vmem>>, vector<16xi32>,
    tpu.vector_store %arg7[%swap3A_51, %swap3A_52], %and3A_49 {strides = array<i32>} : memref<4x128xi32, #tpu.memory_space<vmem>>, vector<16xi32>,
    %get3A_54 = arith.constant 0 : i32
    %get3A_55 = arith.index_cast %get3A_54 : i32 to index
    %get3A_56 = arith.constant 48 : index
    %get3A_57 = tpu.vector_load %arg6[%get3A_55, %get3A_56] {strides = array<i32>} : memref<160x128xi32, #tpu.memory_space<vmem>>, vector<16xi32>,
    %and3A_58 = arith.constant 32767 : i32
    %and3A_59 = vector.broadcast %and3A_58 : i32 to vector<16xi32>
    %and3A_60 = arith.andi %get3A_57, %and3A_59 : vector<16xi32>
    %swap3A_61 = arith.constant 0 : i32
    %swap3A_62 = arith.index_cast %swap3A_61 : i32 to index
    %swap3A_63 = arith.constant 48 : index
    %swap3A_64 = tpu.vector_load %arg7[%swap3A_62, %swap3A_63] {strides = array<i32>} : memref<4x128xi32, #tpu.memory_space<vmem>>, vector<16xi32>,
    tpu.vector_store %arg7[%swap3A_62, %swap3A_63], %and3A_60 {strides = array<i32>} : memref<4x128xi32, #tpu.memory_space<vmem>>, vector<16xi32>,
    %get3A_65 = arith.constant 0 : i32
    %get3A_66 = arith.index_cast %get3A_65 : i32 to index
    %get3A_67 = arith.constant 64 : index
    %get3A_68 = tpu.vector_load %arg6[%get3A_66, %get3A_67] {strides = array<i32>} : memref<160x128xi32, #tpu.memory_space<vmem>>, vector<16xi32>,
    %and3A_69 = arith.constant 32767 : i32
    %and3A_70 = vector.broadcast %and3A_69 : i32 to vector<16xi32>
    %and3A_71 = arith.andi %get3A_68, %and3A_70 : vector<16xi32>
    %swap3A_72 = arith.constant 0 : i32
    %swap3A_73 = arith.index_cast %swap3A_72 : i32 to index
    %swap3A_74 = arith.constant 64 : index
    %swap3A_75 = tpu.vector_load %arg7[%swap3A_73, %swap3A_74] {strides = array<i32>} : memref<4x128xi32, #tpu.memory_space<vmem>>, vector<16xi32>,
    tpu.vector_store %arg7[%swap3A_73, %swap3A_74], %and3A_71 {strides = array<i32>} : memref<4x128xi32, #tpu.memory_space<vmem>>, vector<16xi32>,
    %get3A_76 = arith.constant 0 : i32
    %get3A_77 = arith.index_cast %get3A_76 : i32 to index
    %get3A_78 = arith.constant 80 : index
    %get3A_79 = tpu.vector_load %arg6[%get3A_77, %get3A_78] {strides = array<i32>} : memref<160x128xi32, #tpu.memory_space<vmem>>, vector<16xi32>,
    %and3A_80 = arith.constant 32767 : i32
    %and3A_81 = vector.broadcast %and3A_80 : i32 to vector<16xi32>
    %and3A_82 = arith.andi %get3A_79, %and3A_81 : vector<16xi32>
    %swap3A_83 = arith.constant 0 : i32
    %swap3A_84 = arith.index_cast %swap3A_83 : i32 to index
    %swap3A_85 = arith.constant 80 : index
    %swap3A_86 = tpu.vector_load %arg7[%swap3A_84, %swap3A_85] {strides = array<i32>} : memref<4x128xi32, #tpu.memory_space<vmem>>, vector<16xi32>,
    tpu.vector_store %arg7[%swap3A_84, %swap3A_85], %and3A_82 {strides = array<i32>} : memref<4x128xi32, #tpu.memory_space<vmem>>, vector<16xi32>,
    %get3A_87 = arith.constant 0 : i32
    %get3A_88 = arith.index_cast %get3A_87 : i32 to index
    %get3A_89 = arith.constant 96 : index
    %get3A_90 = tpu.vector_load %arg6[%get3A_88, %get3A_89] {strides = array<i32>} : memref<160x128xi32, #tpu.memory_space<vmem>>, vector<16xi32>,
    %and3A_91 = arith.constant 32767 : i32
    %and3A_92 = vector.broadcast %and3A_91 : i32 to vector<16xi32>
    %and3A_93 = arith.andi %get3A_90, %and3A_92 : vector<16xi32>
    %swap3A_94 = arith.constant 0 : i32
    %swap3A_95 = arith.index_cast %swap3A_94 : i32 to index
    %swap3A_96 = arith.constant 96 : index
    %swap3A_97 = tpu.vector_load %arg7[%swap3A_95, %swap3A_96] {strides = array<i32>} : memref<4x128xi32, #tpu.memory_space<vmem>>, vector<16xi32>,
    tpu.vector_store %arg7[%swap3A_95, %swap3A_96], %and3A_93 {strides = array<i32>} : memref<4x128xi32, #tpu.memory_space<vmem>>, vector<16xi32>,
    %get3A_98 = arith.constant 0 : i32
    %get3A_99 = arith.index_cast %get3A_98 : i32 to index
    %get3A_100 = arith.constant 112 : index
    %get3A_101 = tpu.vector_load %arg6[%get3A_99, %get3A_100] {strides = array<i32>} : memref<160x128xi32, #tpu.memory_space<vmem>>, vector<16xi32>,
    %and3A_102 = arith.constant 32767 : i32
    %and3A_103 = vector.broadcast %and3A_102 : i32 to vector<16xi32>
    %and3A_104 = arith.andi %get3A_101, %and3A_103 : vector<16xi32>
    %swap3A_105 = arith.constant 0 : i32
    %swap3A_106 = arith.index_cast %swap3A_105 : i32 to index
    %swap3A_107 = arith.constant 112 : index
    %swap3A_108 = tpu.vector_load %arg7[%swap3A_106, %swap3A_107] {strides = array<i32>} : memref<4x128xi32, #tpu.memory_space<vmem>>, vector<16xi32>,
    tpu.vector_store %arg7[%swap3A_106, %swap3A_107], %and3A_104 {strides = array<i32>} : memref<4x128xi32, #tpu.memory_space<vmem>>, vector<16xi32>,
    %dma_start3A = arith.constant 0 : i32
    %dma_start3A_109 = arith.constant 0 : i32
    %dma_start3A_110 = tpu.memref_slice %arg7[%dma_start3A, %dma_start3A_109] : memref<4x128xi32, #tpu.memory_space<vmem>> -> memref<1x128xi32, #tpu.memory_space<vmem>>
    %dma_start3A_111 = tpu.memref_squeeze %dma_start3A_110 : memref<1x128xi32, #tpu.memory_space<vmem>> -> memref<128xi32, #tpu.memory_space<vmem>>
    %dma_start3A_112 = arith.constant 0 : i32
    %dma_start3A_113 = arith.constant 0 : i32
    %dma_start3A_114 = tpu.memref_slice %arg2[%dma_start3A_112, %dma_start3A_113] : memref<20000x64xf32, #tpu.memory_space<hbm>> -> memref<20000x64xf32, #tpu.memory_space<hbm>>
    tpu.enqueue_indirect_dma source(%dma_start3A_114 : memref<20000x64xf32, #tpu.memory_space<hbm>>) target(%arg9 : memref<128x64xf32, #tpu.memory_space<vmem>>) offsets(%dma_start3A_111 : memref<128xi32, #tpu.memory_space<vmem>>) semaphore(%arg18 : memref<!tpu.dma_semaphore, #tpu.memory_space<semaphore_mem>>)
    %get3A_115 = arith.constant 1 : i32
    %get3A_116 = arith.index_cast %get3A_115 : i32 to index
    %get3A_117 = arith.constant 0 : index
    %get3A_118 = tpu.vector_load %arg6[%get3A_116, %get3A_117] {strides = array<i32>} : memref<160x128xi32, #tpu.memory_space<vmem>>, vector<16xi32>,
    %and3A_119 = arith.constant 32767 : i32
    %and3A_120 = vector.broadcast %and3A_119 : i32 to vector<16xi32>
    %and3A_121 = arith.andi %get3A_118, %and3A_120 : vector<16xi32>
    %swap3A_122 = arith.constant 1 : i32
    %swap3A_123 = arith.index_cast %swap3A_122 : i32 to index
    %swap3A_124 = arith.constant 0 : index
    %swap3A_125 = tpu.vector_load %arg7[%swap3A_123, %swap3A_124] {strides = array<i32>} : memref<4x128xi32, #tpu.memory_space<vmem>>, vector<16xi32>,
    tpu.vector_store %arg7[%swap3A_123, %swap3A_124], %and3A_121 {strides = array<i32>} : memref<4x128xi32, #tpu.memory_space<vmem>>, vector<16xi32>,
    %get3A_126 = arith.constant 1 : i32
    %get3A_127 = arith.index_cast %get3A_126 : i32 to index
    %get3A_128 = arith.constant 16 : index
    %get3A_129 = tpu.vector_load %arg6[%get3A_127, %get3A_128] {strides = array<i32>} : memref<160x128xi32, #tpu.memory_space<vmem>>, vector<16xi32>,
    %and3A_130 = arith.constant 32767 : i32
    %and3A_131 = vector.broadcast %and3A_130 : i32 to vector<16xi32>
    %and3A_132 = arith.andi %get3A_129, %and3A_131 : vector<16xi32>
    %swap3A_133 = arith.constant 1 : i32
    %swap3A_134 = arith.index_cast %swap3A_133 : i32 to index
    %swap3A_135 = arith.constant 16 : index
    %swap3A_136 = tpu.vector_load %arg7[%swap3A_134, %swap3A_135] {strides = array<i32>} : memref<4x128xi32, #tpu.memory_space<vmem>>, vector<16xi32>,
    tpu.vector_store %arg7[%swap3A_134, %swap3A_135], %and3A_132 {strides = array<i32>} : memref<4x128xi32, #tpu.memory_space<vmem>>, vector<16xi32>,
    %get3A_137 = arith.constant 1 : i32
    %get3A_138 = arith.index_cast %get3A_137 : i32 to index
    %get3A_139 = arith.constant 32 : index
    %get3A_140 = tpu.vector_load %arg6[%get3A_138, %get3A_139] {strides = array<i32>} : memref<160x128xi32, #tpu.memory_space<vmem>>, vector<16xi32>,
    %and3A_141 = arith.constant 32767 : i32
    %and3A_142 = vector.broadcast %and3A_141 : i32 to vector<16xi32>
    %and3A_143 = arith.andi %get3A_140, %and3A_142 : vector<16xi32>
    %swap3A_144 = arith.constant 1 : i32
    %swap3A_145 = arith.index_cast %swap3A_144 : i32 to index
    %swap3A_146 = arith.constant 32 : index
    %swap3A_147 = tpu.vector_load %arg7[%swap3A_145, %swap3A_146] {strides = array<i32>} : memref<4x128xi32, #tpu.memory_space<vmem>>, vector<16xi32>,
    tpu.vector_store %arg7[%swap3A_145, %swap3A_146], %and3A_143 {strides = array<i32>} : memref<4x128xi32, #tpu.memory_space<vmem>>, vector<16xi32>,
    %get3A_148 = arith.constant 1 : i32
    %get3A_149 = arith.index_cast %get3A_148 : i32 to index
    %get3A_150 = arith.constant 48 : index
    %get3A_151 = tpu.vector_load %arg6[%get3A_149, %get3A_150] {strides = array<i32>} : memref<160x128xi32, #tpu.memory_space<vmem>>, vector<16xi32>,
    %and3A_152 = arith.constant 32767 : i32
    %and3A_153 = vector.broadcast %and3A_152 : i32 to vector<16xi32>
    %and3A_154 = arith.andi %get3A_151, %and3A_153 : vector<16xi32>
    %swap3A_155 = arith.constant 1 : i32
    %swap3A_156 = arith.index_cast %swap3A_155 : i32 to index
    %swap3A_157 = arith.constant 48 : index
    %swap3A_158 = tpu.vector_load %arg7[%swap3A_156, %swap3A_157] {strides = array<i32>} : memref<4x128xi32, #tpu.memory_space<vmem>>, vector<16xi32>,
    tpu.vector_store %arg7[%swap3A_156, %swap3A_157], %and3A_154 {strides = array<i32>} : memref<4x128xi32, #tpu.memory_space<vmem>>, vector<16xi32>,
    %get3A_159 = arith.constant 1 : i32
    %get3A_160 = arith.index_cast %get3A_159 : i32 to index
    %get3A_161 = arith.constant 64 : index
    %get3A_162 = tpu.vector_load %arg6[%get3A_160, %get3A_161] {strides = array<i32>} : memref<160x128xi32, #tpu.memory_space<vmem>>, vector<16xi32>,
    %and3A_163 = arith.constant 32767 : i32
    %and3A_164 = vector.broadcast %and3A_163 : i32 to vector<16xi32>
    %and3A_165 = arith.andi %get3A_162, %and3A_164 : vector<16xi32>
    %swap3A_166 = arith.constant 1 : i32
    %swap3A_167 = arith.index_cast %swap3A_166 : i32 to index
    %swap3A_168 = arith.constant 64 : index
    %swap3A_169 = tpu.vector_load %arg7[%swap3A_167, %swap3A_168] {strides = array<i32>} : memref<4x128xi32, #tpu.memory_space<vmem>>, vector<16xi32>,
    tpu.vector_store %arg7[%swap3A_167, %swap3A_168], %and3A_165 {strides = array<i32>} : memref<4x128xi32, #tpu.memory_space<vmem>>, vector<16xi32>,
    %get3A_170 = arith.constant 1 : i32
    %get3A_171 = arith.index_cast %get3A_170 : i32 to index
    %get3A_172 = arith.constant 80 : index
    %get3A_173 = tpu.vector_load %arg6[%get3A_171, %get3A_172] {strides = array<i32>} : memref<160x128xi32, #tpu.memory_space<vmem>>, vector<16xi32>,
    %and3A_174 = arith.constant 32767 : i32
    %and3A_175 = vector.broadcast %and3A_174 : i32 to vector<16xi32>
    %and3A_176 = arith.andi %get3A_173, %and3A_175 : vector<16xi32>
    %swap3A_177 = arith.constant 1 : i32
    %swap3A_178 = arith.index_cast %swap3A_177 : i32 to index
    %swap3A_179 = arith.constant 80 : index
    %swap3A_180 = tpu.vector_load %arg7[%swap3A_178, %swap3A_179] {strides = array<i32>} : memref<4x128xi32, #tpu.memory_space<vmem>>, vector<16xi32>,
    tpu.vector_store %arg7[%swap3A_178, %swap3A_179], %and3A_176 {strides = array<i32>} : memref<4x128xi32, #tpu.memory_space<vmem>>, vector<16xi32>,
    %get3A_181 = arith.constant 1 : i32
    %get3A_182 = arith.index_cast %get3A_181 : i32 to index
    %get3A_183 = arith.constant 96 : index
    %get3A_184 = tpu.vector_load %arg6[%get3A_182, %get3A_183] {strides = array<i32>} : memref<160x128xi32, #tpu.memory_space<vmem>>, vector<16xi32>,
    %and3A_185 = arith.constant 32767 : i32
    %and3A_186 = vector.broadcast %and3A_185 : i32 to vector<16xi32>
    %and3A_187 = arith.andi %get3A_184, %and3A_186 : vector<16xi32>
    %swap3A_188 = arith.constant 1 : i32
    %swap3A_189 = arith.index_cast %swap3A_188 : i32 to index
    %swap3A_190 = arith.constant 96 : index
    %swap3A_191 = tpu.vector_load %arg7[%swap3A_189, %swap3A_190] {strides = array<i32>} : memref<4x128xi32, #tpu.memory_space<vmem>>, vector<16xi32>,
    tpu.vector_store %arg7[%swap3A_189, %swap3A_190], %and3A_187 {strides = array<i32>} : memref<4x128xi32, #tpu.memory_space<vmem>>, vector<16xi32>,
    %get3A_192 = arith.constant 1 : i32
    %get3A_193 = arith.index_cast %get3A_192 : i32 to index
    %get3A_194 = arith.constant 112 : index
    %get3A_195 = tpu.vector_load %arg6[%get3A_193, %get3A_194] {strides = array<i32>} : memref<160x128xi32, #tpu.memory_space<vmem>>, vector<16xi32>,
    %and3A_196 = arith.constant 32767 : i32
    %and3A_197 = vector.broadcast %and3A_196 : i32 to vector<16xi32>
    %and3A_198 = arith.andi %get3A_195, %and3A_197 : vector<16xi32>
    %swap3A_199 = arith.constant 1 : i32
    %swap3A_200 = arith.index_cast %swap3A_199 : i32 to index
    %swap3A_201 = arith.constant 112 : index
    %swap3A_202 = tpu.vector_load %arg7[%swap3A_200, %swap3A_201] {strides = array<i32>} : memref<4x128xi32, #tpu.memory_space<vmem>>, vector<16xi32>,
    tpu.vector_store %arg7[%swap3A_200, %swap3A_201], %and3A_198 {strides = array<i32>} : memref<4x128xi32, #tpu.memory_space<vmem>>, vector<16xi32>,
    %dma_start3A_203 = arith.constant 1 : i32
    %dma_start3A_204 = arith.constant 0 : i32
    %dma_start3A_205 = tpu.memref_slice %arg7[%dma_start3A_203, %dma_start3A_204] : memref<4x128xi32, #tpu.memory_space<vmem>> -> memref<1x128xi32, #tpu.memory_space<vmem>>
    %dma_start3A_206 = tpu.memref_squeeze %dma_start3A_205 : memref<1x128xi32, #tpu.memory_space<vmem>> -> memref<128xi32, #tpu.memory_space<vmem>>
    %dma_start3A_207 = arith.constant 0 : i32
    %dma_start3A_208 = arith.constant 0 : i32
    %dma_start3A_209 = tpu.memref_slice %arg2[%dma_start3A_207, %dma_start3A_208] : memref<20000x64xf32, #tpu.memory_space<hbm>> -> memref<20000x64xf32, #tpu.memory_space<hbm>>
    tpu.enqueue_indirect_dma source(%dma_start3A_209 : memref<20000x64xf32, #tpu.memory_space<hbm>>) target(%arg10 : memref<128x64xf32, #tpu.memory_space<vmem>>) offsets(%dma_start3A_206 : memref<128xi32, #tpu.memory_space<vmem>>) semaphore(%arg19 : memref<!tpu.dma_semaphore, #tpu.memory_space<semaphore_mem>>)
    %scan3A_210 = arith.constant 0 : i32
    %scan3A_211 = arith.constant 0 : i32
    %scan3A_212 = arith.constant 79 : i32
    %scan3A_213 = arith.addi %scan3A_211, %scan3A_212 : i32
    %scan3A_214 = arith.constant 1 : i32
    scf.for %scan3A_236 = %scan3A_211 to %scan3A_213 step %scan3A_214  : i32 {
      %mul3A_237 = arith.constant 2 : i32
      %mul3A_238 = arith.muli %mul3A_237, %scan3A_236 : i32
      %and3A_239 = arith.constant 3 : i32
      %and3A_240 = arith.andi %mul3A_238, %and3A_239 : i32
      %dma_wait3A_241 = arith.constant 0 : i32
      %dma_wait3A_242 = tpu.memref_slice %arg7[%and3A_240, %dma_wait3A_241] : memref<4x128xi32, #tpu.memory_space<vmem>> -> memref<1x128xi32, #tpu.memory_space<vmem>>
      %dma_wait3A_243 = tpu.memref_squeeze %dma_wait3A_242 : memref<1x128xi32, #tpu.memory_space<vmem>> -> memref<128xi32, #tpu.memory_space<vmem>>
      %dma_wait3A_244 = arith.constant 0 : i32
      %dma_wait3A_245 = arith.constant 0 : i32
      %dma_wait3A_246 = tpu.memref_slice %arg2[%dma_wait3A_244, %dma_wait3A_245] : memref<20000x64xf32, #tpu.memory_space<hbm>> -> memref<20000x64xf32, #tpu.memory_space<hbm>>
      tpu.wait_indirect_dma semaphore(%arg18 : memref<!tpu.dma_semaphore, #tpu.memory_space<semaphore_mem>>) src(%dma_wait3A_246 : memref<20000x64xf32, #tpu.memory_space<hbm>>) dst(%arg9 : memref<128x64xf32, #tpu.memory_space<vmem>>)
      %get3A_247 = arith.index_cast %mul3A_238 : i32 to index
      %get3A_248 = arith.constant 0 : index
      %get3A_249 = tpu.vector_load %arg6[%get3A_247, %get3A_248] {strides = array<i32>} : memref<160x128xi32, #tpu.memory_space<vmem>>, vector<16xi32>,
      %shift_right_logical3A = arith.constant 15 : i32
      %shift_right_logical3A_250 = vector.broadcast %shift_right_logical3A : i32 to vector<16xi32>
      %shift_right_logical3A_251 = arith.shrui %get3A_249, %shift_right_logical3A_250 : vector<16xi32>
      %swap3A_252 = arith.constant 0 : i32
      %swap3A_253 = arith.index_cast %swap3A_252 : i32 to index
      %swap3A_254 = arith.constant 0 : index
      %swap3A_255 = tpu.vector_load %arg8[%swap3A_253, %swap3A_254] {strides = array<i32>} : memref<2x128xi32, #tpu.memory_space<vmem>>, vector<16xi32>,
      tpu.vector_store %arg8[%swap3A_253, %swap3A_254], %shift_right_logical3A_251 {strides = array<i32>} : memref<2x128xi32, #tpu.memory_space<vmem>>, vector<16xi32>,
      tpu.vector_store_idx %arg14[%shift_right_logical3A_251], %broadcast_in_dim3A_2 {add = true} : memref<10240xf32, #tpu.memory_space<vmem>>[vector<16xi32>], vector<16xf32>,
      %get3A_256 = arith.index_cast %mul3A_238 : i32 to index
      %get3A_257 = arith.constant 16 : index
      %get3A_258 = tpu.vector_load %arg6[%get3A_256, %get3A_257] {strides = array<i32>} : memref<160x128xi32, #tpu.memory_space<vmem>>, vector<16xi32>,
      %shift_right_logical3A_259 = arith.constant 15 : i32
      %shift_right_logical3A_260 = vector.broadcast %shift_right_logical3A_259 : i32 to vector<16xi32>
      %shift_right_logical3A_261 = arith.shrui %get3A_258, %shift_right_logical3A_260 : vector<16xi32>
      %swap3A_262 = arith.constant 0 : i32
      %swap3A_263 = arith.index_cast %swap3A_262 : i32 to index
      %swap3A_264 = arith.constant 16 : index
      %swap3A_265 = tpu.vector_load %arg8[%swap3A_263, %swap3A_264] {strides = array<i32>} : memref<2x128xi32, #tpu.memory_space<vmem>>, vector<16xi32>,
      tpu.vector_store %arg8[%swap3A_263, %swap3A_264], %shift_right_logical3A_261 {strides = array<i32>} : memref<2x128xi32, #tpu.memory_space<vmem>>, vector<16xi32>,
      tpu.vector_store_idx %arg14[%shift_right_logical3A_261], %broadcast_in_dim3A_2 {add = true} : memref<10240xf32, #tpu.memory_space<vmem>>[vector<16xi32>], vector<16xf32>,
      %get3A_266 = arith.index_cast %mul3A_238 : i32 to index
      %get3A_267 = arith.constant 32 : index
      %get3A_268 = tpu.vector_load %arg6[%get3A_266, %get3A_267] {strides = array<i32>} : memref<160x128xi32, #tpu.memory_space<vmem>>, vector<16xi32>,
      %shift_right_logical3A_269 = arith.constant 15 : i32
      %shift_right_logical3A_270 = vector.broadcast %shift_right_logical3A_269 : i32 to vector<16xi32>
      %shift_right_logical3A_271 = arith.shrui %get3A_268, %shift_right_logical3A_270 : vector<16xi32>
      %swap3A_272 = arith.constant 0 : i32
      %swap3A_273 = arith.index_cast %swap3A_272 : i32 to index
      %swap3A_274 = arith.constant 32 : index
      %swap3A_275 = tpu.vector_load %arg8[%swap3A_273, %swap3A_274] {strides = array<i32>} : memref<2x128xi32, #tpu.memory_space<vmem>>, vector<16xi32>,
      tpu.vector_store %arg8[%swap3A_273, %swap3A_274], %shift_right_logical3A_271 {strides = array<i32>} : memref<2x128xi32, #tpu.memory_space<vmem>>, vector<16xi32>,
      tpu.vector_store_idx %arg14[%shift_right_logical3A_271], %broadcast_in_dim3A_2 {add = true} : memref<10240xf32, #tpu.memory_space<vmem>>[vector<16xi32>], vector<16xf32>,
      %get3A_276 = arith.index_cast %mul3A_238 : i32 to index
      %get3A_277 = arith.constant 48 : index
      %get3A_278 = tpu.vector_load %arg6[%get3A_276, %get3A_277] {strides = array<i32>} : memref<160x128xi32, #tpu.memory_space<vmem>>, vector<16xi32>,
      %shift_right_logical3A_279 = arith.constant 15 : i32
      %shift_right_logical3A_280 = vector.broadcast %shift_right_logical3A_279 : i32 to vector<16xi32>
      %shift_right_logical3A_281 = arith.shrui %get3A_278, %shift_right_logical3A_280 : vector<16xi32>
      %swap3A_282 = arith.constant 0 : i32
      %swap3A_283 = arith.index_cast %swap3A_282 : i32 to index
      %swap3A_284 = arith.constant 48 : index
      %swap3A_285 = tpu.vector_load %arg8[%swap3A_283, %swap3A_284] {strides = array<i32>} : memref<2x128xi32, #tpu.memory_space<vmem>>, vector<16xi32>,
      tpu.vector_store %arg8[%swap3A_283, %swap3A_284], %shift_right_logical3A_281 {strides = array<i32>} : memref<2x128xi32, #tpu.memory_space<vmem>>, vector<16xi32>,
      tpu.vector_store_idx %arg14[%shift_right_logical3A_281], %broadcast_in_dim3A_2 {add = true} : memref<10240xf32, #tpu.memory_space<vmem>>[vector<16xi32>], vector<16xf32>,
      %get3A_286 = arith.index_cast %mul3A_238 : i32 to index
      %get3A_287 = arith.constant 64 : index
      %get3A_288 = tpu.vector_load %arg6[%get3A_286, %get3A_287] {strides = array<i32>} : memref<160x128xi32, #tpu.memory_space<vmem>>, vector<16xi32>,
      %shift_right_logical3A_289 = arith.constant 15 : i32
      %shift_right_logical3A_290 = vector.broadcast %shift_right_logical3A_289 : i32 to vector<16xi32>
      %shift_right_logical3A_291 = arith.shrui %get3A_288, %shift_right_logical3A_290 : vector<16xi32>
      %swap3A_292 = arith.constant 0 : i32
      %swap3A_293 = arith.index_cast %swap3A_292 : i32 to index
      %swap3A_294 = arith.constant 64 : index
      %swap3A_295 = tpu.vector_load %arg8[%swap3A_293, %swap3A_294] {strides = array<i32>} : memref<2x128xi32, #tpu.memory_space<vmem>>, vector<16xi32>,
      tpu.vector_store %arg8[%swap3A_293, %swap3A_294], %shift_right_logical3A_291 {strides = array<i32>} : memref<2x128xi32, #tpu.memory_space<vmem>>, vector<16xi32>,
      tpu.vector_store_idx %arg14[%shift_right_logical3A_291], %broadcast_in_dim3A_2 {add = true} : memref<10240xf32, #tpu.memory_space<vmem>>[vector<16xi32>], vector<16xf32>,
      %get3A_296 = arith.index_cast %mul3A_238 : i32 to index
      %get3A_297 = arith.constant 80 : index
      %get3A_298 = tpu.vector_load %arg6[%get3A_296, %get3A_297] {strides = array<i32>} : memref<160x128xi32, #tpu.memory_space<vmem>>, vector<16xi32>,
      %shift_right_logical3A_299 = arith.constant 15 : i32
      %shift_right_logical3A_300 = vector.broadcast %shift_right_logical3A_299 : i32 to vector<16xi32>
      %shift_right_logical3A_301 = arith.shrui %get3A_298, %shift_right_logical3A_300 : vector<16xi32>
      %swap3A_302 = arith.constant 0 : i32
      %swap3A_303 = arith.index_cast %swap3A_302 : i32 to index
      %swap3A_304 = arith.constant 80 : index
      %swap3A_305 = tpu.vector_load %arg8[%swap3A_303, %swap3A_304] {strides = array<i32>} : memref<2x128xi32, #tpu.memory_space<vmem>>, vector<16xi32>,
      tpu.vector_store %arg8[%swap3A_303, %swap3A_304], %shift_right_logical3A_301 {strides = array<i32>} : memref<2x128xi32, #tpu.memory_space<vmem>>, vector<16xi32>,
      tpu.vector_store_idx %arg14[%shift_right_logical3A_301], %broadcast_in_dim3A_2 {add = true} : memref<10240xf32, #tpu.memory_space<vmem>>[vector<16xi32>], vector<16xf32>,
      %get3A_306 = arith.index_cast %mul3A_238 : i32 to index
      %get3A_307 = arith.constant 96 : index
      %get3A_308 = tpu.vector_load %arg6[%get3A_306, %get3A_307] {strides = array<i32>} : memref<160x128xi32, #tpu.memory_space<vmem>>, vector<16xi32>,
      %shift_right_logical3A_309 = arith.constant 15 : i32
      %shift_right_logical3A_310 = vector.broadcast %shift_right_logical3A_309 : i32 to vector<16xi32>
      %shift_right_logical3A_311 = arith.shrui %get3A_308, %shift_right_logical3A_310 : vector<16xi32>
      %swap3A_312 = arith.constant 0 : i32
      %swap3A_313 = arith.index_cast %swap3A_312 : i32 to index
      %swap3A_314 = arith.constant 96 : index
      %swap3A_315 = tpu.vector_load %arg8[%swap3A_313, %swap3A_314] {strides = array<i32>} : memref<2x128xi32, #tpu.memory_space<vmem>>, vector<16xi32>,
      tpu.vector_store %arg8[%swap3A_313, %swap3A_314], %shift_right_logical3A_311 {strides = array<i32>} : memref<2x128xi32, #tpu.memory_space<vmem>>, vector<16xi32>,
      tpu.vector_store_idx %arg14[%shift_right_logical3A_311], %broadcast_in_dim3A_2 {add = true} : memref<10240xf32, #tpu.memory_space<vmem>>[vector<16xi32>], vector<16xf32>,
      %get3A_316 = arith.index_cast %mul3A_238 : i32 to index
      %get3A_317 = arith.constant 112 : index
      %get3A_318 = tpu.vector_load %arg6[%get3A_316, %get3A_317] {strides = array<i32>} : memref<160x128xi32, #tpu.memory_space<vmem>>, vector<16xi32>,
      %shift_right_logical3A_319 = arith.constant 15 : i32
      %shift_right_logical3A_320 = vector.broadcast %shift_right_logical3A_319 : i32 to vector<16xi32>
      %shift_right_logical3A_321 = arith.shrui %get3A_318, %shift_right_logical3A_320 : vector<16xi32>
      %swap3A_322 = arith.constant 0 : i32
      %swap3A_323 = arith.index_cast %swap3A_322 : i32 to index
      %swap3A_324 = arith.constant 112 : index
      %swap3A_325 = tpu.vector_load %arg8[%swap3A_323, %swap3A_324] {strides = array<i32>} : memref<2x128xi32, #tpu.memory_space<vmem>>, vector<16xi32>,
      tpu.vector_store %arg8[%swap3A_323, %swap3A_324], %shift_right_logical3A_321 {strides = array<i32>} : memref<2x128xi32, #tpu.memory_space<vmem>>, vector<16xi32>,
      tpu.vector_store_idx %arg14[%shift_right_logical3A_321], %broadcast_in_dim3A_2 {add = true} : memref<10240xf32, #tpu.memory_space<vmem>>[vector<16xi32>], vector<16xf32>,
      %run_scoped3A = arith.constant 0 : i32
      "tpu.region"() ({
        %run_scoped3A_595 = tpu.sem_alloc : memref<!tpu.dma_semaphore, #tpu.memory_space<semaphore_mem>>
        %dma_start3A_596 = arith.constant 0 : i32
        %dma_start3A_597 = tpu.memref_slice %arg8[%run_scoped3A, %dma_start3A_596] : memref<2x128xi32, #tpu.memory_space<vmem>> -> memref<1x128xi32, #tpu.memory_space<vmem>>
        %dma_start3A_598 = tpu.memref_squeeze %dma_start3A_597 : memref<1x128xi32, #tpu.memory_space<vmem>> -> memref<128xi32, #tpu.memory_space<vmem>>
        %dma_start3A_599 = arith.constant 0 : i32
        %dma_start3A_600 = arith.constant 0 : i32
        %dma_start3A_601 = tpu.memref_slice %arg17[%dma_start3A_599, %dma_start3A_600] : memref<10240x64xf32, #tpu.memory_space<vmem_shared>> -> memref<10240x64xf32, #tpu.memory_space<vmem_shared>>
        tpu.enqueue_indirect_dma source(%arg9 : memref<128x64xf32, #tpu.memory_space<vmem>>) target(%dma_start3A_601 : memref<10240x64xf32, #tpu.memory_space<vmem_shared>>) offsets(%dma_start3A_598 : memref<128xi32, #tpu.memory_space<vmem>>) semaphore(%run_scoped3A_595 : memref<!tpu.dma_semaphore, #tpu.memory_space<semaphore_mem>>) {add = true}
        %dma_wait3A_602 = arith.constant 0 : i32
        %dma_wait3A_603 = tpu.memref_slice %arg8[%run_scoped3A, %dma_wait3A_602] : memref<2x128xi32, #tpu.memory_space<vmem>> -> memref<1x128xi32, #tpu.memory_space<vmem>>
        %dma_wait3A_604 = tpu.memref_squeeze %dma_wait3A_603 : memref<1x128xi32, #tpu.memory_space<vmem>> -> memref<128xi32, #tpu.memory_space<vmem>>
        %dma_wait3A_605 = arith.constant 0 : i32
        %dma_wait3A_606 = arith.constant 0 : i32
        %dma_wait3A_607 = tpu.memref_slice %arg17[%dma_wait3A_605, %dma_wait3A_606] : memref<10240x64xf32, #tpu.memory_space<vmem_shared>> -> memref<10240x64xf32, #tpu.memory_space<vmem_shared>>
        tpu.wait_indirect_dma semaphore(%run_scoped3A_595 : memref<!tpu.dma_semaphore, #tpu.memory_space<semaphore_mem>>) src(%arg9 : memref<128x64xf32, #tpu.memory_space<vmem>>) dst(%dma_wait3A_607 : memref<10240x64xf32, #tpu.memory_space<vmem_shared>>)
        tpu.yield
      }) : () -> ()
      %add3A_326 = arith.constant 2 : i32
      %add3A_327 = arith.addi %mul3A_238, %add3A_326 : i32
      %add3A_328 = arith.constant 2 : i32
      %add3A_329 = arith.addi %mul3A_238, %add3A_328 : i32
      %and3A_330 = arith.constant 3 : i32
      %and3A_331 = arith.andi %add3A_329, %and3A_330 : i32
      %get3A_332 = arith.index_cast %add3A_327 : i32 to index
      %get3A_333 = arith.constant 0 : index
      %get3A_334 = tpu.vector_load %arg6[%get3A_332, %get3A_333] {strides = array<i32>} : memref<160x128xi32, #tpu.memory_space<vmem>>, vector<16xi32>,
      %and3A_335 = arith.constant 32767 : i32
      %and3A_336 = vector.broadcast %and3A_335 : i32 to vector<16xi32>
      %and3A_337 = arith.andi %get3A_334, %and3A_336 : vector<16xi32>
      %swap3A_338 = arith.index_cast %and3A_331 : i32 to index
      %swap3A_339 = arith.constant 0 : index
      %swap3A_340 = tpu.vector_load %arg7[%swap3A_338, %swap3A_339] {strides = array<i32>} : memref<4x128xi32, #tpu.memory_space<vmem>>, vector<16xi32>,
      tpu.vector_store %arg7[%swap3A_338, %swap3A_339], %and3A_337 {strides = array<i32>} : memref<4x128xi32, #tpu.memory_space<vmem>>, vector<16xi32>,
      %get3A_341 = arith.index_cast %add3A_327 : i32 to index
      %get3A_342 = arith.constant 16 : index
      %get3A_343 = tpu.vector_load %arg6[%get3A_341, %get3A_342] {strides = array<i32>} : memref<160x128xi32, #tpu.memory_space<vmem>>, vector<16xi32>,
      %and3A_344 = arith.constant 32767 : i32
      %and3A_345 = vector.broadcast %and3A_344 : i32 to vector<16xi32>
      %and3A_346 = arith.andi %get3A_343, %and3A_345 : vector<16xi32>
      %swap3A_347 = arith.index_cast %and3A_331 : i32 to index
      %swap3A_348 = arith.constant 16 : index
      %swap3A_349 = tpu.vector_load %arg7[%swap3A_347, %swap3A_348] {strides = array<i32>} : memref<4x128xi32, #tpu.memory_space<vmem>>, vector<16xi32>,
      tpu.vector_store %arg7[%swap3A_347, %swap3A_348], %and3A_346 {strides = array<i32>} : memref<4x128xi32, #tpu.memory_space<vmem>>, vector<16xi32>,
      %get3A_350 = arith.index_cast %add3A_327 : i32 to index
      %get3A_351 = arith.constant 32 : index
      %get3A_352 = tpu.vector_load %arg6[%get3A_350, %get3A_351] {strides = array<i32>} : memref<160x128xi32, #tpu.memory_space<vmem>>, vector<16xi32>,
      %and3A_353 = arith.constant 32767 : i32
      %and3A_354 = vector.broadcast %and3A_353 : i32 to vector<16xi32>
      %and3A_355 = arith.andi %get3A_352, %and3A_354 : vector<16xi32>
      %swap3A_356 = arith.index_cast %and3A_331 : i32 to index
      %swap3A_357 = arith.constant 32 : index
      %swap3A_358 = tpu.vector_load %arg7[%swap3A_356, %swap3A_357] {strides = array<i32>} : memref<4x128xi32, #tpu.memory_space<vmem>>, vector<16xi32>,
      tpu.vector_store %arg7[%swap3A_356, %swap3A_357], %and3A_355 {strides = array<i32>} : memref<4x128xi32, #tpu.memory_space<vmem>>, vector<16xi32>,
      %get3A_359 = arith.index_cast %add3A_327 : i32 to index
      %get3A_360 = arith.constant 48 : index
      %get3A_361 = tpu.vector_load %arg6[%get3A_359, %get3A_360] {strides = array<i32>} : memref<160x128xi32, #tpu.memory_space<vmem>>, vector<16xi32>,
      %and3A_362 = arith.constant 32767 : i32
      %and3A_363 = vector.broadcast %and3A_362 : i32 to vector<16xi32>
      %and3A_364 = arith.andi %get3A_361, %and3A_363 : vector<16xi32>
      %swap3A_365 = arith.index_cast %and3A_331 : i32 to index
      %swap3A_366 = arith.constant 48 : index
      %swap3A_367 = tpu.vector_load %arg7[%swap3A_365, %swap3A_366] {strides = array<i32>} : memref<4x128xi32, #tpu.memory_space<vmem>>, vector<16xi32>,
      tpu.vector_store %arg7[%swap3A_365, %swap3A_366], %and3A_364 {strides = array<i32>} : memref<4x128xi32, #tpu.memory_space<vmem>>, vector<16xi32>,
      %get3A_368 = arith.index_cast %add3A_327 : i32 to index
      %get3A_369 = arith.constant 64 : index
      %get3A_370 = tpu.vector_load %arg6[%get3A_368, %get3A_369] {strides = array<i32>} : memref<160x128xi32, #tpu.memory_space<vmem>>, vector<16xi32>,
      %and3A_371 = arith.constant 32767 : i32
      %and3A_372 = vector.broadcast %and3A_371 : i32 to vector<16xi32>
      %and3A_373 = arith.andi %get3A_370, %and3A_372 : vector<16xi32>
      %swap3A_374 = arith.index_cast %and3A_331 : i32 to index
      %swap3A_375 = arith.constant 64 : index
      %swap3A_376 = tpu.vector_load %arg7[%swap3A_374, %swap3A_375] {strides = array<i32>} : memref<4x128xi32, #tpu.memory_space<vmem>>, vector<16xi32>,
      tpu.vector_store %arg7[%swap3A_374, %swap3A_375], %and3A_373 {strides = array<i32>} : memref<4x128xi32, #tpu.memory_space<vmem>>, vector<16xi32>,
      %get3A_377 = arith.index_cast %add3A_327 : i32 to index
      %get3A_378 = arith.constant 80 : index
      %get3A_379 = tpu.vector_load %arg6[%get3A_377, %get3A_378] {strides = array<i32>} : memref<160x128xi32, #tpu.memory_space<vmem>>, vector<16xi32>,
      %and3A_380 = arith.constant 32767 : i32
      %and3A_381 = vector.broadcast %and3A_380 : i32 to vector<16xi32>
      %and3A_382 = arith.andi %get3A_379, %and3A_381 : vector<16xi32>
      %swap3A_383 = arith.index_cast %and3A_331 : i32 to index
      %swap3A_384 = arith.constant 80 : index
      %swap3A_385 = tpu.vector_load %arg7[%swap3A_383, %swap3A_384] {strides = array<i32>} : memref<4x128xi32, #tpu.memory_space<vmem>>, vector<16xi32>,
      tpu.vector_store %arg7[%swap3A_383, %swap3A_384], %and3A_382 {strides = array<i32>} : memref<4x128xi32, #tpu.memory_space<vmem>>, vector<16xi32>,
      %get3A_386 = arith.index_cast %add3A_327 : i32 to index
      %get3A_387 = arith.constant 96 : index
      %get3A_388 = tpu.vector_load %arg6[%get3A_386, %get3A_387] {strides = array<i32>} : memref<160x128xi32, #tpu.memory_space<vmem>>, vector<16xi32>,
      %and3A_389 = arith.constant 32767 : i32
      %and3A_390 = vector.broadcast %and3A_389 : i32 to vector<16xi32>
      %and3A_391 = arith.andi %get3A_388, %and3A_390 : vector<16xi32>
      %swap3A_392 = arith.index_cast %and3A_331 : i32 to index
      %swap3A_393 = arith.constant 96 : index
      %swap3A_394 = tpu.vector_load %arg7[%swap3A_392, %swap3A_393] {strides = array<i32>} : memref<4x128xi32, #tpu.memory_space<vmem>>, vector<16xi32>,
      tpu.vector_store %arg7[%swap3A_392, %swap3A_393], %and3A_391 {strides = array<i32>} : memref<4x128xi32, #tpu.memory_space<vmem>>, vector<16xi32>,
      %get3A_395 = arith.index_cast %add3A_327 : i32 to index
      %get3A_396 = arith.constant 112 : index
      %get3A_397 = tpu.vector_load %arg6[%get3A_395, %get3A_396] {strides = array<i32>} : memref<160x128xi32, #tpu.memory_space<vmem>>, vector<16xi32>,
      %and3A_398 = arith.constant 32767 : i32
      %and3A_399 = vector.broadcast %and3A_398 : i32 to vector<16xi32>
      %and3A_400 = arith.andi %get3A_397, %and3A_399 : vector<16xi32>
      %swap3A_401 = arith.index_cast %and3A_331 : i32 to index
      %swap3A_402 = arith.constant 112 : index
      %swap3A_403 = tpu.vector_load %arg7[%swap3A_401, %swap3A_402] {strides = array<i32>} : memref<4x128xi32, #tpu.memory_space<vmem>>, vector<16xi32>,
      tpu.vector_store %arg7[%swap3A_401, %swap3A_402], %and3A_400 {strides = array<i32>} : memref<4x128xi32, #tpu.memory_space<vmem>>, vector<16xi32>,
      %add3A_404 = arith.constant 2 : i32
      %add3A_405 = arith.addi %mul3A_238, %add3A_404 : i32
      %and3A_406 = arith.constant 3 : i32
      %and3A_407 = arith.andi %add3A_405, %and3A_406 : i32
      %dma_start3A_408 = arith.constant 0 : i32
      %dma_start3A_409 = tpu.memref_slice %arg7[%and3A_407, %dma_start3A_408] : memref<4x128xi32, #tpu.memory_space<vmem>> -> memref<1x128xi32, #tpu.memory_space<vmem>>
      %dma_start3A_410 = tpu.memref_squeeze %dma_start3A_409 : memref<1x128xi32, #tpu.memory_space<vmem>> -> memref<128xi32, #tpu.memory_space<vmem>>
      %dma_start3A_411 = arith.constant 0 : i32
      %dma_start3A_412 = arith.constant 0 : i32
      %dma_start3A_413 = tpu.memref_slice %arg2[%dma_start3A_411, %dma_start3A_412] : memref<20000x64xf32, #tpu.memory_space<hbm>> -> memref<20000x64xf32, #tpu.memory_space<hbm>>
      tpu.enqueue_indirect_dma source(%dma_start3A_413 : memref<20000x64xf32, #tpu.memory_space<hbm>>) target(%arg9 : memref<128x64xf32, #tpu.memory_space<vmem>>) offsets(%dma_start3A_410 : memref<128xi32, #tpu.memory_space<vmem>>) semaphore(%arg18 : memref<!tpu.dma_semaphore, #tpu.memory_space<semaphore_mem>>)
      %add3A_414 = arith.constant 1 : i32
      %add3A_415 = arith.addi %mul3A_238, %add3A_414 : i32
      %and3A_416 = arith.constant 3 : i32
      %and3A_417 = arith.andi %add3A_415, %and3A_416 : i32
      %dma_wait3A_418 = arith.constant 0 : i32
      %dma_wait3A_419 = tpu.memref_slice %arg7[%and3A_417, %dma_wait3A_418] : memref<4x128xi32, #tpu.memory_space<vmem>> -> memref<1x128xi32, #tpu.memory_space<vmem>>
      %dma_wait3A_420 = tpu.memref_squeeze %dma_wait3A_419 : memref<1x128xi32, #tpu.memory_space<vmem>> -> memref<128xi32, #tpu.memory_space<vmem>>
      %dma_wait3A_421 = arith.constant 0 : i32
      %dma_wait3A_422 = arith.constant 0 : i32
      %dma_wait3A_423 = tpu.memref_slice %arg2[%dma_wait3A_421, %dma_wait3A_422] : memref<20000x64xf32, #tpu.memory_space<hbm>> -> memref<20000x64xf32, #tpu.memory_space<hbm>>
      tpu.wait_indirect_dma semaphore(%arg19 : memref<!tpu.dma_semaphore, #tpu.memory_space<semaphore_mem>>) src(%dma_wait3A_423 : memref<20000x64xf32, #tpu.memory_space<hbm>>) dst(%arg10 : memref<128x64xf32, #tpu.memory_space<vmem>>)
      %add3A_424 = arith.constant 1 : i32
      %add3A_425 = arith.addi %mul3A_238, %add3A_424 : i32
      %get3A_426 = arith.index_cast %add3A_425 : i32 to index
      %get3A_427 = arith.constant 0 : index
      %get3A_428 = tpu.vector_load %arg6[%get3A_426, %get3A_427] {strides = array<i32>} : memref<160x128xi32, #tpu.memory_space<vmem>>, vector<16xi32>,
      %shift_right_logical3A_429 = arith.constant 15 : i32
      %shift_right_logical3A_430 = vector.broadcast %shift_right_logical3A_429 : i32 to vector<16xi32>
      %shift_right_logical3A_431 = arith.shrui %get3A_428, %shift_right_logical3A_430 : vector<16xi32>
      %swap3A_432 = arith.constant 1 : i32
      %swap3A_433 = arith.index_cast %swap3A_432 : i32 to index
      %swap3A_434 = arith.constant 0 : index
      %swap3A_435 = tpu.vector_load %arg8[%swap3A_433, %swap3A_434] {strides = array<i32>} : memref<2x128xi32, #tpu.memory_space<vmem>>, vector<16xi32>,
      tpu.vector_store %arg8[%swap3A_433, %swap3A_434], %shift_right_logical3A_431 {strides = array<i32>} : memref<2x128xi32, #tpu.memory_space<vmem>>, vector<16xi32>,
      tpu.vector_store_idx %arg14[%shift_right_logical3A_431], %broadcast_in_dim3A_2 {add = true} : memref<10240xf32, #tpu.memory_space<vmem>>[vector<16xi32>], vector<16xf32>,
      %get3A_436 = arith.index_cast %add3A_425 : i32 to index
      %get3A_437 = arith.constant 16 : index
      %get3A_438 = tpu.vector_load %arg6[%get3A_436, %get3A_437] {strides = array<i32>} : memref<160x128xi32, #tpu.memory_space<vmem>>, vector<16xi32>,
      %shift_right_logical3A_439 = arith.constant 15 : i32
      %shift_right_logical3A_440 = vector.broadcast %shift_right_logical3A_439 : i32 to vector<16xi32>
      %shift_right_logical3A_441 = arith.shrui %get3A_438, %shift_right_logical3A_440 : vector<16xi32>
      %swap3A_442 = arith.constant 1 : i32
      %swap3A_443 = arith.index_cast %swap3A_442 : i32 to index
      %swap3A_444 = arith.constant 16 : index
      %swap3A_445 = tpu.vector_load %arg8[%swap3A_443, %swap3A_444] {strides = array<i32>} : memref<2x128xi32, #tpu.memory_space<vmem>>, vector<16xi32>,
      tpu.vector_store %arg8[%swap3A_443, %swap3A_444], %shift_right_logical3A_441 {strides = array<i32>} : memref<2x128xi32, #tpu.memory_space<vmem>>, vector<16xi32>,
      tpu.vector_store_idx %arg14[%shift_right_logical3A_441], %broadcast_in_dim3A_2 {add = true} : memref<10240xf32, #tpu.memory_space<vmem>>[vector<16xi32>], vector<16xf32>,
      %get3A_446 = arith.index_cast %add3A_425 : i32 to index
      %get3A_447 = arith.constant 32 : index
      %get3A_448 = tpu.vector_load %arg6[%get3A_446, %get3A_447] {strides = array<i32>} : memref<160x128xi32, #tpu.memory_space<vmem>>, vector<16xi32>,
      %shift_right_logical3A_449 = arith.constant 15 : i32
      %shift_right_logical3A_450 = vector.broadcast %shift_right_logical3A_449 : i32 to vector<16xi32>
      %shift_right_logical3A_451 = arith.shrui %get3A_448, %shift_right_logical3A_450 : vector<16xi32>
      %swap3A_452 = arith.constant 1 : i32
      %swap3A_453 = arith.index_cast %swap3A_452 : i32 to index
      %swap3A_454 = arith.constant 32 : index
      %swap3A_455 = tpu.vector_load %arg8[%swap3A_453, %swap3A_454] {strides = array<i32>} : memref<2x128xi32, #tpu.memory_space<vmem>>, vector<16xi32>,
      tpu.vector_store %arg8[%swap3A_453, %swap3A_454], %shift_right_logical3A_451 {strides = array<i32>} : memref<2x128xi32, #tpu.memory_space<vmem>>, vector<16xi32>,
      tpu.vector_store_idx %arg14[%shift_right_logical3A_451], %broadcast_in_dim3A_2 {add = true} : memref<10240xf32, #tpu.memory_space<vmem>>[vector<16xi32>], vector<16xf32>,
      %get3A_456 = arith.index_cast %add3A_425 : i32 to index
      %get3A_457 = arith.constant 48 : index
      %get3A_458 = tpu.vector_load %arg6[%get3A_456, %get3A_457] {strides = array<i32>} : memref<160x128xi32, #tpu.memory_space<vmem>>, vector<16xi32>,
      %shift_right_logical3A_459 = arith.constant 15 : i32
      %shift_right_logical3A_460 = vector.broadcast %shift_right_logical3A_459 : i32 to vector<16xi32>
      %shift_right_logical3A_461 = arith.shrui %get3A_458, %shift_right_logical3A_460 : vector<16xi32>
      %swap3A_462 = arith.constant 1 : i32
      %swap3A_463 = arith.index_cast %swap3A_462 : i32 to index
      %swap3A_464 = arith.constant 48 : index
      %swap3A_465 = tpu.vector_load %arg8[%swap3A_463, %swap3A_464] {strides = array<i32>} : memref<2x128xi32, #tpu.memory_space<vmem>>, vector<16xi32>,
      tpu.vector_store %arg8[%swap3A_463, %swap3A_464], %shift_right_logical3A_461 {strides = array<i32>} : memref<2x128xi32, #tpu.memory_space<vmem>>, vector<16xi32>,
      tpu.vector_store_idx %arg14[%shift_right_logical3A_461], %broadcast_in_dim3A_2 {add = true} : memref<10240xf32, #tpu.memory_space<vmem>>[vector<16xi32>], vector<16xf32>,
      %get3A_466 = arith.index_cast %add3A_425 : i32 to index
      %get3A_467 = arith.constant 64 : index
      %get3A_468 = tpu.vector_load %arg6[%get3A_466, %get3A_467] {strides = array<i32>} : memref<160x128xi32, #tpu.memory_space<vmem>>, vector<16xi32>,
      %shift_right_logical3A_469 = arith.constant 15 : i32
      %shift_right_logical3A_470 = vector.broadcast %shift_right_logical3A_469 : i32 to vector<16xi32>
      %shift_right_logical3A_471 = arith.shrui %get3A_468, %shift_right_logical3A_470 : vector<16xi32>
      %swap3A_472 = arith.constant 1 : i32
      %swap3A_473 = arith.index_cast %swap3A_472 : i32 to index
      %swap3A_474 = arith.constant 64 : index
      %swap3A_475 = tpu.vector_load %arg8[%swap3A_473, %swap3A_474] {strides = array<i32>} : memref<2x128xi32, #tpu.memory_space<vmem>>, vector<16xi32>,
      tpu.vector_store %arg8[%swap3A_473, %swap3A_474], %shift_right_logical3A_471 {strides = array<i32>} : memref<2x128xi32, #tpu.memory_space<vmem>>, vector<16xi32>,
      tpu.vector_store_idx %arg14[%shift_right_logical3A_471], %broadcast_in_dim3A_2 {add = true} : memref<10240xf32, #tpu.memory_space<vmem>>[vector<16xi32>], vector<16xf32>,
      %get3A_476 = arith.index_cast %add3A_425 : i32 to index
      %get3A_477 = arith.constant 80 : index
      %get3A_478 = tpu.vector_load %arg6[%get3A_476, %get3A_477] {strides = array<i32>} : memref<160x128xi32, #tpu.memory_space<vmem>>, vector<16xi32>,
      %shift_right_logical3A_479 = arith.constant 15 : i32
      %shift_right_logical3A_480 = vector.broadcast %shift_right_logical3A_479 : i32 to vector<16xi32>
      %shift_right_logical3A_481 = arith.shrui %get3A_478, %shift_right_logical3A_480 : vector<16xi32>
      %swap3A_482 = arith.constant 1 : i32
      %swap3A_483 = arith.index_cast %swap3A_482 : i32 to index
      %swap3A_484 = arith.constant 80 : index
      %swap3A_485 = tpu.vector_load %arg8[%swap3A_483, %swap3A_484] {strides = array<i32>} : memref<2x128xi32, #tpu.memory_space<vmem>>, vector<16xi32>,
      tpu.vector_store %arg8[%swap3A_483, %swap3A_484], %shift_right_logical3A_481 {strides = array<i32>} : memref<2x128xi32, #tpu.memory_space<vmem>>, vector<16xi32>,
      tpu.vector_store_idx %arg14[%shift_right_logical3A_481], %broadcast_in_dim3A_2 {add = true} : memref<10240xf32, #tpu.memory_space<vmem>>[vector<16xi32>], vector<16xf32>,
      %get3A_486 = arith.index_cast %add3A_425 : i32 to index
      %get3A_487 = arith.constant 96 : index
      %get3A_488 = tpu.vector_load %arg6[%get3A_486, %get3A_487] {strides = array<i32>} : memref<160x128xi32, #tpu.memory_space<vmem>>, vector<16xi32>,
      %shift_right_logical3A_489 = arith.constant 15 : i32
      %shift_right_logical3A_490 = vector.broadcast %shift_right_logical3A_489 : i32 to vector<16xi32>
      %shift_right_logical3A_491 = arith.shrui %get3A_488, %shift_right_logical3A_490 : vector<16xi32>
      %swap3A_492 = arith.constant 1 : i32
      %swap3A_493 = arith.index_cast %swap3A_492 : i32 to index
      %swap3A_494 = arith.constant 96 : index
      %swap3A_495 = tpu.vector_load %arg8[%swap3A_493, %swap3A_494] {strides = array<i32>} : memref<2x128xi32, #tpu.memory_space<vmem>>, vector<16xi32>,
      tpu.vector_store %arg8[%swap3A_493, %swap3A_494], %shift_right_logical3A_491 {strides = array<i32>} : memref<2x128xi32, #tpu.memory_space<vmem>>, vector<16xi32>,
      tpu.vector_store_idx %arg14[%shift_right_logical3A_491], %broadcast_in_dim3A_2 {add = true} : memref<10240xf32, #tpu.memory_space<vmem>>[vector<16xi32>], vector<16xf32>,
      %get3A_496 = arith.index_cast %add3A_425 : i32 to index
      %get3A_497 = arith.constant 112 : index
      %get3A_498 = tpu.vector_load %arg6[%get3A_496, %get3A_497] {strides = array<i32>} : memref<160x128xi32, #tpu.memory_space<vmem>>, vector<16xi32>,
      %shift_right_logical3A_499 = arith.constant 15 : i32
      %shift_right_logical3A_500 = vector.broadcast %shift_right_logical3A_499 : i32 to vector<16xi32>
      %shift_right_logical3A_501 = arith.shrui %get3A_498, %shift_right_logical3A_500 : vector<16xi32>
      %swap3A_502 = arith.constant 1 : i32
      %swap3A_503 = arith.index_cast %swap3A_502 : i32 to index
      %swap3A_504 = arith.constant 112 : index
      %swap3A_505 = tpu.vector_load %arg8[%swap3A_503, %swap3A_504] {strides = array<i32>} : memref<2x128xi32, #tpu.memory_space<vmem>>, vector<16xi32>,
      tpu.vector_store %arg8[%swap3A_503, %swap3A_504], %shift_right_logical3A_501 {strides = array<i32>} : memref<2x128xi32, #tpu.memory_space<vmem>>, vector<16xi32>,
      tpu.vector_store_idx %arg14[%shift_right_logical3A_501], %broadcast_in_dim3A_2 {add = true} : memref<10240xf32, #tpu.memory_space<vmem>>[vector<16xi32>], vector<16xf32>,
      %run_scoped3A_506 = arith.constant 1 : i32
      "tpu.region"() ({
        %run_scoped3A_595 = tpu.sem_alloc : memref<!tpu.dma_semaphore, #tpu.memory_space<semaphore_mem>>
        %dma_start3A_596 = arith.constant 0 : i32
        %dma_start3A_597 = tpu.memref_slice %arg8[%run_scoped3A_506, %dma_start3A_596] : memref<2x128xi32, #tpu.memory_space<vmem>> -> memref<1x128xi32, #tpu.memory_space<vmem>>
        %dma_start3A_598 = tpu.memref_squeeze %dma_start3A_597 : memref<1x128xi32, #tpu.memory_space<vmem>> -> memref<128xi32, #tpu.memory_space<vmem>>
        %dma_start3A_599 = arith.constant 0 : i32
        %dma_start3A_600 = arith.constant 0 : i32
        %dma_start3A_601 = tpu.memref_slice %arg17[%dma_start3A_599, %dma_start3A_600] : memref<10240x64xf32, #tpu.memory_space<vmem_shared>> -> memref<10240x64xf32, #tpu.memory_space<vmem_shared>>
        tpu.enqueue_indirect_dma source(%arg10 : memref<128x64xf32, #tpu.memory_space<vmem>>) target(%dma_start3A_601 : memref<10240x64xf32, #tpu.memory_space<vmem_shared>>) offsets(%dma_start3A_598 : memref<128xi32, #tpu.memory_space<vmem>>) semaphore(%run_scoped3A_595 : memref<!tpu.dma_semaphore, #tpu.memory_space<semaphore_mem>>) {add = true}
        %dma_wait3A_602 = arith.constant 0 : i32
        %dma_wait3A_603 = tpu.memref_slice %arg8[%run_scoped3A_506, %dma_wait3A_602] : memref<2x128xi32, #tpu.memory_space<vmem>> -> memref<1x128xi32, #tpu.memory_space<vmem>>
        %dma_wait3A_604 = tpu.memref_squeeze %dma_wait3A_603 : memref<1x128xi32, #tpu.memory_space<vmem>> -> memref<128xi32, #tpu.memory_space<vmem>>
        %dma_wait3A_605 = arith.constant 0 : i32
        %dma_wait3A_606 = arith.constant 0 : i32
        %dma_wait3A_607 = tpu.memref_slice %arg17[%dma_wait3A_605, %dma_wait3A_606] : memref<10240x64xf32, #tpu.memory_space<vmem_shared>> -> memref<10240x64xf32, #tpu.memory_space<vmem_shared>>
        tpu.wait_indirect_dma semaphore(%run_scoped3A_595 : memref<!tpu.dma_semaphore, #tpu.memory_space<semaphore_mem>>) src(%arg10 : memref<128x64xf32, #tpu.memory_space<vmem>>) dst(%dma_wait3A_607 : memref<10240x64xf32, #tpu.memory_space<vmem_shared>>)
        tpu.yield
      }) : () -> ()
      %add3A_507 = arith.constant 3 : i32
      %add3A_508 = arith.addi %mul3A_238, %add3A_507 : i32
      %add3A_509 = arith.constant 3 : i32
      %add3A_510 = arith.addi %mul3A_238, %add3A_509 : i32
      %and3A_511 = arith.constant 3 : i32
      %and3A_512 = arith.andi %add3A_510, %and3A_511 : i32
      %get3A_513 = arith.index_cast %add3A_508 : i32 to index
      %get3A_514 = arith.constant 0 : index
      %get3A_515 = tpu.vector_load %arg6[%get3A_513, %get3A_514] {strides = array<i32>} : memref<160x128xi32, #tpu.memory_space<vmem>>, vector<16xi32>,
      %and3A_516 = arith.constant 32767 : i32
      %and3A_517 = vector.broadcast %and3A_516 : i32 to vector<16xi32>
      %and3A_518 = arith.andi %get3A_515, %and3A_517 : vector<16xi32>
      %swap3A_519 = arith.index_cast %and3A_512 : i32 to index
      %swap3A_520 = arith.constant 0 : index
      %swap3A_521 = tpu.vector_load %arg7[%swap3A_519, %swap3A_520] {strides = array<i32>} : memref<4x128xi32, #tpu.memory_space<vmem>>, vector<16xi32>,
      tpu.vector_store %arg7[%swap3A_519, %swap3A_520], %and3A_518 {strides = array<i32>} : memref<4x128xi32, #tpu.memory_space<vmem>>, vector<16xi32>,
      %get3A_522 = arith.index_cast %add3A_508 : i32 to index
      %get3A_523 = arith.constant 16 : index
      %get3A_524 = tpu.vector_load %arg6[%get3A_522, %get3A_523] {strides = array<i32>} : memref<160x128xi32, #tpu.memory_space<vmem>>, vector<16xi32>,
      %and3A_525 = arith.constant 32767 : i32
      %and3A_526 = vector.broadcast %and3A_525 : i32 to vector<16xi32>
      %and3A_527 = arith.andi %get3A_524, %and3A_526 : vector<16xi32>
      %swap3A_528 = arith.index_cast %and3A_512 : i32 to index
      %swap3A_529 = arith.constant 16 : index
      %swap3A_530 = tpu.vector_load %arg7[%swap3A_528, %swap3A_529] {strides = array<i32>} : memref<4x128xi32, #tpu.memory_space<vmem>>, vector<16xi32>,
      tpu.vector_store %arg7[%swap3A_528, %swap3A_529], %and3A_527 {strides = array<i32>} : memref<4x128xi32, #tpu.memory_space<vmem>>, vector<16xi32>,
      %get3A_531 = arith.index_cast %add3A_508 : i32 to index
      %get3A_532 = arith.constant 32 : index
      %get3A_533 = tpu.vector_load %arg6[%get3A_531, %get3A_532] {strides = array<i32>} : memref<160x128xi32, #tpu.memory_space<vmem>>, vector<16xi32>,
      %and3A_534 = arith.constant 32767 : i32
      %and3A_535 = vector.broadcast %and3A_534 : i32 to vector<16xi32>
      %and3A_536 = arith.andi %get3A_533, %and3A_535 : vector<16xi32>
      %swap3A_537 = arith.index_cast %and3A_512 : i32 to index
      %swap3A_538 = arith.constant 32 : index
      %swap3A_539 = tpu.vector_load %arg7[%swap3A_537, %swap3A_538] {strides = array<i32>} : memref<4x128xi32, #tpu.memory_space<vmem>>, vector<16xi32>,
      tpu.vector_store %arg7[%swap3A_537, %swap3A_538], %and3A_536 {strides = array<i32>} : memref<4x128xi32, #tpu.memory_space<vmem>>, vector<16xi32>,
      %get3A_540 = arith.index_cast %add3A_508 : i32 to index
      %get3A_541 = arith.constant 48 : index
      %get3A_542 = tpu.vector_load %arg6[%get3A_540, %get3A_541] {strides = array<i32>} : memref<160x128xi32, #tpu.memory_space<vmem>>, vector<16xi32>,
      %and3A_543 = arith.constant 32767 : i32
      %and3A_544 = vector.broadcast %and3A_543 : i32 to vector<16xi32>
      %and3A_545 = arith.andi %get3A_542, %and3A_544 : vector<16xi32>
      %swap3A_546 = arith.index_cast %and3A_512 : i32 to index
      %swap3A_547 = arith.constant 48 : index
      %swap3A_548 = tpu.vector_load %arg7[%swap3A_546, %swap3A_547] {strides = array<i32>} : memref<4x128xi32, #tpu.memory_space<vmem>>, vector<16xi32>,
      tpu.vector_store %arg7[%swap3A_546, %swap3A_547], %and3A_545 {strides = array<i32>} : memref<4x128xi32, #tpu.memory_space<vmem>>, vector<16xi32>,
      %get3A_549 = arith.index_cast %add3A_508 : i32 to index
      %get3A_550 = arith.constant 64 : index
      %get3A_551 = tpu.vector_load %arg6[%get3A_549, %get3A_550] {strides = array<i32>} : memref<160x128xi32, #tpu.memory_space<vmem>>, vector<16xi32>,
      %and3A_552 = arith.constant 32767 : i32
      %and3A_553 = vector.broadcast %and3A_552 : i32 to vector<16xi32>
      %and3A_554 = arith.andi %get3A_551, %and3A_553 : vector<16xi32>
      %swap3A_555 = arith.index_cast %and3A_512 : i32 to index
      %swap3A_556 = arith.constant 64 : index
      %swap3A_557 = tpu.vector_load %arg7[%swap3A_555, %swap3A_556] {strides = array<i32>} : memref<4x128xi32, #tpu.memory_space<vmem>>, vector<16xi32>,
      tpu.vector_store %arg7[%swap3A_555, %swap3A_556], %and3A_554 {strides = array<i32>} : memref<4x128xi32, #tpu.memory_space<vmem>>, vector<16xi32>,
      %get3A_558 = arith.index_cast %add3A_508 : i32 to index
      %get3A_559 = arith.constant 80 : index
      %get3A_560 = tpu.vector_load %arg6[%get3A_558, %get3A_559] {strides = array<i32>} : memref<160x128xi32, #tpu.memory_space<vmem>>, vector<16xi32>,
      %and3A_561 = arith.constant 32767 : i32
      %and3A_562 = vector.broadcast %and3A_561 : i32 to vector<16xi32>
      %and3A_563 = arith.andi %get3A_560, %and3A_562 : vector<16xi32>
      %swap3A_564 = arith.index_cast %and3A_512 : i32 to index
      %swap3A_565 = arith.constant 80 : index
      %swap3A_566 = tpu.vector_load %arg7[%swap3A_564, %swap3A_565] {strides = array<i32>} : memref<4x128xi32, #tpu.memory_space<vmem>>, vector<16xi32>,
      tpu.vector_store %arg7[%swap3A_564, %swap3A_565], %and3A_563 {strides = array<i32>} : memref<4x128xi32, #tpu.memory_space<vmem>>, vector<16xi32>,
      %get3A_567 = arith.index_cast %add3A_508 : i32 to index
      %get3A_568 = arith.constant 96 : index
      %get3A_569 = tpu.vector_load %arg6[%get3A_567, %get3A_568] {strides = array<i32>} : memref<160x128xi32, #tpu.memory_space<vmem>>, vector<16xi32>,
      %and3A_570 = arith.constant 32767 : i32
      %and3A_571 = vector.broadcast %and3A_570 : i32 to vector<16xi32>
      %and3A_572 = arith.andi %get3A_569, %and3A_571 : vector<16xi32>
      %swap3A_573 = arith.index_cast %and3A_512 : i32 to index
      %swap3A_574 = arith.constant 96 : index
      %swap3A_575 = tpu.vector_load %arg7[%swap3A_573, %swap3A_574] {strides = array<i32>} : memref<4x128xi32, #tpu.memory_space<vmem>>, vector<16xi32>,
      tpu.vector_store %arg7[%swap3A_573, %swap3A_574], %and3A_572 {strides = array<i32>} : memref<4x128xi32, #tpu.memory_space<vmem>>, vector<16xi32>,
      %get3A_576 = arith.index_cast %add3A_508 : i32 to index
      %get3A_577 = arith.constant 112 : index
      %get3A_578 = tpu.vector_load %arg6[%get3A_576, %get3A_577] {strides = array<i32>} : memref<160x128xi32, #tpu.memory_space<vmem>>, vector<16xi32>,
      %and3A_579 = arith.constant 32767 : i32
      %and3A_580 = vector.broadcast %and3A_579 : i32 to vector<16xi32>
      %and3A_581 = arith.andi %get3A_578, %and3A_580 : vector<16xi32>
      %swap3A_582 = arith.index_cast %and3A_512 : i32 to index
      %swap3A_583 = arith.constant 112 : index
      %swap3A_584 = tpu.vector_load %arg7[%swap3A_582, %swap3A_583] {strides = array<i32>} : memref<4x128xi32, #tpu.memory_space<vmem>>, vector<16xi32>,
      tpu.vector_store %arg7[%swap3A_582, %swap3A_583], %and3A_581 {strides = array<i32>} : memref<4x128xi32, #tpu.memory_space<vmem>>, vector<16xi32>,
      %add3A_585 = arith.constant 3 : i32
      %add3A_586 = arith.addi %mul3A_238, %add3A_585 : i32
      %and3A_587 = arith.constant 3 : i32
      %and3A_588 = arith.andi %add3A_586, %and3A_587 : i32
      %dma_start3A_589 = arith.constant 0 : i32
      %dma_start3A_590 = tpu.memref_slice %arg7[%and3A_588, %dma_start3A_589] : memref<4x128xi32, #tpu.memory_space<vmem>> -> memref<1x128xi32, #tpu.memory_space<vmem>>
      %dma_start3A_591 = tpu.memref_squeeze %dma_start3A_590 : memref<1x128xi32, #tpu.memory_space<vmem>> -> memref<128xi32, #tpu.memory_space<vmem>>
      %dma_start3A_592 = arith.constant 0 : i32
      %dma_start3A_593 = arith.constant 0 : i32
      %dma_start3A_594 = tpu.memref_slice %arg2[%dma_start3A_592, %dma_start3A_593] : memref<20000x64xf32, #tpu.memory_space<hbm>> -> memref<20000x64xf32, #tpu.memory_space<hbm>>
      tpu.enqueue_indirect_dma source(%dma_start3A_594 : memref<20000x64xf32, #tpu.memory_space<hbm>>) target(%arg10 : memref<128x64xf32, #tpu.memory_space<vmem>>) offsets(%dma_start3A_591 : memref<128xi32, #tpu.memory_space<vmem>>) semaphore(%arg19 : memref<!tpu.dma_semaphore, #tpu.memory_space<semaphore_mem>>)
    }
    %scan3A_215 = arith.constant 79 : i32
    %dma_wait3A = arith.constant 2 : i32
    %dma_wait3A_216 = arith.constant 0 : i32
    %dma_wait3A_217 = tpu.memref_slice %arg7[%dma_wait3A, %dma_wait3A_216] : memref<4x128xi32, #tpu.memory_space<vmem>> -> memref<1x128xi32, #tpu.memory_space<vmem>>
    %dma_wait3A_218 = tpu.memref_squeeze %dma_wait3A_217 : memref<1x128xi32, #tpu.memory_space<vmem>> -> memref<128xi32, #tpu.memory_space<vmem>>
    %dma_wait3A_219 = arith.constant 0 : i32
    %dma_wait3A_220 = arith.constant 0 : i32
    %dma_wait3A_221 = tpu.memref_slice %arg2[%dma_wait3A_219, %dma_wait3A_220] : memref<20000x64xf32, #tpu.memory_space<hbm>> -> memref<20000x64xf32, #tpu.memory_space<hbm>>
    tpu.wait_indirect_dma semaphore(%arg18 : memref<!tpu.dma_semaphore, #tpu.memory_space<semaphore_mem>>) src(%dma_wait3A_221 : memref<20000x64xf32, #tpu.memory_space<hbm>>) dst(%arg9 : memref<128x64xf32, #tpu.memory_space<vmem>>)
    %dma_wait3A_222 = arith.constant 3 : i32
    %dma_wait3A_223 = arith.constant 0 : i32
    %dma_wait3A_224 = tpu.memref_slice %arg7[%dma_wait3A_222, %dma_wait3A_223] : memref<4x128xi32, #tpu.memory_space<vmem>> -> memref<1x128xi32, #tpu.memory_space<vmem>>
    %dma_wait3A_225 = tpu.memref_squeeze %dma_wait3A_224 : memref<1x128xi32, #tpu.memory_space<vmem>> -> memref<128xi32, #tpu.memory_space<vmem>>
    %dma_wait3A_226 = arith.constant 0 : i32
    %dma_wait3A_227 = arith.constant 0 : i32
    %dma_wait3A_228 = tpu.memref_slice %arg2[%dma_wait3A_226, %dma_wait3A_227] : memref<20000x64xf32, #tpu.memory_space<hbm>> -> memref<20000x64xf32, #tpu.memory_space<hbm>>
    tpu.wait_indirect_dma semaphore(%arg19 : memref<!tpu.dma_semaphore, #tpu.memory_space<semaphore_mem>>) src(%dma_wait3A_228 : memref<20000x64xf32, #tpu.memory_space<hbm>>) dst(%arg10 : memref<128x64xf32, #tpu.memory_space<vmem>>)
    "tpu.region"() ({
      %run_scoped3A = tpu.sem_alloc : memref<!tpu.dma_semaphore, #tpu.memory_space<semaphore_mem>>
      %dma_start3A_236 = arith.constant 0 : i32
      %dma_start3A_237 = tpu.memref_slice %arg5[%arg0, %arg1, %dma_start3A_236] : memref<2x16x10240xf32, #tpu.memory_space<hbm>> -> memref<1x1x10240xf32, #tpu.memory_space<hbm>>
      %dma_start3A_238 = tpu.memref_squeeze %dma_start3A_237 : memref<1x1x10240xf32, #tpu.memory_space<hbm>> -> memref<10240xf32, #tpu.memory_space<hbm>>
      %dma_start3A_239 = arith.constant 0 : i32
      %dma_start3A_240 = tpu.memref_slice %arg5[%arg0, %arg1, %dma_start3A_239] : memref<2x16x10240xf32, #tpu.memory_space<hbm>> -> memref<1x1x10240xf32, #tpu.memory_space<hbm>>
      %dma_start3A_241 = tpu.memref_squeeze %dma_start3A_240 : memref<1x1x10240xf32, #tpu.memory_space<hbm>> -> memref<10240xf32, #tpu.memory_space<hbm>>
      tpu.enqueue_dma source(%arg14 : memref<10240xf32, #tpu.memory_space<vmem>>) target(%dma_start3A_241 : memref<10240xf32, #tpu.memory_space<hbm>>) target_semaphore(%run_scoped3A : memref<!tpu.dma_semaphore, #tpu.memory_space<semaphore_mem>>)
      %dma_wait3A_242 = arith.constant 0 : i32
      %dma_wait3A_243 = tpu.memref_slice %arg5[%arg0, %arg1, %dma_wait3A_242] : memref<2x16x10240xf32, #tpu.memory_space<hbm>> -> memref<1x1x10240xf32, #tpu.memory_space<hbm>>
      %dma_wait3A_244 = tpu.memref_squeeze %dma_wait3A_243 : memref<1x1x10240xf32, #tpu.memory_space<hbm>> -> memref<10240xf32, #tpu.memory_space<hbm>>
      %dma_wait3A_245 = arith.constant 0 : i32
      %dma_wait3A_246 = tpu.memref_slice %arg5[%arg0, %arg1, %dma_wait3A_245] : memref<2x16x10240xf32, #tpu.memory_space<hbm>> -> memref<1x1x10240xf32, #tpu.memory_space<hbm>>
      %dma_wait3A_247 = tpu.memref_squeeze %dma_wait3A_246 : memref<1x1x10240xf32, #tpu.memory_space<hbm>> -> memref<10240xf32, #tpu.memory_space<hbm>>
      tpu.wait_dma2 semaphore(%run_scoped3A : memref<!tpu.dma_semaphore, #tpu.memory_space<semaphore_mem>>) src(%arg14 : memref<10240xf32, #tpu.memory_space<vmem>>) dst(%dma_wait3A_247 : memref<10240xf32, #tpu.memory_space<hbm>>)
      tpu.yield
    }) : () -> ()
    %barrier3A_229 = arith.constant 0 : index
    tpu.barrier barrier_id(%barrier3A_229)
    %scan3A_230 = arith.constant 0 : i32
    %scan3A_231 = arith.constant 0 : i32
    %scan3A_232 = arith.constant 5 : i32
    %scan3A_233 = arith.addi %scan3A_231, %scan3A_232 : i32
    %scan3A_234 = arith.constant 1 : i32
    scf.for %scan3A_236 = %scan3A_231 to %scan3A_233 step %scan3A_234  : i32 {
      %mul3A_237 = arith.constant 128 : i32
      %mul3A_238 = arith.muli %scan3A_236, %mul3A_237 : i32
      %add3A_239 = arith.addi %mul3A_14, %mul3A_238 : i32
      "tpu.region"() ({
        %run_scoped3A = tpu.sem_alloc : memref<!tpu.dma_semaphore, #tpu.memory_space<semaphore_mem>>
        %dma_start3A_252 = arith.constant 0 : i32
        %dma_start3A_253 = tpu.memref_slice %arg17[%add3A_239, %dma_start3A_252] : memref<10240x64xf32, #tpu.memory_space<vmem_shared>> -> memref<128x64xf32, #tpu.memory_space<vmem_shared>>
        %dma_start3A_254 = arith.constant 0 : i32
        %dma_start3A_255 = tpu.memref_slice %arg17[%add3A_239, %dma_start3A_254] : memref<10240x64xf32, #tpu.memory_space<vmem_shared>> -> memref<128x64xf32, #tpu.memory_space<vmem_shared>>
        tpu.enqueue_dma source(%dma_start3A_255 : memref<128x64xf32, #tpu.memory_space<vmem_shared>>) target(%arg12 : memref<128x64xf32, #tpu.memory_space<vmem>>) target_semaphore(%run_scoped3A : memref<!tpu.dma_semaphore, #tpu.memory_space<semaphore_mem>>)
        %dma_wait3A_256 = arith.constant 0 : i32
        %dma_wait3A_257 = tpu.memref_slice %arg17[%add3A_239, %dma_wait3A_256] : memref<10240x64xf32, #tpu.memory_space<vmem_shared>> -> memref<128x64xf32, #tpu.memory_space<vmem_shared>>
        %dma_wait3A_258 = arith.constant 0 : i32
        %dma_wait3A_259 = tpu.memref_slice %arg17[%add3A_239, %dma_wait3A_258] : memref<10240x64xf32, #tpu.memory_space<vmem_shared>> -> memref<128x64xf32, #tpu.memory_space<vmem_shared>>
        tpu.wait_dma2 semaphore(%run_scoped3A : memref<!tpu.dma_semaphore, #tpu.memory_space<semaphore_mem>>) src(%dma_wait3A_259 : memref<128x64xf32, #tpu.memory_space<vmem_shared>>) dst(%arg12 : memref<128x64xf32, #tpu.memory_space<vmem>>)
        tpu.yield
      }) : () -> ()
      "tpu.region"() ({
        %run_scoped3A = tpu.sem_alloc : memref<!tpu.dma_semaphore, #tpu.memory_space<semaphore_mem>>
        %dma_start3A_252 = arith.constant 0 : i32
        %dma_start3A_253 = tpu.memref_slice %arg5[%arg0, %dma_start3A_252, %add3A_239] : memref<2x16x10240xf32, #tpu.memory_space<hbm>> -> memref<1x16x128xf32, #tpu.memory_space<hbm>>
        %dma_start3A_254 = tpu.memref_squeeze %dma_start3A_253 : memref<1x16x128xf32, #tpu.memory_space<hbm>> -> memref<16x128xf32, #tpu.memory_space<hbm>>
        %dma_start3A_255 = arith.constant 0 : i32
        %dma_start3A_256 = tpu.memref_slice %arg5[%arg0, %dma_start3A_255, %add3A_239] : memref<2x16x10240xf32, #tpu.memory_space<hbm>> -> memref<1x16x128xf32, #tpu.memory_space<hbm>>
        %dma_start3A_257 = tpu.memref_squeeze %dma_start3A_256 : memref<1x16x128xf32, #tpu.memory_space<hbm>> -> memref<16x128xf32, #tpu.memory_space<hbm>>
        tpu.enqueue_dma source(%dma_start3A_257 : memref<16x128xf32, #tpu.memory_space<hbm>>) target(%arg15 : memref<16x128xf32, #tpu.memory_space<vmem>>) target_semaphore(%run_scoped3A : memref<!tpu.dma_semaphore, #tpu.memory_space<semaphore_mem>>)
        %dma_wait3A_258 = arith.constant 0 : i32
        %dma_wait3A_259 = tpu.memref_slice %arg5[%arg0, %dma_wait3A_258, %add3A_239] : memref<2x16x10240xf32, #tpu.memory_space<hbm>> -> memref<1x16x128xf32, #tpu.memory_space<hbm>>
        %dma_wait3A_260 = tpu.memref_squeeze %dma_wait3A_259 : memref<1x16x128xf32, #tpu.memory_space<hbm>> -> memref<16x128xf32, #tpu.memory_space<hbm>>
        %dma_wait3A_261 = arith.constant 0 : i32
        %dma_wait3A_262 = tpu.memref_slice %arg5[%arg0, %dma_wait3A_261, %add3A_239] : memref<2x16x10240xf32, #tpu.memory_space<hbm>> -> memref<1x16x128xf32, #tpu.memory_space<hbm>>
        %dma_wait3A_263 = tpu.memref_squeeze %dma_wait3A_262 : memref<1x16x128xf32, #tpu.memory_space<hbm>> -> memref<16x128xf32, #tpu.memory_space<hbm>>
        tpu.wait_dma2 semaphore(%run_scoped3A : memref<!tpu.dma_semaphore, #tpu.memory_space<semaphore_mem>>) src(%dma_wait3A_263 : memref<16x128xf32, #tpu.memory_space<hbm>>) dst(%arg15 : memref<16x128xf32, #tpu.memory_space<vmem>>)
        tpu.yield
      }) : () -> ()
      %scan3A_240 = arith.constant 0 : i32
      %scan3A_241 = arith.constant 0 : i32
      %scan3A_242 = arith.constant 8 : i32
      %scan3A_243 = arith.addi %scan3A_241, %scan3A_242 : i32
      %scan3A_244 = arith.constant 1 : i32
      scf.for %scan3A_252 = %scan3A_241 to %scan3A_243 step %scan3A_244  : i32 {
        %mul3A_253 = arith.constant 16 : i32
        %mul3A_254 = arith.muli %scan3A_252, %mul3A_253 : i32
        %scan3A_255 = arith.constant 0 : i32
        %scan3A_256 = arith.constant 16 : i32
        %scan3A_257 = arith.addi %scan3A_255, %scan3A_256 : i32
        %scan3A_258 = arith.constant 1 : i32
        %scan3A_259 = scf.for %scan3A_263 = %scan3A_255 to %scan3A_257 step %scan3A_258 iter_args(%scan3A_264 = %broadcast_in_dim3A_0) -> (vector<16xf32>)  : i32 {
          %get3A_265 = arith.index_cast %scan3A_263 : i32 to index
          %get3A_266 = arith.index_cast %mul3A_254 : i32 to index
          %get3A_267 = tpu.vector_load %arg15[%get3A_265, %get3A_266] {strides = array<i32>} : memref<16x128xf32, #tpu.memory_space<vmem>>, vector<16xf32>,
          %add3A_268 = arith.addf %scan3A_264, %get3A_267 : vector<16xf32>
          scf.yield %add3A_268 : vector<16xf32>
        }
        %scan3A_260 = arith.constant 16 : i32
        %swap3A_261 = arith.index_cast %mul3A_254 : i32 to index
        %swap3A_262 = tpu.vector_load %arg16[%swap3A_261] {strides = array<i32>} : memref<128xf32, #tpu.memory_space<vmem>>, vector<16xf32>,
        tpu.vector_store %arg16[%swap3A_261], %scan3A_259 {strides = array<i32>} : memref<128xf32, #tpu.memory_space<vmem>>, vector<16xf32>,
      }
      %scan3A_245 = arith.constant 8 : i32
      %scan3A_246 = arith.constant 0 : i32
      %scan3A_247 = arith.constant 0 : i32
      %scan3A_248 = arith.constant 8 : i32
      %scan3A_249 = arith.addi %scan3A_247, %scan3A_248 : i32
      %scan3A_250 = arith.constant 1 : i32
      scf.for %scan3A_252 = %scan3A_247 to %scan3A_249 step %scan3A_250  : i32 {
        %mul3A_253 = arith.constant 16 : i32
        %mul3A_254 = arith.muli %scan3A_252, %mul3A_253 : i32
        %get3A_255 = arith.index_cast %mul3A_254 : i32 to index
        %get3A_256 = tpu.vector_load %arg16[%get3A_255] {strides = array<i32>} : memref<128xf32, #tpu.memory_space<vmem>>, vector<16xf32>,
        %max3A = arith.constant 1.000000e+00 : f32
        %max3A_257 = vector.broadcast %max3A : f32 to vector<16xf32>
        %max3A_258 = arith.maximumf %get3A_256, %max3A_257 : vector<16xf32>
        %div3A = arith.constant 1.000000e+00 : f32
        %div3A_259 = vector.broadcast %div3A : f32 to vector<16xf32>
        %div3A_260 = arith.divf %div3A_259, %max3A_258 : vector<16xf32>
        %slice3A = vector.extract_strided_slice %div3A_260 {offsets = [0], sizes = [1], strides = [1]} : vector<16xf32> to vector<1xf32>
        %squeeze3A = vector.extract %slice3A[0] : f32 from vector<1xf32>
        %broadcast_in_dim3A_261 = vector.broadcast %squeeze3A : f32 to vector<16xf32>
        %mul3A_262 = arith.constant 16 : i32
        %mul3A_263 = arith.muli %scan3A_252, %mul3A_262 : i32
        %add3A_264 = arith.constant 0 : i32
        %add3A_265 = arith.addi %mul3A_263, %add3A_264 : i32
        %get3A_266 = arith.index_cast %add3A_265 : i32 to index
        %get3A_267 = arith.constant 0 : index
        %get3A_268 = tpu.vector_load %arg12[%get3A_266, %get3A_267] {strides = array<i32>} : memref<128x64xf32, #tpu.memory_space<vmem>>, vector<16xf32>,
        %mul3A_269 = arith.mulf %get3A_268, %broadcast_in_dim3A_261 : vector<16xf32>
        %mul3A_270 = arith.constant 16 : i32
        %mul3A_271 = arith.muli %scan3A_252, %mul3A_270 : i32
        %add3A_272 = arith.constant 0 : i32
        %add3A_273 = arith.addi %mul3A_271, %add3A_272 : i32
        %swap3A_274 = arith.index_cast %add3A_273 : i32 to index
        %swap3A_275 = arith.constant 0 : index
        %swap3A_276 = tpu.vector_load %arg13[%swap3A_274, %swap3A_275] {strides = array<i32>} : memref<128x64xf32, #tpu.memory_space<vmem>>, vector<16xf32>,
        tpu.vector_store %arg13[%swap3A_274, %swap3A_275], %mul3A_269 {strides = array<i32>} : memref<128x64xf32, #tpu.memory_space<vmem>>, vector<16xf32>,
        %mul3A_277 = arith.constant 16 : i32
        %mul3A_278 = arith.muli %scan3A_252, %mul3A_277 : i32
        %add3A_279 = arith.constant 0 : i32
        %add3A_280 = arith.addi %mul3A_278, %add3A_279 : i32
        %get3A_281 = arith.index_cast %add3A_280 : i32 to index
        %get3A_282 = arith.constant 16 : index
        %get3A_283 = tpu.vector_load %arg12[%get3A_281, %get3A_282] {strides = array<i32>} : memref<128x64xf32, #tpu.memory_space<vmem>>, vector<16xf32>,
        %mul3A_284 = arith.mulf %get3A_283, %broadcast_in_dim3A_261 : vector<16xf32>
        %mul3A_285 = arith.constant 16 : i32
        %mul3A_286 = arith.muli %scan3A_252, %mul3A_285 : i32
        %add3A_287 = arith.constant 0 : i32
        %add3A_288 = arith.addi %mul3A_286, %add3A_287 : i32
        %swap3A_289 = arith.index_cast %add3A_288 : i32 to index
        %swap3A_290 = arith.constant 16 : index
        %swap3A_291 = tpu.vector_load %arg13[%swap3A_289, %swap3A_290] {strides = array<i32>} : memref<128x64xf32, #tpu.memory_space<vmem>>, vector<16xf32>,
        tpu.vector_store %arg13[%swap3A_289, %swap3A_290], %mul3A_284 {strides = array<i32>} : memref<128x64xf32, #tpu.memory_space<vmem>>, vector<16xf32>,
        %mul3A_292 = arith.constant 16 : i32
        %mul3A_293 = arith.muli %scan3A_252, %mul3A_292 : i32
        %add3A_294 = arith.constant 0 : i32
        %add3A_295 = arith.addi %mul3A_293, %add3A_294 : i32
        %get3A_296 = arith.index_cast %add3A_295 : i32 to index
        %get3A_297 = arith.constant 32 : index
        %get3A_298 = tpu.vector_load %arg12[%get3A_296, %get3A_297] {strides = array<i32>} : memref<128x64xf32, #tpu.memory_space<vmem>>, vector<16xf32>,
        %mul3A_299 = arith.mulf %get3A_298, %broadcast_in_dim3A_261 : vector<16xf32>
        %mul3A_300 = arith.constant 16 : i32
        %mul3A_301 = arith.muli %scan3A_252, %mul3A_300 : i32
        %add3A_302 = arith.constant 0 : i32
        %add3A_303 = arith.addi %mul3A_301, %add3A_302 : i32
        %swap3A_304 = arith.index_cast %add3A_303 : i32 to index
        %swap3A_305 = arith.constant 32 : index
        %swap3A_306 = tpu.vector_load %arg13[%swap3A_304, %swap3A_305] {strides = array<i32>} : memref<128x64xf32, #tpu.memory_space<vmem>>, vector<16xf32>,
        tpu.vector_store %arg13[%swap3A_304, %swap3A_305], %mul3A_299 {strides = array<i32>} : memref<128x64xf32, #tpu.memory_space<vmem>>, vector<16xf32>,
        %mul3A_307 = arith.constant 16 : i32
        %mul3A_308 = arith.muli %scan3A_252, %mul3A_307 : i32
        %add3A_309 = arith.constant 0 : i32
        %add3A_310 = arith.addi %mul3A_308, %add3A_309 : i32
        %get3A_311 = arith.index_cast %add3A_310 : i32 to index
        %get3A_312 = arith.constant 48 : index
        %get3A_313 = tpu.vector_load %arg12[%get3A_311, %get3A_312] {strides = array<i32>} : memref<128x64xf32, #tpu.memory_space<vmem>>, vector<16xf32>,
        %mul3A_314 = arith.mulf %get3A_313, %broadcast_in_dim3A_261 : vector<16xf32>
        %mul3A_315 = arith.constant 16 : i32
        %mul3A_316 = arith.muli %scan3A_252, %mul3A_315 : i32
        %add3A_317 = arith.constant 0 : i32
        %add3A_318 = arith.addi %mul3A_316, %add3A_317 : i32
        %swap3A_319 = arith.index_cast %add3A_318 : i32 to index
        %swap3A_320 = arith.constant 48 : index
        %swap3A_321 = tpu.vector_load %arg13[%swap3A_319, %swap3A_320] {strides = array<i32>} : memref<128x64xf32, #tpu.memory_space<vmem>>, vector<16xf32>,
        tpu.vector_store %arg13[%swap3A_319, %swap3A_320], %mul3A_314 {strides = array<i32>} : memref<128x64xf32, #tpu.memory_space<vmem>>, vector<16xf32>,
        %slice3A_322 = vector.extract_strided_slice %div3A_260 {offsets = [1], sizes = [1], strides = [1]} : vector<16xf32> to vector<1xf32>
        %squeeze3A_323 = vector.extract %slice3A_322[0] : f32 from vector<1xf32>
        %broadcast_in_dim3A_324 = vector.broadcast %squeeze3A_323 : f32 to vector<16xf32>
        %mul3A_325 = arith.constant 16 : i32
        %mul3A_326 = arith.muli %scan3A_252, %mul3A_325 : i32
        %add3A_327 = arith.constant 1 : i32
        %add3A_328 = arith.addi %mul3A_326, %add3A_327 : i32
        %get3A_329 = arith.index_cast %add3A_328 : i32 to index
        %get3A_330 = arith.constant 0 : index
        %get3A_331 = tpu.vector_load %arg12[%get3A_329, %get3A_330] {strides = array<i32>} : memref<128x64xf32, #tpu.memory_space<vmem>>, vector<16xf32>,
        %mul3A_332 = arith.mulf %get3A_331, %broadcast_in_dim3A_324 : vector<16xf32>
        %mul3A_333 = arith.constant 16 : i32
        %mul3A_334 = arith.muli %scan3A_252, %mul3A_333 : i32
        %add3A_335 = arith.constant 1 : i32
        %add3A_336 = arith.addi %mul3A_334, %add3A_335 : i32
        %swap3A_337 = arith.index_cast %add3A_336 : i32 to index
        %swap3A_338 = arith.constant 0 : index
        %swap3A_339 = tpu.vector_load %arg13[%swap3A_337, %swap3A_338] {strides = array<i32>} : memref<128x64xf32, #tpu.memory_space<vmem>>, vector<16xf32>,
        tpu.vector_store %arg13[%swap3A_337, %swap3A_338], %mul3A_332 {strides = array<i32>} : memref<128x64xf32, #tpu.memory_space<vmem>>, vector<16xf32>,
        %mul3A_340 = arith.constant 16 : i32
        %mul3A_341 = arith.muli %scan3A_252, %mul3A_340 : i32
        %add3A_342 = arith.constant 1 : i32
        %add3A_343 = arith.addi %mul3A_341, %add3A_342 : i32
        %get3A_344 = arith.index_cast %add3A_343 : i32 to index
        %get3A_345 = arith.constant 16 : index
        %get3A_346 = tpu.vector_load %arg12[%get3A_344, %get3A_345] {strides = array<i32>} : memref<128x64xf32, #tpu.memory_space<vmem>>, vector<16xf32>,
        %mul3A_347 = arith.mulf %get3A_346, %broadcast_in_dim3A_324 : vector<16xf32>
        %mul3A_348 = arith.constant 16 : i32
        %mul3A_349 = arith.muli %scan3A_252, %mul3A_348 : i32
        %add3A_350 = arith.constant 1 : i32
        %add3A_351 = arith.addi %mul3A_349, %add3A_350 : i32
        %swap3A_352 = arith.index_cast %add3A_351 : i32 to index
        %swap3A_353 = arith.constant 16 : index
        %swap3A_354 = tpu.vector_load %arg13[%swap3A_352, %swap3A_353] {strides = array<i32>} : memref<128x64xf32, #tpu.memory_space<vmem>>, vector<16xf32>,
        tpu.vector_store %arg13[%swap3A_352, %swap3A_353], %mul3A_347 {strides = array<i32>} : memref<128x64xf32, #tpu.memory_space<vmem>>, vector<16xf32>,
        %mul3A_355 = arith.constant 16 : i32
        %mul3A_356 = arith.muli %scan3A_252, %mul3A_355 : i32
        %add3A_357 = arith.constant 1 : i32
        %add3A_358 = arith.addi %mul3A_356, %add3A_357 : i32
        %get3A_359 = arith.index_cast %add3A_358 : i32 to index
        %get3A_360 = arith.constant 32 : index
        %get3A_361 = tpu.vector_load %arg12[%get3A_359, %get3A_360] {strides = array<i32>} : memref<128x64xf32, #tpu.memory_space<vmem>>, vector<16xf32>,
        %mul3A_362 = arith.mulf %get3A_361, %broadcast_in_dim3A_324 : vector<16xf32>
        %mul3A_363 = arith.constant 16 : i32
        %mul3A_364 = arith.muli %scan3A_252, %mul3A_363 : i32
        %add3A_365 = arith.constant 1 : i32
        %add3A_366 = arith.addi %mul3A_364, %add3A_365 : i32
        %swap3A_367 = arith.index_cast %add3A_366 : i32 to index
        %swap3A_368 = arith.constant 32 : index
        %swap3A_369 = tpu.vector_load %arg13[%swap3A_367, %swap3A_368] {strides = array<i32>} : memref<128x64xf32, #tpu.memory_space<vmem>>, vector<16xf32>,
        tpu.vector_store %arg13[%swap3A_367, %swap3A_368], %mul3A_362 {strides = array<i32>} : memref<128x64xf32, #tpu.memory_space<vmem>>, vector<16xf32>,
        %mul3A_370 = arith.constant 16 : i32
        %mul3A_371 = arith.muli %scan3A_252, %mul3A_370 : i32
        %add3A_372 = arith.constant 1 : i32
        %add3A_373 = arith.addi %mul3A_371, %add3A_372 : i32
        %get3A_374 = arith.index_cast %add3A_373 : i32 to index
        %get3A_375 = arith.constant 48 : index
        %get3A_376 = tpu.vector_load %arg12[%get3A_374, %get3A_375] {strides = array<i32>} : memref<128x64xf32, #tpu.memory_space<vmem>>, vector<16xf32>,
        %mul3A_377 = arith.mulf %get3A_376, %broadcast_in_dim3A_324 : vector<16xf32>
        %mul3A_378 = arith.constant 16 : i32
        %mul3A_379 = arith.muli %scan3A_252, %mul3A_378 : i32
        %add3A_380 = arith.constant 1 : i32
        %add3A_381 = arith.addi %mul3A_379, %add3A_380 : i32
        %swap3A_382 = arith.index_cast %add3A_381 : i32 to index
        %swap3A_383 = arith.constant 48 : index
        %swap3A_384 = tpu.vector_load %arg13[%swap3A_382, %swap3A_383] {strides = array<i32>} : memref<128x64xf32, #tpu.memory_space<vmem>>, vector<16xf32>,
        tpu.vector_store %arg13[%swap3A_382, %swap3A_383], %mul3A_377 {strides = array<i32>} : memref<128x64xf32, #tpu.memory_space<vmem>>, vector<16xf32>,
        %slice3A_385 = vector.extract_strided_slice %div3A_260 {offsets = [2], sizes = [1], strides = [1]} : vector<16xf32> to vector<1xf32>
        %squeeze3A_386 = vector.extract %slice3A_385[0] : f32 from vector<1xf32>
        %broadcast_in_dim3A_387 = vector.broadcast %squeeze3A_386 : f32 to vector<16xf32>
        %mul3A_388 = arith.constant 16 : i32
        %mul3A_389 = arith.muli %scan3A_252, %mul3A_388 : i32
        %add3A_390 = arith.constant 2 : i32
        %add3A_391 = arith.addi %mul3A_389, %add3A_390 : i32
        %get3A_392 = arith.index_cast %add3A_391 : i32 to index
        %get3A_393 = arith.constant 0 : index
        %get3A_394 = tpu.vector_load %arg12[%get3A_392, %get3A_393] {strides = array<i32>} : memref<128x64xf32, #tpu.memory_space<vmem>>, vector<16xf32>,
        %mul3A_395 = arith.mulf %get3A_394, %broadcast_in_dim3A_387 : vector<16xf32>
        %mul3A_396 = arith.constant 16 : i32
        %mul3A_397 = arith.muli %scan3A_252, %mul3A_396 : i32
        %add3A_398 = arith.constant 2 : i32
        %add3A_399 = arith.addi %mul3A_397, %add3A_398 : i32
        %swap3A_400 = arith.index_cast %add3A_399 : i32 to index
        %swap3A_401 = arith.constant 0 : index
        %swap3A_402 = tpu.vector_load %arg13[%swap3A_400, %swap3A_401] {strides = array<i32>} : memref<128x64xf32, #tpu.memory_space<vmem>>, vector<16xf32>,
        tpu.vector_store %arg13[%swap3A_400, %swap3A_401], %mul3A_395 {strides = array<i32>} : memref<128x64xf32, #tpu.memory_space<vmem>>, vector<16xf32>,
        %mul3A_403 = arith.constant 16 : i32
        %mul3A_404 = arith.muli %scan3A_252, %mul3A_403 : i32
        %add3A_405 = arith.constant 2 : i32
        %add3A_406 = arith.addi %mul3A_404, %add3A_405 : i32
        %get3A_407 = arith.index_cast %add3A_406 : i32 to index
        %get3A_408 = arith.constant 16 : index
        %get3A_409 = tpu.vector_load %arg12[%get3A_407, %get3A_408] {strides = array<i32>} : memref<128x64xf32, #tpu.memory_space<vmem>>, vector<16xf32>,
        %mul3A_410 = arith.mulf %get3A_409, %broadcast_in_dim3A_387 : vector<16xf32>
        %mul3A_411 = arith.constant 16 : i32
        %mul3A_412 = arith.muli %scan3A_252, %mul3A_411 : i32
        %add3A_413 = arith.constant 2 : i32
        %add3A_414 = arith.addi %mul3A_412, %add3A_413 : i32
        %swap3A_415 = arith.index_cast %add3A_414 : i32 to index
        %swap3A_416 = arith.constant 16 : index
        %swap3A_417 = tpu.vector_load %arg13[%swap3A_415, %swap3A_416] {strides = array<i32>} : memref<128x64xf32, #tpu.memory_space<vmem>>, vector<16xf32>,
        tpu.vector_store %arg13[%swap3A_415, %swap3A_416], %mul3A_410 {strides = array<i32>} : memref<128x64xf32, #tpu.memory_space<vmem>>, vector<16xf32>,
        %mul3A_418 = arith.constant 16 : i32
        %mul3A_419 = arith.muli %scan3A_252, %mul3A_418 : i32
        %add3A_420 = arith.constant 2 : i32
        %add3A_421 = arith.addi %mul3A_419, %add3A_420 : i32
        %get3A_422 = arith.index_cast %add3A_421 : i32 to index
        %get3A_423 = arith.constant 32 : index
        %get3A_424 = tpu.vector_load %arg12[%get3A_422, %get3A_423] {strides = array<i32>} : memref<128x64xf32, #tpu.memory_space<vmem>>, vector<16xf32>,
        %mul3A_425 = arith.mulf %get3A_424, %broadcast_in_dim3A_387 : vector<16xf32>
        %mul3A_426 = arith.constant 16 : i32
        %mul3A_427 = arith.muli %scan3A_252, %mul3A_426 : i32
        %add3A_428 = arith.constant 2 : i32
        %add3A_429 = arith.addi %mul3A_427, %add3A_428 : i32
        %swap3A_430 = arith.index_cast %add3A_429 : i32 to index
        %swap3A_431 = arith.constant 32 : index
        %swap3A_432 = tpu.vector_load %arg13[%swap3A_430, %swap3A_431] {strides = array<i32>} : memref<128x64xf32, #tpu.memory_space<vmem>>, vector<16xf32>,
        tpu.vector_store %arg13[%swap3A_430, %swap3A_431], %mul3A_425 {strides = array<i32>} : memref<128x64xf32, #tpu.memory_space<vmem>>, vector<16xf32>,
        %mul3A_433 = arith.constant 16 : i32
        %mul3A_434 = arith.muli %scan3A_252, %mul3A_433 : i32
        %add3A_435 = arith.constant 2 : i32
        %add3A_436 = arith.addi %mul3A_434, %add3A_435 : i32
        %get3A_437 = arith.index_cast %add3A_436 : i32 to index
        %get3A_438 = arith.constant 48 : index
        %get3A_439 = tpu.vector_load %arg12[%get3A_437, %get3A_438] {strides = array<i32>} : memref<128x64xf32, #tpu.memory_space<vmem>>, vector<16xf32>,
        %mul3A_440 = arith.mulf %get3A_439, %broadcast_in_dim3A_387 : vector<16xf32>
        %mul3A_441 = arith.constant 16 : i32
        %mul3A_442 = arith.muli %scan3A_252, %mul3A_441 : i32
        %add3A_443 = arith.constant 2 : i32
        %add3A_444 = arith.addi %mul3A_442, %add3A_443 : i32
        %swap3A_445 = arith.index_cast %add3A_444 : i32 to index
        %swap3A_446 = arith.constant 48 : index
        %swap3A_447 = tpu.vector_load %arg13[%swap3A_445, %swap3A_446] {strides = array<i32>} : memref<128x64xf32, #tpu.memory_space<vmem>>, vector<16xf32>,
        tpu.vector_store %arg13[%swap3A_445, %swap3A_446], %mul3A_440 {strides = array<i32>} : memref<128x64xf32, #tpu.memory_space<vmem>>, vector<16xf32>,
        %slice3A_448 = vector.extract_strided_slice %div3A_260 {offsets = [3], sizes = [1], strides = [1]} : vector<16xf32> to vector<1xf32>
        %squeeze3A_449 = vector.extract %slice3A_448[0] : f32 from vector<1xf32>
        %broadcast_in_dim3A_450 = vector.broadcast %squeeze3A_449 : f32 to vector<16xf32>
        %mul3A_451 = arith.constant 16 : i32
        %mul3A_452 = arith.muli %scan3A_252, %mul3A_451 : i32
        %add3A_453 = arith.constant 3 : i32
        %add3A_454 = arith.addi %mul3A_452, %add3A_453 : i32
        %get3A_455 = arith.index_cast %add3A_454 : i32 to index
        %get3A_456 = arith.constant 0 : index
        %get3A_457 = tpu.vector_load %arg12[%get3A_455, %get3A_456] {strides = array<i32>} : memref<128x64xf32, #tpu.memory_space<vmem>>, vector<16xf32>,
        %mul3A_458 = arith.mulf %get3A_457, %broadcast_in_dim3A_450 : vector<16xf32>
        %mul3A_459 = arith.constant 16 : i32
        %mul3A_460 = arith.muli %scan3A_252, %mul3A_459 : i32
        %add3A_461 = arith.constant 3 : i32
        %add3A_462 = arith.addi %mul3A_460, %add3A_461 : i32
        %swap3A_463 = arith.index_cast %add3A_462 : i32 to index
        %swap3A_464 = arith.constant 0 : index
        %swap3A_465 = tpu.vector_load %arg13[%swap3A_463, %swap3A_464] {strides = array<i32>} : memref<128x64xf32, #tpu.memory_space<vmem>>, vector<16xf32>,
        tpu.vector_store %arg13[%swap3A_463, %swap3A_464], %mul3A_458 {strides = array<i32>} : memref<128x64xf32, #tpu.memory_space<vmem>>, vector<16xf32>,
        %mul3A_466 = arith.constant 16 : i32
        %mul3A_467 = arith.muli %scan3A_252, %mul3A_466 : i32
        %add3A_468 = arith.constant 3 : i32
        %add3A_469 = arith.addi %mul3A_467, %add3A_468 : i32
        %get3A_470 = arith.index_cast %add3A_469 : i32 to index
        %get3A_471 = arith.constant 16 : index
        %get3A_472 = tpu.vector_load %arg12[%get3A_470, %get3A_471] {strides = array<i32>} : memref<128x64xf32, #tpu.memory_space<vmem>>, vector<16xf32>,
        %mul3A_473 = arith.mulf %get3A_472, %broadcast_in_dim3A_450 : vector<16xf32>
        %mul3A_474 = arith.constant 16 : i32
        %mul3A_475 = arith.muli %scan3A_252, %mul3A_474 : i32
        %add3A_476 = arith.constant 3 : i32
        %add3A_477 = arith.addi %mul3A_475, %add3A_476 : i32
        %swap3A_478 = arith.index_cast %add3A_477 : i32 to index
        %swap3A_479 = arith.constant 16 : index
        %swap3A_480 = tpu.vector_load %arg13[%swap3A_478, %swap3A_479] {strides = array<i32>} : memref<128x64xf32, #tpu.memory_space<vmem>>, vector<16xf32>,
        tpu.vector_store %arg13[%swap3A_478, %swap3A_479], %mul3A_473 {strides = array<i32>} : memref<128x64xf32, #tpu.memory_space<vmem>>, vector<16xf32>,
        %mul3A_481 = arith.constant 16 : i32
        %mul3A_482 = arith.muli %scan3A_252, %mul3A_481 : i32
        %add3A_483 = arith.constant 3 : i32
        %add3A_484 = arith.addi %mul3A_482, %add3A_483 : i32
        %get3A_485 = arith.index_cast %add3A_484 : i32 to index
        %get3A_486 = arith.constant 32 : index
        %get3A_487 = tpu.vector_load %arg12[%get3A_485, %get3A_486] {strides = array<i32>} : memref<128x64xf32, #tpu.memory_space<vmem>>, vector<16xf32>,
        %mul3A_488 = arith.mulf %get3A_487, %broadcast_in_dim3A_450 : vector<16xf32>
        %mul3A_489 = arith.constant 16 : i32
        %mul3A_490 = arith.muli %scan3A_252, %mul3A_489 : i32
        %add3A_491 = arith.constant 3 : i32
        %add3A_492 = arith.addi %mul3A_490, %add3A_491 : i32
        %swap3A_493 = arith.index_cast %add3A_492 : i32 to index
        %swap3A_494 = arith.constant 32 : index
        %swap3A_495 = tpu.vector_load %arg13[%swap3A_493, %swap3A_494] {strides = array<i32>} : memref<128x64xf32, #tpu.memory_space<vmem>>, vector<16xf32>,
        tpu.vector_store %arg13[%swap3A_493, %swap3A_494], %mul3A_488 {strides = array<i32>} : memref<128x64xf32, #tpu.memory_space<vmem>>, vector<16xf32>,
        %mul3A_496 = arith.constant 16 : i32
        %mul3A_497 = arith.muli %scan3A_252, %mul3A_496 : i32
        %add3A_498 = arith.constant 3 : i32
        %add3A_499 = arith.addi %mul3A_497, %add3A_498 : i32
        %get3A_500 = arith.index_cast %add3A_499 : i32 to index
        %get3A_501 = arith.constant 48 : index
        %get3A_502 = tpu.vector_load %arg12[%get3A_500, %get3A_501] {strides = array<i32>} : memref<128x64xf32, #tpu.memory_space<vmem>>, vector<16xf32>,
        %mul3A_503 = arith.mulf %get3A_502, %broadcast_in_dim3A_450 : vector<16xf32>
        %mul3A_504 = arith.constant 16 : i32
        %mul3A_505 = arith.muli %scan3A_252, %mul3A_504 : i32
        %add3A_506 = arith.constant 3 : i32
        %add3A_507 = arith.addi %mul3A_505, %add3A_506 : i32
        %swap3A_508 = arith.index_cast %add3A_507 : i32 to index
        %swap3A_509 = arith.constant 48 : index
        %swap3A_510 = tpu.vector_load %arg13[%swap3A_508, %swap3A_509] {strides = array<i32>} : memref<128x64xf32, #tpu.memory_space<vmem>>, vector<16xf32>,
        tpu.vector_store %arg13[%swap3A_508, %swap3A_509], %mul3A_503 {strides = array<i32>} : memref<128x64xf32, #tpu.memory_space<vmem>>, vector<16xf32>,
        %slice3A_511 = vector.extract_strided_slice %div3A_260 {offsets = [4], sizes = [1], strides = [1]} : vector<16xf32> to vector<1xf32>
        %squeeze3A_512 = vector.extract %slice3A_511[0] : f32 from vector<1xf32>
        %broadcast_in_dim3A_513 = vector.broadcast %squeeze3A_512 : f32 to vector<16xf32>
        %mul3A_514 = arith.constant 16 : i32
        %mul3A_515 = arith.muli %scan3A_252, %mul3A_514 : i32
        %add3A_516 = arith.constant 4 : i32
        %add3A_517 = arith.addi %mul3A_515, %add3A_516 : i32
        %get3A_518 = arith.index_cast %add3A_517 : i32 to index
        %get3A_519 = arith.constant 0 : index
        %get3A_520 = tpu.vector_load %arg12[%get3A_518, %get3A_519] {strides = array<i32>} : memref<128x64xf32, #tpu.memory_space<vmem>>, vector<16xf32>,
        %mul3A_521 = arith.mulf %get3A_520, %broadcast_in_dim3A_513 : vector<16xf32>
        %mul3A_522 = arith.constant 16 : i32
        %mul3A_523 = arith.muli %scan3A_252, %mul3A_522 : i32
        %add3A_524 = arith.constant 4 : i32
        %add3A_525 = arith.addi %mul3A_523, %add3A_524 : i32
        %swap3A_526 = arith.index_cast %add3A_525 : i32 to index
        %swap3A_527 = arith.constant 0 : index
        %swap3A_528 = tpu.vector_load %arg13[%swap3A_526, %swap3A_527] {strides = array<i32>} : memref<128x64xf32, #tpu.memory_space<vmem>>, vector<16xf32>,
        tpu.vector_store %arg13[%swap3A_526, %swap3A_527], %mul3A_521 {strides = array<i32>} : memref<128x64xf32, #tpu.memory_space<vmem>>, vector<16xf32>,
        %mul3A_529 = arith.constant 16 : i32
        %mul3A_530 = arith.muli %scan3A_252, %mul3A_529 : i32
        %add3A_531 = arith.constant 4 : i32
        %add3A_532 = arith.addi %mul3A_530, %add3A_531 : i32
        %get3A_533 = arith.index_cast %add3A_532 : i32 to index
        %get3A_534 = arith.constant 16 : index
        %get3A_535 = tpu.vector_load %arg12[%get3A_533, %get3A_534] {strides = array<i32>} : memref<128x64xf32, #tpu.memory_space<vmem>>, vector<16xf32>,
        %mul3A_536 = arith.mulf %get3A_535, %broadcast_in_dim3A_513 : vector<16xf32>
        %mul3A_537 = arith.constant 16 : i32
        %mul3A_538 = arith.muli %scan3A_252, %mul3A_537 : i32
        %add3A_539 = arith.constant 4 : i32
        %add3A_540 = arith.addi %mul3A_538, %add3A_539 : i32
        %swap3A_541 = arith.index_cast %add3A_540 : i32 to index
        %swap3A_542 = arith.constant 16 : index
        %swap3A_543 = tpu.vector_load %arg13[%swap3A_541, %swap3A_542] {strides = array<i32>} : memref<128x64xf32, #tpu.memory_space<vmem>>, vector<16xf32>,
        tpu.vector_store %arg13[%swap3A_541, %swap3A_542], %mul3A_536 {strides = array<i32>} : memref<128x64xf32, #tpu.memory_space<vmem>>, vector<16xf32>,
        %mul3A_544 = arith.constant 16 : i32
        %mul3A_545 = arith.muli %scan3A_252, %mul3A_544 : i32
        %add3A_546 = arith.constant 4 : i32
        %add3A_547 = arith.addi %mul3A_545, %add3A_546 : i32
        %get3A_548 = arith.index_cast %add3A_547 : i32 to index
        %get3A_549 = arith.constant 32 : index
        %get3A_550 = tpu.vector_load %arg12[%get3A_548, %get3A_549] {strides = array<i32>} : memref<128x64xf32, #tpu.memory_space<vmem>>, vector<16xf32>,
        %mul3A_551 = arith.mulf %get3A_550, %broadcast_in_dim3A_513 : vector<16xf32>
        %mul3A_552 = arith.constant 16 : i32
        %mul3A_553 = arith.muli %scan3A_252, %mul3A_552 : i32
        %add3A_554 = arith.constant 4 : i32
        %add3A_555 = arith.addi %mul3A_553, %add3A_554 : i32
        %swap3A_556 = arith.index_cast %add3A_555 : i32 to index
        %swap3A_557 = arith.constant 32 : index
        %swap3A_558 = tpu.vector_load %arg13[%swap3A_556, %swap3A_557] {strides = array<i32>} : memref<128x64xf32, #tpu.memory_space<vmem>>, vector<16xf32>,
        tpu.vector_store %arg13[%swap3A_556, %swap3A_557], %mul3A_551 {strides = array<i32>} : memref<128x64xf32, #tpu.memory_space<vmem>>, vector<16xf32>,
        %mul3A_559 = arith.constant 16 : i32
        %mul3A_560 = arith.muli %scan3A_252, %mul3A_559 : i32
        %add3A_561 = arith.constant 4 : i32
        %add3A_562 = arith.addi %mul3A_560, %add3A_561 : i32
        %get3A_563 = arith.index_cast %add3A_562 : i32 to index
        %get3A_564 = arith.constant 48 : index
        %get3A_565 = tpu.vector_load %arg12[%get3A_563, %get3A_564] {strides = array<i32>} : memref<128x64xf32, #tpu.memory_space<vmem>>, vector<16xf32>,
        %mul3A_566 = arith.mulf %get3A_565, %broadcast_in_dim3A_513 : vector<16xf32>
        %mul3A_567 = arith.constant 16 : i32
        %mul3A_568 = arith.muli %scan3A_252, %mul3A_567 : i32
        %add3A_569 = arith.constant 4 : i32
        %add3A_570 = arith.addi %mul3A_568, %add3A_569 : i32
        %swap3A_571 = arith.index_cast %add3A_570 : i32 to index
        %swap3A_572 = arith.constant 48 : index
        %swap3A_573 = tpu.vector_load %arg13[%swap3A_571, %swap3A_572] {strides = array<i32>} : memref<128x64xf32, #tpu.memory_space<vmem>>, vector<16xf32>,
        tpu.vector_store %arg13[%swap3A_571, %swap3A_572], %mul3A_566 {strides = array<i32>} : memref<128x64xf32, #tpu.memory_space<vmem>>, vector<16xf32>,
        %slice3A_574 = vector.extract_strided_slice %div3A_260 {offsets = [5], sizes = [1], strides = [1]} : vector<16xf32> to vector<1xf32>
        %squeeze3A_575 = vector.extract %slice3A_574[0] : f32 from vector<1xf32>
        %broadcast_in_dim3A_576 = vector.broadcast %squeeze3A_575 : f32 to vector<16xf32>
        %mul3A_577 = arith.constant 16 : i32
        %mul3A_578 = arith.muli %scan3A_252, %mul3A_577 : i32
        %add3A_579 = arith.constant 5 : i32
        %add3A_580 = arith.addi %mul3A_578, %add3A_579 : i32
        %get3A_581 = arith.index_cast %add3A_580 : i32 to index
        %get3A_582 = arith.constant 0 : index
        %get3A_583 = tpu.vector_load %arg12[%get3A_581, %get3A_582] {strides = array<i32>} : memref<128x64xf32, #tpu.memory_space<vmem>>, vector<16xf32>,
        %mul3A_584 = arith.mulf %get3A_583, %broadcast_in_dim3A_576 : vector<16xf32>
        %mul3A_585 = arith.constant 16 : i32
        %mul3A_586 = arith.muli %scan3A_252, %mul3A_585 : i32
        %add3A_587 = arith.constant 5 : i32
        %add3A_588 = arith.addi %mul3A_586, %add3A_587 : i32
        %swap3A_589 = arith.index_cast %add3A_588 : i32 to index
        %swap3A_590 = arith.constant 0 : index
        %swap3A_591 = tpu.vector_load %arg13[%swap3A_589, %swap3A_590] {strides = array<i32>} : memref<128x64xf32, #tpu.memory_space<vmem>>, vector<16xf32>,
        tpu.vector_store %arg13[%swap3A_589, %swap3A_590], %mul3A_584 {strides = array<i32>} : memref<128x64xf32, #tpu.memory_space<vmem>>, vector<16xf32>,
        %mul3A_592 = arith.constant 16 : i32
        %mul3A_593 = arith.muli %scan3A_252, %mul3A_592 : i32
        %add3A_594 = arith.constant 5 : i32
        %add3A_595 = arith.addi %mul3A_593, %add3A_594 : i32
        %get3A_596 = arith.index_cast %add3A_595 : i32 to index
        %get3A_597 = arith.constant 16 : index
        %get3A_598 = tpu.vector_load %arg12[%get3A_596, %get3A_597] {strides = array<i32>} : memref<128x64xf32, #tpu.memory_space<vmem>>, vector<16xf32>,
        %mul3A_599 = arith.mulf %get3A_598, %broadcast_in_dim3A_576 : vector<16xf32>
        %mul3A_600 = arith.constant 16 : i32
        %mul3A_601 = arith.muli %scan3A_252, %mul3A_600 : i32
        %add3A_602 = arith.constant 5 : i32
        %add3A_603 = arith.addi %mul3A_601, %add3A_602 : i32
        %swap3A_604 = arith.index_cast %add3A_603 : i32 to index
        %swap3A_605 = arith.constant 16 : index
        %swap3A_606 = tpu.vector_load %arg13[%swap3A_604, %swap3A_605] {strides = array<i32>} : memref<128x64xf32, #tpu.memory_space<vmem>>, vector<16xf32>,
        tpu.vector_store %arg13[%swap3A_604, %swap3A_605], %mul3A_599 {strides = array<i32>} : memref<128x64xf32, #tpu.memory_space<vmem>>, vector<16xf32>,
        %mul3A_607 = arith.constant 16 : i32
        %mul3A_608 = arith.muli %scan3A_252, %mul3A_607 : i32
        %add3A_609 = arith.constant 5 : i32
        %add3A_610 = arith.addi %mul3A_608, %add3A_609 : i32
        %get3A_611 = arith.index_cast %add3A_610 : i32 to index
        %get3A_612 = arith.constant 32 : index
        %get3A_613 = tpu.vector_load %arg12[%get3A_611, %get3A_612] {strides = array<i32>} : memref<128x64xf32, #tpu.memory_space<vmem>>, vector<16xf32>,
        %mul3A_614 = arith.mulf %get3A_613, %broadcast_in_dim3A_576 : vector<16xf32>
        %mul3A_615 = arith.constant 16 : i32
        %mul3A_616 = arith.muli %scan3A_252, %mul3A_615 : i32
        %add3A_617 = arith.constant 5 : i32
        %add3A_618 = arith.addi %mul3A_616, %add3A_617 : i32
        %swap3A_619 = arith.index_cast %add3A_618 : i32 to index
        %swap3A_620 = arith.constant 32 : index
        %swap3A_621 = tpu.vector_load %arg13[%swap3A_619, %swap3A_620] {strides = array<i32>} : memref<128x64xf32, #tpu.memory_space<vmem>>, vector<16xf32>,
        tpu.vector_store %arg13[%swap3A_619, %swap3A_620], %mul3A_614 {strides = array<i32>} : memref<128x64xf32, #tpu.memory_space<vmem>>, vector<16xf32>,
        %mul3A_622 = arith.constant 16 : i32
        %mul3A_623 = arith.muli %scan3A_252, %mul3A_622 : i32
        %add3A_624 = arith.constant 5 : i32
        %add3A_625 = arith.addi %mul3A_623, %add3A_624 : i32
        %get3A_626 = arith.index_cast %add3A_625 : i32 to index
        %get3A_627 = arith.constant 48 : index
        %get3A_628 = tpu.vector_load %arg12[%get3A_626, %get3A_627] {strides = array<i32>} : memref<128x64xf32, #tpu.memory_space<vmem>>, vector<16xf32>,
        %mul3A_629 = arith.mulf %get3A_628, %broadcast_in_dim3A_576 : vector<16xf32>
        %mul3A_630 = arith.constant 16 : i32
        %mul3A_631 = arith.muli %scan3A_252, %mul3A_630 : i32
        %add3A_632 = arith.constant 5 : i32
        %add3A_633 = arith.addi %mul3A_631, %add3A_632 : i32
        %swap3A_634 = arith.index_cast %add3A_633 : i32 to index
        %swap3A_635 = arith.constant 48 : index
        %swap3A_636 = tpu.vector_load %arg13[%swap3A_634, %swap3A_635] {strides = array<i32>} : memref<128x64xf32, #tpu.memory_space<vmem>>, vector<16xf32>,
        tpu.vector_store %arg13[%swap3A_634, %swap3A_635], %mul3A_629 {strides = array<i32>} : memref<128x64xf32, #tpu.memory_space<vmem>>, vector<16xf32>,
        %slice3A_637 = vector.extract_strided_slice %div3A_260 {offsets = [6], sizes = [1], strides = [1]} : vector<16xf32> to vector<1xf32>
        %squeeze3A_638 = vector.extract %slice3A_637[0] : f32 from vector<1xf32>
        %broadcast_in_dim3A_639 = vector.broadcast %squeeze3A_638 : f32 to vector<16xf32>
        %mul3A_640 = arith.constant 16 : i32
        %mul3A_641 = arith.muli %scan3A_252, %mul3A_640 : i32
        %add3A_642 = arith.constant 6 : i32
        %add3A_643 = arith.addi %mul3A_641, %add3A_642 : i32
        %get3A_644 = arith.index_cast %add3A_643 : i32 to index
        %get3A_645 = arith.constant 0 : index
        %get3A_646 = tpu.vector_load %arg12[%get3A_644, %get3A_645] {strides = array<i32>} : memref<128x64xf32, #tpu.memory_space<vmem>>, vector<16xf32>,
        %mul3A_647 = arith.mulf %get3A_646, %broadcast_in_dim3A_639 : vector<16xf32>
        %mul3A_648 = arith.constant 16 : i32
        %mul3A_649 = arith.muli %scan3A_252, %mul3A_648 : i32
        %add3A_650 = arith.constant 6 : i32
        %add3A_651 = arith.addi %mul3A_649, %add3A_650 : i32
        %swap3A_652 = arith.index_cast %add3A_651 : i32 to index
        %swap3A_653 = arith.constant 0 : index
        %swap3A_654 = tpu.vector_load %arg13[%swap3A_652, %swap3A_653] {strides = array<i32>} : memref<128x64xf32, #tpu.memory_space<vmem>>, vector<16xf32>,
        tpu.vector_store %arg13[%swap3A_652, %swap3A_653], %mul3A_647 {strides = array<i32>} : memref<128x64xf32, #tpu.memory_space<vmem>>, vector<16xf32>,
        %mul3A_655 = arith.constant 16 : i32
        %mul3A_656 = arith.muli %scan3A_252, %mul3A_655 : i32
        %add3A_657 = arith.constant 6 : i32
        %add3A_658 = arith.addi %mul3A_656, %add3A_657 : i32
        %get3A_659 = arith.index_cast %add3A_658 : i32 to index
        %get3A_660 = arith.constant 16 : index
        %get3A_661 = tpu.vector_load %arg12[%get3A_659, %get3A_660] {strides = array<i32>} : memref<128x64xf32, #tpu.memory_space<vmem>>, vector<16xf32>,
        %mul3A_662 = arith.mulf %get3A_661, %broadcast_in_dim3A_639 : vector<16xf32>
        %mul3A_663 = arith.constant 16 : i32
        %mul3A_664 = arith.muli %scan3A_252, %mul3A_663 : i32
        %add3A_665 = arith.constant 6 : i32
        %add3A_666 = arith.addi %mul3A_664, %add3A_665 : i32
        %swap3A_667 = arith.index_cast %add3A_666 : i32 to index
        %swap3A_668 = arith.constant 16 : index
        %swap3A_669 = tpu.vector_load %arg13[%swap3A_667, %swap3A_668] {strides = array<i32>} : memref<128x64xf32, #tpu.memory_space<vmem>>, vector<16xf32>,
        tpu.vector_store %arg13[%swap3A_667, %swap3A_668], %mul3A_662 {strides = array<i32>} : memref<128x64xf32, #tpu.memory_space<vmem>>, vector<16xf32>,
        %mul3A_670 = arith.constant 16 : i32
        %mul3A_671 = arith.muli %scan3A_252, %mul3A_670 : i32
        %add3A_672 = arith.constant 6 : i32
        %add3A_673 = arith.addi %mul3A_671, %add3A_672 : i32
        %get3A_674 = arith.index_cast %add3A_673 : i32 to index
        %get3A_675 = arith.constant 32 : index
        %get3A_676 = tpu.vector_load %arg12[%get3A_674, %get3A_675] {strides = array<i32>} : memref<128x64xf32, #tpu.memory_space<vmem>>, vector<16xf32>,
        %mul3A_677 = arith.mulf %get3A_676, %broadcast_in_dim3A_639 : vector<16xf32>
        %mul3A_678 = arith.constant 16 : i32
        %mul3A_679 = arith.muli %scan3A_252, %mul3A_678 : i32
        %add3A_680 = arith.constant 6 : i32
        %add3A_681 = arith.addi %mul3A_679, %add3A_680 : i32
        %swap3A_682 = arith.index_cast %add3A_681 : i32 to index
        %swap3A_683 = arith.constant 32 : index
        %swap3A_684 = tpu.vector_load %arg13[%swap3A_682, %swap3A_683] {strides = array<i32>} : memref<128x64xf32, #tpu.memory_space<vmem>>, vector<16xf32>,
        tpu.vector_store %arg13[%swap3A_682, %swap3A_683], %mul3A_677 {strides = array<i32>} : memref<128x64xf32, #tpu.memory_space<vmem>>, vector<16xf32>,
        %mul3A_685 = arith.constant 16 : i32
        %mul3A_686 = arith.muli %scan3A_252, %mul3A_685 : i32
        %add3A_687 = arith.constant 6 : i32
        %add3A_688 = arith.addi %mul3A_686, %add3A_687 : i32
        %get3A_689 = arith.index_cast %add3A_688 : i32 to index
        %get3A_690 = arith.constant 48 : index
        %get3A_691 = tpu.vector_load %arg12[%get3A_689, %get3A_690] {strides = array<i32>} : memref<128x64xf32, #tpu.memory_space<vmem>>, vector<16xf32>,
        %mul3A_692 = arith.mulf %get3A_691, %broadcast_in_dim3A_639 : vector<16xf32>
        %mul3A_693 = arith.constant 16 : i32
        %mul3A_694 = arith.muli %scan3A_252, %mul3A_693 : i32
        %add3A_695 = arith.constant 6 : i32
        %add3A_696 = arith.addi %mul3A_694, %add3A_695 : i32
        %swap3A_697 = arith.index_cast %add3A_696 : i32 to index
        %swap3A_698 = arith.constant 48 : index
        %swap3A_699 = tpu.vector_load %arg13[%swap3A_697, %swap3A_698] {strides = array<i32>} : memref<128x64xf32, #tpu.memory_space<vmem>>, vector<16xf32>,
        tpu.vector_store %arg13[%swap3A_697, %swap3A_698], %mul3A_692 {strides = array<i32>} : memref<128x64xf32, #tpu.memory_space<vmem>>, vector<16xf32>,
        %slice3A_700 = vector.extract_strided_slice %div3A_260 {offsets = [7], sizes = [1], strides = [1]} : vector<16xf32> to vector<1xf32>
        %squeeze3A_701 = vector.extract %slice3A_700[0] : f32 from vector<1xf32>
        %broadcast_in_dim3A_702 = vector.broadcast %squeeze3A_701 : f32 to vector<16xf32>
        %mul3A_703 = arith.constant 16 : i32
        %mul3A_704 = arith.muli %scan3A_252, %mul3A_703 : i32
        %add3A_705 = arith.constant 7 : i32
        %add3A_706 = arith.addi %mul3A_704, %add3A_705 : i32
        %get3A_707 = arith.index_cast %add3A_706 : i32 to index
        %get3A_708 = arith.constant 0 : index
        %get3A_709 = tpu.vector_load %arg12[%get3A_707, %get3A_708] {strides = array<i32>} : memref<128x64xf32, #tpu.memory_space<vmem>>, vector<16xf32>,
        %mul3A_710 = arith.mulf %get3A_709, %broadcast_in_dim3A_702 : vector<16xf32>
        %mul3A_711 = arith.constant 16 : i32
        %mul3A_712 = arith.muli %scan3A_252, %mul3A_711 : i32
        %add3A_713 = arith.constant 7 : i32
        %add3A_714 = arith.addi %mul3A_712, %add3A_713 : i32
        %swap3A_715 = arith.index_cast %add3A_714 : i32 to index
        %swap3A_716 = arith.constant 0 : index
        %swap3A_717 = tpu.vector_load %arg13[%swap3A_715, %swap3A_716] {strides = array<i32>} : memref<128x64xf32, #tpu.memory_space<vmem>>, vector<16xf32>,
        tpu.vector_store %arg13[%swap3A_715, %swap3A_716], %mul3A_710 {strides = array<i32>} : memref<128x64xf32, #tpu.memory_space<vmem>>, vector<16xf32>,
        %mul3A_718 = arith.constant 16 : i32
        %mul3A_719 = arith.muli %scan3A_252, %mul3A_718 : i32
        %add3A_720 = arith.constant 7 : i32
        %add3A_721 = arith.addi %mul3A_719, %add3A_720 : i32
        %get3A_722 = arith.index_cast %add3A_721 : i32 to index
        %get3A_723 = arith.constant 16 : index
        %get3A_724 = tpu.vector_load %arg12[%get3A_722, %get3A_723] {strides = array<i32>} : memref<128x64xf32, #tpu.memory_space<vmem>>, vector<16xf32>,
        %mul3A_725 = arith.mulf %get3A_724, %broadcast_in_dim3A_702 : vector<16xf32>
        %mul3A_726 = arith.constant 16 : i32
        %mul3A_727 = arith.muli %scan3A_252, %mul3A_726 : i32
        %add3A_728 = arith.constant 7 : i32
        %add3A_729 = arith.addi %mul3A_727, %add3A_728 : i32
        %swap3A_730 = arith.index_cast %add3A_729 : i32 to index
        %swap3A_731 = arith.constant 16 : index
        %swap3A_732 = tpu.vector_load %arg13[%swap3A_730, %swap3A_731] {strides = array<i32>} : memref<128x64xf32, #tpu.memory_space<vmem>>, vector<16xf32>,
        tpu.vector_store %arg13[%swap3A_730, %swap3A_731], %mul3A_725 {strides = array<i32>} : memref<128x64xf32, #tpu.memory_space<vmem>>, vector<16xf32>,
        %mul3A_733 = arith.constant 16 : i32
        %mul3A_734 = arith.muli %scan3A_252, %mul3A_733 : i32
        %add3A_735 = arith.constant 7 : i32
        %add3A_736 = arith.addi %mul3A_734, %add3A_735 : i32
        %get3A_737 = arith.index_cast %add3A_736 : i32 to index
        %get3A_738 = arith.constant 32 : index
        %get3A_739 = tpu.vector_load %arg12[%get3A_737, %get3A_738] {strides = array<i32>} : memref<128x64xf32, #tpu.memory_space<vmem>>, vector<16xf32>,
        %mul3A_740 = arith.mulf %get3A_739, %broadcast_in_dim3A_702 : vector<16xf32>
        %mul3A_741 = arith.constant 16 : i32
        %mul3A_742 = arith.muli %scan3A_252, %mul3A_741 : i32
        %add3A_743 = arith.constant 7 : i32
        %add3A_744 = arith.addi %mul3A_742, %add3A_743 : i32
        %swap3A_745 = arith.index_cast %add3A_744 : i32 to index
        %swap3A_746 = arith.constant 32 : index
        %swap3A_747 = tpu.vector_load %arg13[%swap3A_745, %swap3A_746] {strides = array<i32>} : memref<128x64xf32, #tpu.memory_space<vmem>>, vector<16xf32>,
        tpu.vector_store %arg13[%swap3A_745, %swap3A_746], %mul3A_740 {strides = array<i32>} : memref<128x64xf32, #tpu.memory_space<vmem>>, vector<16xf32>,
        %mul3A_748 = arith.constant 16 : i32
        %mul3A_749 = arith.muli %scan3A_252, %mul3A_748 : i32
        %add3A_750 = arith.constant 7 : i32
        %add3A_751 = arith.addi %mul3A_749, %add3A_750 : i32
        %get3A_752 = arith.index_cast %add3A_751 : i32 to index
        %get3A_753 = arith.constant 48 : index
        %get3A_754 = tpu.vector_load %arg12[%get3A_752, %get3A_753] {strides = array<i32>} : memref<128x64xf32, #tpu.memory_space<vmem>>, vector<16xf32>,
        %mul3A_755 = arith.mulf %get3A_754, %broadcast_in_dim3A_702 : vector<16xf32>
        %mul3A_756 = arith.constant 16 : i32
        %mul3A_757 = arith.muli %scan3A_252, %mul3A_756 : i32
        %add3A_758 = arith.constant 7 : i32
        %add3A_759 = arith.addi %mul3A_757, %add3A_758 : i32
        %swap3A_760 = arith.index_cast %add3A_759 : i32 to index
        %swap3A_761 = arith.constant 48 : index
        %swap3A_762 = tpu.vector_load %arg13[%swap3A_760, %swap3A_761] {strides = array<i32>} : memref<128x64xf32, #tpu.memory_space<vmem>>, vector<16xf32>,
        tpu.vector_store %arg13[%swap3A_760, %swap3A_761], %mul3A_755 {strides = array<i32>} : memref<128x64xf32, #tpu.memory_space<vmem>>, vector<16xf32>,
        %slice3A_763 = vector.extract_strided_slice %div3A_260 {offsets = [8], sizes = [1], strides = [1]} : vector<16xf32> to vector<1xf32>
        %squeeze3A_764 = vector.extract %slice3A_763[0] : f32 from vector<1xf32>
        %broadcast_in_dim3A_765 = vector.broadcast %squeeze3A_764 : f32 to vector<16xf32>
        %mul3A_766 = arith.constant 16 : i32
        %mul3A_767 = arith.muli %scan3A_252, %mul3A_766 : i32
        %add3A_768 = arith.constant 8 : i32
        %add3A_769 = arith.addi %mul3A_767, %add3A_768 : i32
        %get3A_770 = arith.index_cast %add3A_769 : i32 to index
        %get3A_771 = arith.constant 0 : index
        %get3A_772 = tpu.vector_load %arg12[%get3A_770, %get3A_771] {strides = array<i32>} : memref<128x64xf32, #tpu.memory_space<vmem>>, vector<16xf32>,
        %mul3A_773 = arith.mulf %get3A_772, %broadcast_in_dim3A_765 : vector<16xf32>
        %mul3A_774 = arith.constant 16 : i32
        %mul3A_775 = arith.muli %scan3A_252, %mul3A_774 : i32
        %add3A_776 = arith.constant 8 : i32
        %add3A_777 = arith.addi %mul3A_775, %add3A_776 : i32
        %swap3A_778 = arith.index_cast %add3A_777 : i32 to index
        %swap3A_779 = arith.constant 0 : index
        %swap3A_780 = tpu.vector_load %arg13[%swap3A_778, %swap3A_779] {strides = array<i32>} : memref<128x64xf32, #tpu.memory_space<vmem>>, vector<16xf32>,
        tpu.vector_store %arg13[%swap3A_778, %swap3A_779], %mul3A_773 {strides = array<i32>} : memref<128x64xf32, #tpu.memory_space<vmem>>, vector<16xf32>,
        %mul3A_781 = arith.constant 16 : i32
        %mul3A_782 = arith.muli %scan3A_252, %mul3A_781 : i32
        %add3A_783 = arith.constant 8 : i32
        %add3A_784 = arith.addi %mul3A_782, %add3A_783 : i32
        %get3A_785 = arith.index_cast %add3A_784 : i32 to index
        %get3A_786 = arith.constant 16 : index
        %get3A_787 = tpu.vector_load %arg12[%get3A_785, %get3A_786] {strides = array<i32>} : memref<128x64xf32, #tpu.memory_space<vmem>>, vector<16xf32>,
        %mul3A_788 = arith.mulf %get3A_787, %broadcast_in_dim3A_765 : vector<16xf32>
        %mul3A_789 = arith.constant 16 : i32
        %mul3A_790 = arith.muli %scan3A_252, %mul3A_789 : i32
        %add3A_791 = arith.constant 8 : i32
        %add3A_792 = arith.addi %mul3A_790, %add3A_791 : i32
        %swap3A_793 = arith.index_cast %add3A_792 : i32 to index
        %swap3A_794 = arith.constant 16 : index
        %swap3A_795 = tpu.vector_load %arg13[%swap3A_793, %swap3A_794] {strides = array<i32>} : memref<128x64xf32, #tpu.memory_space<vmem>>, vector<16xf32>,
        tpu.vector_store %arg13[%swap3A_793, %swap3A_794], %mul3A_788 {strides = array<i32>} : memref<128x64xf32, #tpu.memory_space<vmem>>, vector<16xf32>,
        %mul3A_796 = arith.constant 16 : i32
        %mul3A_797 = arith.muli %scan3A_252, %mul3A_796 : i32
        %add3A_798 = arith.constant 8 : i32
        %add3A_799 = arith.addi %mul3A_797, %add3A_798 : i32
        %get3A_800 = arith.index_cast %add3A_799 : i32 to index
        %get3A_801 = arith.constant 32 : index
        %get3A_802 = tpu.vector_load %arg12[%get3A_800, %get3A_801] {strides = array<i32>} : memref<128x64xf32, #tpu.memory_space<vmem>>, vector<16xf32>,
        %mul3A_803 = arith.mulf %get3A_802, %broadcast_in_dim3A_765 : vector<16xf32>
        %mul3A_804 = arith.constant 16 : i32
        %mul3A_805 = arith.muli %scan3A_252, %mul3A_804 : i32
        %add3A_806 = arith.constant 8 : i32
        %add3A_807 = arith.addi %mul3A_805, %add3A_806 : i32
        %swap3A_808 = arith.index_cast %add3A_807 : i32 to index
        %swap3A_809 = arith.constant 32 : index
        %swap3A_810 = tpu.vector_load %arg13[%swap3A_808, %swap3A_809] {strides = array<i32>} : memref<128x64xf32, #tpu.memory_space<vmem>>, vector<16xf32>,
        tpu.vector_store %arg13[%swap3A_808, %swap3A_809], %mul3A_803 {strides = array<i32>} : memref<128x64xf32, #tpu.memory_space<vmem>>, vector<16xf32>,
        %mul3A_811 = arith.constant 16 : i32
        %mul3A_812 = arith.muli %scan3A_252, %mul3A_811 : i32
        %add3A_813 = arith.constant 8 : i32
        %add3A_814 = arith.addi %mul3A_812, %add3A_813 : i32
        %get3A_815 = arith.index_cast %add3A_814 : i32 to index
        %get3A_816 = arith.constant 48 : index
        %get3A_817 = tpu.vector_load %arg12[%get3A_815, %get3A_816] {strides = array<i32>} : memref<128x64xf32, #tpu.memory_space<vmem>>, vector<16xf32>,
        %mul3A_818 = arith.mulf %get3A_817, %broadcast_in_dim3A_765 : vector<16xf32>
        %mul3A_819 = arith.constant 16 : i32
        %mul3A_820 = arith.muli %scan3A_252, %mul3A_819 : i32
        %add3A_821 = arith.constant 8 : i32
        %add3A_822 = arith.addi %mul3A_820, %add3A_821 : i32
        %swap3A_823 = arith.index_cast %add3A_822 : i32 to index
        %swap3A_824 = arith.constant 48 : index
        %swap3A_825 = tpu.vector_load %arg13[%swap3A_823, %swap3A_824] {strides = array<i32>} : memref<128x64xf32, #tpu.memory_space<vmem>>, vector<16xf32>,
        tpu.vector_store %arg13[%swap3A_823, %swap3A_824], %mul3A_818 {strides = array<i32>} : memref<128x64xf32, #tpu.memory_space<vmem>>, vector<16xf32>,
        %slice3A_826 = vector.extract_strided_slice %div3A_260 {offsets = [9], sizes = [1], strides = [1]} : vector<16xf32> to vector<1xf32>
        %squeeze3A_827 = vector.extract %slice3A_826[0] : f32 from vector<1xf32>
        %broadcast_in_dim3A_828 = vector.broadcast %squeeze3A_827 : f32 to vector<16xf32>
        %mul3A_829 = arith.constant 16 : i32
        %mul3A_830 = arith.muli %scan3A_252, %mul3A_829 : i32
        %add3A_831 = arith.constant 9 : i32
        %add3A_832 = arith.addi %mul3A_830, %add3A_831 : i32
        %get3A_833 = arith.index_cast %add3A_832 : i32 to index
        %get3A_834 = arith.constant 0 : index
        %get3A_835 = tpu.vector_load %arg12[%get3A_833, %get3A_834] {strides = array<i32>} : memref<128x64xf32, #tpu.memory_space<vmem>>, vector<16xf32>,
        %mul3A_836 = arith.mulf %get3A_835, %broadcast_in_dim3A_828 : vector<16xf32>
        %mul3A_837 = arith.constant 16 : i32
        %mul3A_838 = arith.muli %scan3A_252, %mul3A_837 : i32
        %add3A_839 = arith.constant 9 : i32
        %add3A_840 = arith.addi %mul3A_838, %add3A_839 : i32
        %swap3A_841 = arith.index_cast %add3A_840 : i32 to index
        %swap3A_842 = arith.constant 0 : index
        %swap3A_843 = tpu.vector_load %arg13[%swap3A_841, %swap3A_842] {strides = array<i32>} : memref<128x64xf32, #tpu.memory_space<vmem>>, vector<16xf32>,
        tpu.vector_store %arg13[%swap3A_841, %swap3A_842], %mul3A_836 {strides = array<i32>} : memref<128x64xf32, #tpu.memory_space<vmem>>, vector<16xf32>,
        %mul3A_844 = arith.constant 16 : i32
        %mul3A_845 = arith.muli %scan3A_252, %mul3A_844 : i32
        %add3A_846 = arith.constant 9 : i32
        %add3A_847 = arith.addi %mul3A_845, %add3A_846 : i32
        %get3A_848 = arith.index_cast %add3A_847 : i32 to index
        %get3A_849 = arith.constant 16 : index
        %get3A_850 = tpu.vector_load %arg12[%get3A_848, %get3A_849] {strides = array<i32>} : memref<128x64xf32, #tpu.memory_space<vmem>>, vector<16xf32>,
        %mul3A_851 = arith.mulf %get3A_850, %broadcast_in_dim3A_828 : vector<16xf32>
        %mul3A_852 = arith.constant 16 : i32
        %mul3A_853 = arith.muli %scan3A_252, %mul3A_852 : i32
        %add3A_854 = arith.constant 9 : i32
        %add3A_855 = arith.addi %mul3A_853, %add3A_854 : i32
        %swap3A_856 = arith.index_cast %add3A_855 : i32 to index
        %swap3A_857 = arith.constant 16 : index
        %swap3A_858 = tpu.vector_load %arg13[%swap3A_856, %swap3A_857] {strides = array<i32>} : memref<128x64xf32, #tpu.memory_space<vmem>>, vector<16xf32>,
        tpu.vector_store %arg13[%swap3A_856, %swap3A_857], %mul3A_851 {strides = array<i32>} : memref<128x64xf32, #tpu.memory_space<vmem>>, vector<16xf32>,
        %mul3A_859 = arith.constant 16 : i32
        %mul3A_860 = arith.muli %scan3A_252, %mul3A_859 : i32
        %add3A_861 = arith.constant 9 : i32
        %add3A_862 = arith.addi %mul3A_860, %add3A_861 : i32
        %get3A_863 = arith.index_cast %add3A_862 : i32 to index
        %get3A_864 = arith.constant 32 : index
        %get3A_865 = tpu.vector_load %arg12[%get3A_863, %get3A_864] {strides = array<i32>} : memref<128x64xf32, #tpu.memory_space<vmem>>, vector<16xf32>,
        %mul3A_866 = arith.mulf %get3A_865, %broadcast_in_dim3A_828 : vector<16xf32>
        %mul3A_867 = arith.constant 16 : i32
        %mul3A_868 = arith.muli %scan3A_252, %mul3A_867 : i32
        %add3A_869 = arith.constant 9 : i32
        %add3A_870 = arith.addi %mul3A_868, %add3A_869 : i32
        %swap3A_871 = arith.index_cast %add3A_870 : i32 to index
        %swap3A_872 = arith.constant 32 : index
        %swap3A_873 = tpu.vector_load %arg13[%swap3A_871, %swap3A_872] {strides = array<i32>} : memref<128x64xf32, #tpu.memory_space<vmem>>, vector<16xf32>,
        tpu.vector_store %arg13[%swap3A_871, %swap3A_872], %mul3A_866 {strides = array<i32>} : memref<128x64xf32, #tpu.memory_space<vmem>>, vector<16xf32>,
        %mul3A_874 = arith.constant 16 : i32
        %mul3A_875 = arith.muli %scan3A_252, %mul3A_874 : i32
        %add3A_876 = arith.constant 9 : i32
        %add3A_877 = arith.addi %mul3A_875, %add3A_876 : i32
        %get3A_878 = arith.index_cast %add3A_877 : i32 to index
        %get3A_879 = arith.constant 48 : index
        %get3A_880 = tpu.vector_load %arg12[%get3A_878, %get3A_879] {strides = array<i32>} : memref<128x64xf32, #tpu.memory_space<vmem>>, vector<16xf32>,
        %mul3A_881 = arith.mulf %get3A_880, %broadcast_in_dim3A_828 : vector<16xf32>
        %mul3A_882 = arith.constant 16 : i32
        %mul3A_883 = arith.muli %scan3A_252, %mul3A_882 : i32
        %add3A_884 = arith.constant 9 : i32
        %add3A_885 = arith.addi %mul3A_883, %add3A_884 : i32
        %swap3A_886 = arith.index_cast %add3A_885 : i32 to index
        %swap3A_887 = arith.constant 48 : index
        %swap3A_888 = tpu.vector_load %arg13[%swap3A_886, %swap3A_887] {strides = array<i32>} : memref<128x64xf32, #tpu.memory_space<vmem>>, vector<16xf32>,
        tpu.vector_store %arg13[%swap3A_886, %swap3A_887], %mul3A_881 {strides = array<i32>} : memref<128x64xf32, #tpu.memory_space<vmem>>, vector<16xf32>,
        %slice3A_889 = vector.extract_strided_slice %div3A_260 {offsets = [10], sizes = [1], strides = [1]} : vector<16xf32> to vector<1xf32>
        %squeeze3A_890 = vector.extract %slice3A_889[0] : f32 from vector<1xf32>
        %broadcast_in_dim3A_891 = vector.broadcast %squeeze3A_890 : f32 to vector<16xf32>
        %mul3A_892 = arith.constant 16 : i32
        %mul3A_893 = arith.muli %scan3A_252, %mul3A_892 : i32
        %add3A_894 = arith.constant 10 : i32
        %add3A_895 = arith.addi %mul3A_893, %add3A_894 : i32
        %get3A_896 = arith.index_cast %add3A_895 : i32 to index
        %get3A_897 = arith.constant 0 : index
        %get3A_898 = tpu.vector_load %arg12[%get3A_896, %get3A_897] {strides = array<i32>} : memref<128x64xf32, #tpu.memory_space<vmem>>, vector<16xf32>,
        %mul3A_899 = arith.mulf %get3A_898, %broadcast_in_dim3A_891 : vector<16xf32>
        %mul3A_900 = arith.constant 16 : i32
        %mul3A_901 = arith.muli %scan3A_252, %mul3A_900 : i32
        %add3A_902 = arith.constant 10 : i32
        %add3A_903 = arith.addi %mul3A_901, %add3A_902 : i32
        %swap3A_904 = arith.index_cast %add3A_903 : i32 to index
        %swap3A_905 = arith.constant 0 : index
        %swap3A_906 = tpu.vector_load %arg13[%swap3A_904, %swap3A_905] {strides = array<i32>} : memref<128x64xf32, #tpu.memory_space<vmem>>, vector<16xf32>,
        tpu.vector_store %arg13[%swap3A_904, %swap3A_905], %mul3A_899 {strides = array<i32>} : memref<128x64xf32, #tpu.memory_space<vmem>>, vector<16xf32>,
        %mul3A_907 = arith.constant 16 : i32
        %mul3A_908 = arith.muli %scan3A_252, %mul3A_907 : i32
        %add3A_909 = arith.constant 10 : i32
        %add3A_910 = arith.addi %mul3A_908, %add3A_909 : i32
        %get3A_911 = arith.index_cast %add3A_910 : i32 to index
        %get3A_912 = arith.constant 16 : index
        %get3A_913 = tpu.vector_load %arg12[%get3A_911, %get3A_912] {strides = array<i32>} : memref<128x64xf32, #tpu.memory_space<vmem>>, vector<16xf32>,
        %mul3A_914 = arith.mulf %get3A_913, %broadcast_in_dim3A_891 : vector<16xf32>
        %mul3A_915 = arith.constant 16 : i32
        %mul3A_916 = arith.muli %scan3A_252, %mul3A_915 : i32
        %add3A_917 = arith.constant 10 : i32
        %add3A_918 = arith.addi %mul3A_916, %add3A_917 : i32
        %swap3A_919 = arith.index_cast %add3A_918 : i32 to index
        %swap3A_920 = arith.constant 16 : index
        %swap3A_921 = tpu.vector_load %arg13[%swap3A_919, %swap3A_920] {strides = array<i32>} : memref<128x64xf32, #tpu.memory_space<vmem>>, vector<16xf32>,
        tpu.vector_store %arg13[%swap3A_919, %swap3A_920], %mul3A_914 {strides = array<i32>} : memref<128x64xf32, #tpu.memory_space<vmem>>, vector<16xf32>,
        %mul3A_922 = arith.constant 16 : i32
        %mul3A_923 = arith.muli %scan3A_252, %mul3A_922 : i32
        %add3A_924 = arith.constant 10 : i32
        %add3A_925 = arith.addi %mul3A_923, %add3A_924 : i32
        %get3A_926 = arith.index_cast %add3A_925 : i32 to index
        %get3A_927 = arith.constant 32 : index
        %get3A_928 = tpu.vector_load %arg12[%get3A_926, %get3A_927] {strides = array<i32>} : memref<128x64xf32, #tpu.memory_space<vmem>>, vector<16xf32>,
        %mul3A_929 = arith.mulf %get3A_928, %broadcast_in_dim3A_891 : vector<16xf32>
        %mul3A_930 = arith.constant 16 : i32
        %mul3A_931 = arith.muli %scan3A_252, %mul3A_930 : i32
        %add3A_932 = arith.constant 10 : i32
        %add3A_933 = arith.addi %mul3A_931, %add3A_932 : i32
        %swap3A_934 = arith.index_cast %add3A_933 : i32 to index
        %swap3A_935 = arith.constant 32 : index
        %swap3A_936 = tpu.vector_load %arg13[%swap3A_934, %swap3A_935] {strides = array<i32>} : memref<128x64xf32, #tpu.memory_space<vmem>>, vector<16xf32>,
        tpu.vector_store %arg13[%swap3A_934, %swap3A_935], %mul3A_929 {strides = array<i32>} : memref<128x64xf32, #tpu.memory_space<vmem>>, vector<16xf32>,
        %mul3A_937 = arith.constant 16 : i32
        %mul3A_938 = arith.muli %scan3A_252, %mul3A_937 : i32
        %add3A_939 = arith.constant 10 : i32
        %add3A_940 = arith.addi %mul3A_938, %add3A_939 : i32
        %get3A_941 = arith.index_cast %add3A_940 : i32 to index
        %get3A_942 = arith.constant 48 : index
        %get3A_943 = tpu.vector_load %arg12[%get3A_941, %get3A_942] {strides = array<i32>} : memref<128x64xf32, #tpu.memory_space<vmem>>, vector<16xf32>,
        %mul3A_944 = arith.mulf %get3A_943, %broadcast_in_dim3A_891 : vector<16xf32>
        %mul3A_945 = arith.constant 16 : i32
        %mul3A_946 = arith.muli %scan3A_252, %mul3A_945 : i32
        %add3A_947 = arith.constant 10 : i32
        %add3A_948 = arith.addi %mul3A_946, %add3A_947 : i32
        %swap3A_949 = arith.index_cast %add3A_948 : i32 to index
        %swap3A_950 = arith.constant 48 : index
        %swap3A_951 = tpu.vector_load %arg13[%swap3A_949, %swap3A_950] {strides = array<i32>} : memref<128x64xf32, #tpu.memory_space<vmem>>, vector<16xf32>,
        tpu.vector_store %arg13[%swap3A_949, %swap3A_950], %mul3A_944 {strides = array<i32>} : memref<128x64xf32, #tpu.memory_space<vmem>>, vector<16xf32>,
        %slice3A_952 = vector.extract_strided_slice %div3A_260 {offsets = [11], sizes = [1], strides = [1]} : vector<16xf32> to vector<1xf32>
        %squeeze3A_953 = vector.extract %slice3A_952[0] : f32 from vector<1xf32>
        %broadcast_in_dim3A_954 = vector.broadcast %squeeze3A_953 : f32 to vector<16xf32>
        %mul3A_955 = arith.constant 16 : i32
        %mul3A_956 = arith.muli %scan3A_252, %mul3A_955 : i32
        %add3A_957 = arith.constant 11 : i32
        %add3A_958 = arith.addi %mul3A_956, %add3A_957 : i32
        %get3A_959 = arith.index_cast %add3A_958 : i32 to index
        %get3A_960 = arith.constant 0 : index
        %get3A_961 = tpu.vector_load %arg12[%get3A_959, %get3A_960] {strides = array<i32>} : memref<128x64xf32, #tpu.memory_space<vmem>>, vector<16xf32>,
        %mul3A_962 = arith.mulf %get3A_961, %broadcast_in_dim3A_954 : vector<16xf32>
        %mul3A_963 = arith.constant 16 : i32
        %mul3A_964 = arith.muli %scan3A_252, %mul3A_963 : i32
        %add3A_965 = arith.constant 11 : i32
        %add3A_966 = arith.addi %mul3A_964, %add3A_965 : i32
        %swap3A_967 = arith.index_cast %add3A_966 : i32 to index
        %swap3A_968 = arith.constant 0 : index
        %swap3A_969 = tpu.vector_load %arg13[%swap3A_967, %swap3A_968] {strides = array<i32>} : memref<128x64xf32, #tpu.memory_space<vmem>>, vector<16xf32>,
        tpu.vector_store %arg13[%swap3A_967, %swap3A_968], %mul3A_962 {strides = array<i32>} : memref<128x64xf32, #tpu.memory_space<vmem>>, vector<16xf32>,
        %mul3A_970 = arith.constant 16 : i32
        %mul3A_971 = arith.muli %scan3A_252, %mul3A_970 : i32
        %add3A_972 = arith.constant 11 : i32
        %add3A_973 = arith.addi %mul3A_971, %add3A_972 : i32
        %get3A_974 = arith.index_cast %add3A_973 : i32 to index
        %get3A_975 = arith.constant 16 : index
        %get3A_976 = tpu.vector_load %arg12[%get3A_974, %get3A_975] {strides = array<i32>} : memref<128x64xf32, #tpu.memory_space<vmem>>, vector<16xf32>,
        %mul3A_977 = arith.mulf %get3A_976, %broadcast_in_dim3A_954 : vector<16xf32>
        %mul3A_978 = arith.constant 16 : i32
        %mul3A_979 = arith.muli %scan3A_252, %mul3A_978 : i32
        %add3A_980 = arith.constant 11 : i32
        %add3A_981 = arith.addi %mul3A_979, %add3A_980 : i32
        %swap3A_982 = arith.index_cast %add3A_981 : i32 to index
        %swap3A_983 = arith.constant 16 : index
        %swap3A_984 = tpu.vector_load %arg13[%swap3A_982, %swap3A_983] {strides = array<i32>} : memref<128x64xf32, #tpu.memory_space<vmem>>, vector<16xf32>,
        tpu.vector_store %arg13[%swap3A_982, %swap3A_983], %mul3A_977 {strides = array<i32>} : memref<128x64xf32, #tpu.memory_space<vmem>>, vector<16xf32>,
        %mul3A_985 = arith.constant 16 : i32
        %mul3A_986 = arith.muli %scan3A_252, %mul3A_985 : i32
        %add3A_987 = arith.constant 11 : i32
        %add3A_988 = arith.addi %mul3A_986, %add3A_987 : i32
        %get3A_989 = arith.index_cast %add3A_988 : i32 to index
        %get3A_990 = arith.constant 32 : index
        %get3A_991 = tpu.vector_load %arg12[%get3A_989, %get3A_990] {strides = array<i32>} : memref<128x64xf32, #tpu.memory_space<vmem>>, vector<16xf32>,
        %mul3A_992 = arith.mulf %get3A_991, %broadcast_in_dim3A_954 : vector<16xf32>
        %mul3A_993 = arith.constant 16 : i32
        %mul3A_994 = arith.muli %scan3A_252, %mul3A_993 : i32
        %add3A_995 = arith.constant 11 : i32
        %add3A_996 = arith.addi %mul3A_994, %add3A_995 : i32
        %swap3A_997 = arith.index_cast %add3A_996 : i32 to index
        %swap3A_998 = arith.constant 32 : index
        %swap3A_999 = tpu.vector_load %arg13[%swap3A_997, %swap3A_998] {strides = array<i32>} : memref<128x64xf32, #tpu.memory_space<vmem>>, vector<16xf32>,
        tpu.vector_store %arg13[%swap3A_997, %swap3A_998], %mul3A_992 {strides = array<i32>} : memref<128x64xf32, #tpu.memory_space<vmem>>, vector<16xf32>,
        %mul3A_1000 = arith.constant 16 : i32
        %mul3A_1001 = arith.muli %scan3A_252, %mul3A_1000 : i32
        %add3A_1002 = arith.constant 11 : i32
        %add3A_1003 = arith.addi %mul3A_1001, %add3A_1002 : i32
        %get3A_1004 = arith.index_cast %add3A_1003 : i32 to index
        %get3A_1005 = arith.constant 48 : index
        %get3A_1006 = tpu.vector_load %arg12[%get3A_1004, %get3A_1005] {strides = array<i32>} : memref<128x64xf32, #tpu.memory_space<vmem>>, vector<16xf32>,
        %mul3A_1007 = arith.mulf %get3A_1006, %broadcast_in_dim3A_954 : vector<16xf32>
        %mul3A_1008 = arith.constant 16 : i32
        %mul3A_1009 = arith.muli %scan3A_252, %mul3A_1008 : i32
        %add3A_1010 = arith.constant 11 : i32
        %add3A_1011 = arith.addi %mul3A_1009, %add3A_1010 : i32
        %swap3A_1012 = arith.index_cast %add3A_1011 : i32 to index
        %swap3A_1013 = arith.constant 48 : index
        %swap3A_1014 = tpu.vector_load %arg13[%swap3A_1012, %swap3A_1013] {strides = array<i32>} : memref<128x64xf32, #tpu.memory_space<vmem>>, vector<16xf32>,
        tpu.vector_store %arg13[%swap3A_1012, %swap3A_1013], %mul3A_1007 {strides = array<i32>} : memref<128x64xf32, #tpu.memory_space<vmem>>, vector<16xf32>,
        %slice3A_1015 = vector.extract_strided_slice %div3A_260 {offsets = [12], sizes = [1], strides = [1]} : vector<16xf32> to vector<1xf32>
        %squeeze3A_1016 = vector.extract %slice3A_1015[0] : f32 from vector<1xf32>
        %broadcast_in_dim3A_1017 = vector.broadcast %squeeze3A_1016 : f32 to vector<16xf32>
        %mul3A_1018 = arith.constant 16 : i32
        %mul3A_1019 = arith.muli %scan3A_252, %mul3A_1018 : i32
        %add3A_1020 = arith.constant 12 : i32
        %add3A_1021 = arith.addi %mul3A_1019, %add3A_1020 : i32
        %get3A_1022 = arith.index_cast %add3A_1021 : i32 to index
        %get3A_1023 = arith.constant 0 : index
        %get3A_1024 = tpu.vector_load %arg12[%get3A_1022, %get3A_1023] {strides = array<i32>} : memref<128x64xf32, #tpu.memory_space<vmem>>, vector<16xf32>,
        %mul3A_1025 = arith.mulf %get3A_1024, %broadcast_in_dim3A_1017 : vector<16xf32>
        %mul3A_1026 = arith.constant 16 : i32
        %mul3A_1027 = arith.muli %scan3A_252, %mul3A_1026 : i32
        %add3A_1028 = arith.constant 12 : i32
        %add3A_1029 = arith.addi %mul3A_1027, %add3A_1028 : i32
        %swap3A_1030 = arith.index_cast %add3A_1029 : i32 to index
        %swap3A_1031 = arith.constant 0 : index
        %swap3A_1032 = tpu.vector_load %arg13[%swap3A_1030, %swap3A_1031] {strides = array<i32>} : memref<128x64xf32, #tpu.memory_space<vmem>>, vector<16xf32>,
        tpu.vector_store %arg13[%swap3A_1030, %swap3A_1031], %mul3A_1025 {strides = array<i32>} : memref<128x64xf32, #tpu.memory_space<vmem>>, vector<16xf32>,
        %mul3A_1033 = arith.constant 16 : i32
        %mul3A_1034 = arith.muli %scan3A_252, %mul3A_1033 : i32
        %add3A_1035 = arith.constant 12 : i32
        %add3A_1036 = arith.addi %mul3A_1034, %add3A_1035 : i32
        %get3A_1037 = arith.index_cast %add3A_1036 : i32 to index
        %get3A_1038 = arith.constant 16 : index
        %get3A_1039 = tpu.vector_load %arg12[%get3A_1037, %get3A_1038] {strides = array<i32>} : memref<128x64xf32, #tpu.memory_space<vmem>>, vector<16xf32>,
        %mul3A_1040 = arith.mulf %get3A_1039, %broadcast_in_dim3A_1017 : vector<16xf32>
        %mul3A_1041 = arith.constant 16 : i32
        %mul3A_1042 = arith.muli %scan3A_252, %mul3A_1041 : i32
        %add3A_1043 = arith.constant 12 : i32
        %add3A_1044 = arith.addi %mul3A_1042, %add3A_1043 : i32
        %swap3A_1045 = arith.index_cast %add3A_1044 : i32 to index
        %swap3A_1046 = arith.constant 16 : index
        %swap3A_1047 = tpu.vector_load %arg13[%swap3A_1045, %swap3A_1046] {strides = array<i32>} : memref<128x64xf32, #tpu.memory_space<vmem>>, vector<16xf32>,
        tpu.vector_store %arg13[%swap3A_1045, %swap3A_1046], %mul3A_1040 {strides = array<i32>} : memref<128x64xf32, #tpu.memory_space<vmem>>, vector<16xf32>,
        %mul3A_1048 = arith.constant 16 : i32
        %mul3A_1049 = arith.muli %scan3A_252, %mul3A_1048 : i32
        %add3A_1050 = arith.constant 12 : i32
        %add3A_1051 = arith.addi %mul3A_1049, %add3A_1050 : i32
        %get3A_1052 = arith.index_cast %add3A_1051 : i32 to index
        %get3A_1053 = arith.constant 32 : index
        %get3A_1054 = tpu.vector_load %arg12[%get3A_1052, %get3A_1053] {strides = array<i32>} : memref<128x64xf32, #tpu.memory_space<vmem>>, vector<16xf32>,
        %mul3A_1055 = arith.mulf %get3A_1054, %broadcast_in_dim3A_1017 : vector<16xf32>
        %mul3A_1056 = arith.constant 16 : i32
        %mul3A_1057 = arith.muli %scan3A_252, %mul3A_1056 : i32
        %add3A_1058 = arith.constant 12 : i32
        %add3A_1059 = arith.addi %mul3A_1057, %add3A_1058 : i32
        %swap3A_1060 = arith.index_cast %add3A_1059 : i32 to index
        %swap3A_1061 = arith.constant 32 : index
        %swap3A_1062 = tpu.vector_load %arg13[%swap3A_1060, %swap3A_1061] {strides = array<i32>} : memref<128x64xf32, #tpu.memory_space<vmem>>, vector<16xf32>,
        tpu.vector_store %arg13[%swap3A_1060, %swap3A_1061], %mul3A_1055 {strides = array<i32>} : memref<128x64xf32, #tpu.memory_space<vmem>>, vector<16xf32>,
        %mul3A_1063 = arith.constant 16 : i32
        %mul3A_1064 = arith.muli %scan3A_252, %mul3A_1063 : i32
        %add3A_1065 = arith.constant 12 : i32
        %add3A_1066 = arith.addi %mul3A_1064, %add3A_1065 : i32
        %get3A_1067 = arith.index_cast %add3A_1066 : i32 to index
        %get3A_1068 = arith.constant 48 : index
        %get3A_1069 = tpu.vector_load %arg12[%get3A_1067, %get3A_1068] {strides = array<i32>} : memref<128x64xf32, #tpu.memory_space<vmem>>, vector<16xf32>,
        %mul3A_1070 = arith.mulf %get3A_1069, %broadcast_in_dim3A_1017 : vector<16xf32>
        %mul3A_1071 = arith.constant 16 : i32
        %mul3A_1072 = arith.muli %scan3A_252, %mul3A_1071 : i32
        %add3A_1073 = arith.constant 12 : i32
        %add3A_1074 = arith.addi %mul3A_1072, %add3A_1073 : i32
        %swap3A_1075 = arith.index_cast %add3A_1074 : i32 to index
        %swap3A_1076 = arith.constant 48 : index
        %swap3A_1077 = tpu.vector_load %arg13[%swap3A_1075, %swap3A_1076] {strides = array<i32>} : memref<128x64xf32, #tpu.memory_space<vmem>>, vector<16xf32>,
        tpu.vector_store %arg13[%swap3A_1075, %swap3A_1076], %mul3A_1070 {strides = array<i32>} : memref<128x64xf32, #tpu.memory_space<vmem>>, vector<16xf32>,
        %slice3A_1078 = vector.extract_strided_slice %div3A_260 {offsets = [13], sizes = [1], strides = [1]} : vector<16xf32> to vector<1xf32>
        %squeeze3A_1079 = vector.extract %slice3A_1078[0] : f32 from vector<1xf32>
        %broadcast_in_dim3A_1080 = vector.broadcast %squeeze3A_1079 : f32 to vector<16xf32>
        %mul3A_1081 = arith.constant 16 : i32
        %mul3A_1082 = arith.muli %scan3A_252, %mul3A_1081 : i32
        %add3A_1083 = arith.constant 13 : i32
        %add3A_1084 = arith.addi %mul3A_1082, %add3A_1083 : i32
        %get3A_1085 = arith.index_cast %add3A_1084 : i32 to index
        %get3A_1086 = arith.constant 0 : index
        %get3A_1087 = tpu.vector_load %arg12[%get3A_1085, %get3A_1086] {strides = array<i32>} : memref<128x64xf32, #tpu.memory_space<vmem>>, vector<16xf32>,
        %mul3A_1088 = arith.mulf %get3A_1087, %broadcast_in_dim3A_1080 : vector<16xf32>
        %mul3A_1089 = arith.constant 16 : i32
        %mul3A_1090 = arith.muli %scan3A_252, %mul3A_1089 : i32
        %add3A_1091 = arith.constant 13 : i32
        %add3A_1092 = arith.addi %mul3A_1090, %add3A_1091 : i32
        %swap3A_1093 = arith.index_cast %add3A_1092 : i32 to index
        %swap3A_1094 = arith.constant 0 : index
        %swap3A_1095 = tpu.vector_load %arg13[%swap3A_1093, %swap3A_1094] {strides = array<i32>} : memref<128x64xf32, #tpu.memory_space<vmem>>, vector<16xf32>,
        tpu.vector_store %arg13[%swap3A_1093, %swap3A_1094], %mul3A_1088 {strides = array<i32>} : memref<128x64xf32, #tpu.memory_space<vmem>>, vector<16xf32>,
        %mul3A_1096 = arith.constant 16 : i32
        %mul3A_1097 = arith.muli %scan3A_252, %mul3A_1096 : i32
        %add3A_1098 = arith.constant 13 : i32
        %add3A_1099 = arith.addi %mul3A_1097, %add3A_1098 : i32
        %get3A_1100 = arith.index_cast %add3A_1099 : i32 to index
        %get3A_1101 = arith.constant 16 : index
        %get3A_1102 = tpu.vector_load %arg12[%get3A_1100, %get3A_1101] {strides = array<i32>} : memref<128x64xf32, #tpu.memory_space<vmem>>, vector<16xf32>,
        %mul3A_1103 = arith.mulf %get3A_1102, %broadcast_in_dim3A_1080 : vector<16xf32>
        %mul3A_1104 = arith.constant 16 : i32
        %mul3A_1105 = arith.muli %scan3A_252, %mul3A_1104 : i32
        %add3A_1106 = arith.constant 13 : i32
        %add3A_1107 = arith.addi %mul3A_1105, %add3A_1106 : i32
        %swap3A_1108 = arith.index_cast %add3A_1107 : i32 to index
        %swap3A_1109 = arith.constant 16 : index
        %swap3A_1110 = tpu.vector_load %arg13[%swap3A_1108, %swap3A_1109] {strides = array<i32>} : memref<128x64xf32, #tpu.memory_space<vmem>>, vector<16xf32>,
        tpu.vector_store %arg13[%swap3A_1108, %swap3A_1109], %mul3A_1103 {strides = array<i32>} : memref<128x64xf32, #tpu.memory_space<vmem>>, vector<16xf32>,
        %mul3A_1111 = arith.constant 16 : i32
        %mul3A_1112 = arith.muli %scan3A_252, %mul3A_1111 : i32
        %add3A_1113 = arith.constant 13 : i32
        %add3A_1114 = arith.addi %mul3A_1112, %add3A_1113 : i32
        %get3A_1115 = arith.index_cast %add3A_1114 : i32 to index
        %get3A_1116 = arith.constant 32 : index
        %get3A_1117 = tpu.vector_load %arg12[%get3A_1115, %get3A_1116] {strides = array<i32>} : memref<128x64xf32, #tpu.memory_space<vmem>>, vector<16xf32>,
        %mul3A_1118 = arith.mulf %get3A_1117, %broadcast_in_dim3A_1080 : vector<16xf32>
        %mul3A_1119 = arith.constant 16 : i32
        %mul3A_1120 = arith.muli %scan3A_252, %mul3A_1119 : i32
        %add3A_1121 = arith.constant 13 : i32
        %add3A_1122 = arith.addi %mul3A_1120, %add3A_1121 : i32
        %swap3A_1123 = arith.index_cast %add3A_1122 : i32 to index
        %swap3A_1124 = arith.constant 32 : index
        %swap3A_1125 = tpu.vector_load %arg13[%swap3A_1123, %swap3A_1124] {strides = array<i32>} : memref<128x64xf32, #tpu.memory_space<vmem>>, vector<16xf32>,
        tpu.vector_store %arg13[%swap3A_1123, %swap3A_1124], %mul3A_1118 {strides = array<i32>} : memref<128x64xf32, #tpu.memory_space<vmem>>, vector<16xf32>,
        %mul3A_1126 = arith.constant 16 : i32
        %mul3A_1127 = arith.muli %scan3A_252, %mul3A_1126 : i32
        %add3A_1128 = arith.constant 13 : i32
        %add3A_1129 = arith.addi %mul3A_1127, %add3A_1128 : i32
        %get3A_1130 = arith.index_cast %add3A_1129 : i32 to index
        %get3A_1131 = arith.constant 48 : index
        %get3A_1132 = tpu.vector_load %arg12[%get3A_1130, %get3A_1131] {strides = array<i32>} : memref<128x64xf32, #tpu.memory_space<vmem>>, vector<16xf32>,
        %mul3A_1133 = arith.mulf %get3A_1132, %broadcast_in_dim3A_1080 : vector<16xf32>
        %mul3A_1134 = arith.constant 16 : i32
        %mul3A_1135 = arith.muli %scan3A_252, %mul3A_1134 : i32
        %add3A_1136 = arith.constant 13 : i32
        %add3A_1137 = arith.addi %mul3A_1135, %add3A_1136 : i32
        %swap3A_1138 = arith.index_cast %add3A_1137 : i32 to index
        %swap3A_1139 = arith.constant 48 : index
        %swap3A_1140 = tpu.vector_load %arg13[%swap3A_1138, %swap3A_1139] {strides = array<i32>} : memref<128x64xf32, #tpu.memory_space<vmem>>, vector<16xf32>,
        tpu.vector_store %arg13[%swap3A_1138, %swap3A_1139], %mul3A_1133 {strides = array<i32>} : memref<128x64xf32, #tpu.memory_space<vmem>>, vector<16xf32>,
        %slice3A_1141 = vector.extract_strided_slice %div3A_260 {offsets = [14], sizes = [1], strides = [1]} : vector<16xf32> to vector<1xf32>
        %squeeze3A_1142 = vector.extract %slice3A_1141[0] : f32 from vector<1xf32>
        %broadcast_in_dim3A_1143 = vector.broadcast %squeeze3A_1142 : f32 to vector<16xf32>
        %mul3A_1144 = arith.constant 16 : i32
        %mul3A_1145 = arith.muli %scan3A_252, %mul3A_1144 : i32
        %add3A_1146 = arith.constant 14 : i32
        %add3A_1147 = arith.addi %mul3A_1145, %add3A_1146 : i32
        %get3A_1148 = arith.index_cast %add3A_1147 : i32 to index
        %get3A_1149 = arith.constant 0 : index
        %get3A_1150 = tpu.vector_load %arg12[%get3A_1148, %get3A_1149] {strides = array<i32>} : memref<128x64xf32, #tpu.memory_space<vmem>>, vector<16xf32>,
        %mul3A_1151 = arith.mulf %get3A_1150, %broadcast_in_dim3A_1143 : vector<16xf32>
        %mul3A_1152 = arith.constant 16 : i32
        %mul3A_1153 = arith.muli %scan3A_252, %mul3A_1152 : i32
        %add3A_1154 = arith.constant 14 : i32
        %add3A_1155 = arith.addi %mul3A_1153, %add3A_1154 : i32
        %swap3A_1156 = arith.index_cast %add3A_1155 : i32 to index
        %swap3A_1157 = arith.constant 0 : index
        %swap3A_1158 = tpu.vector_load %arg13[%swap3A_1156, %swap3A_1157] {strides = array<i32>} : memref<128x64xf32, #tpu.memory_space<vmem>>, vector<16xf32>,
        tpu.vector_store %arg13[%swap3A_1156, %swap3A_1157], %mul3A_1151 {strides = array<i32>} : memref<128x64xf32, #tpu.memory_space<vmem>>, vector<16xf32>,
        %mul3A_1159 = arith.constant 16 : i32
        %mul3A_1160 = arith.muli %scan3A_252, %mul3A_1159 : i32
        %add3A_1161 = arith.constant 14 : i32
        %add3A_1162 = arith.addi %mul3A_1160, %add3A_1161 : i32
        %get3A_1163 = arith.index_cast %add3A_1162 : i32 to index
        %get3A_1164 = arith.constant 16 : index
        %get3A_1165 = tpu.vector_load %arg12[%get3A_1163, %get3A_1164] {strides = array<i32>} : memref<128x64xf32, #tpu.memory_space<vmem>>, vector<16xf32>,
        %mul3A_1166 = arith.mulf %get3A_1165, %broadcast_in_dim3A_1143 : vector<16xf32>
        %mul3A_1167 = arith.constant 16 : i32
        %mul3A_1168 = arith.muli %scan3A_252, %mul3A_1167 : i32
        %add3A_1169 = arith.constant 14 : i32
        %add3A_1170 = arith.addi %mul3A_1168, %add3A_1169 : i32
        %swap3A_1171 = arith.index_cast %add3A_1170 : i32 to index
        %swap3A_1172 = arith.constant 16 : index
        %swap3A_1173 = tpu.vector_load %arg13[%swap3A_1171, %swap3A_1172] {strides = array<i32>} : memref<128x64xf32, #tpu.memory_space<vmem>>, vector<16xf32>,
        tpu.vector_store %arg13[%swap3A_1171, %swap3A_1172], %mul3A_1166 {strides = array<i32>} : memref<128x64xf32, #tpu.memory_space<vmem>>, vector<16xf32>,
        %mul3A_1174 = arith.constant 16 : i32
        %mul3A_1175 = arith.muli %scan3A_252, %mul3A_1174 : i32
        %add3A_1176 = arith.constant 14 : i32
        %add3A_1177 = arith.addi %mul3A_1175, %add3A_1176 : i32
        %get3A_1178 = arith.index_cast %add3A_1177 : i32 to index
        %get3A_1179 = arith.constant 32 : index
        %get3A_1180 = tpu.vector_load %arg12[%get3A_1178, %get3A_1179] {strides = array<i32>} : memref<128x64xf32, #tpu.memory_space<vmem>>, vector<16xf32>,
        %mul3A_1181 = arith.mulf %get3A_1180, %broadcast_in_dim3A_1143 : vector<16xf32>
        %mul3A_1182 = arith.constant 16 : i32
        %mul3A_1183 = arith.muli %scan3A_252, %mul3A_1182 : i32
        %add3A_1184 = arith.constant 14 : i32
        %add3A_1185 = arith.addi %mul3A_1183, %add3A_1184 : i32
        %swap3A_1186 = arith.index_cast %add3A_1185 : i32 to index
        %swap3A_1187 = arith.constant 32 : index
        %swap3A_1188 = tpu.vector_load %arg13[%swap3A_1186, %swap3A_1187] {strides = array<i32>} : memref<128x64xf32, #tpu.memory_space<vmem>>, vector<16xf32>,
        tpu.vector_store %arg13[%swap3A_1186, %swap3A_1187], %mul3A_1181 {strides = array<i32>} : memref<128x64xf32, #tpu.memory_space<vmem>>, vector<16xf32>,
        %mul3A_1189 = arith.constant 16 : i32
        %mul3A_1190 = arith.muli %scan3A_252, %mul3A_1189 : i32
        %add3A_1191 = arith.constant 14 : i32
        %add3A_1192 = arith.addi %mul3A_1190, %add3A_1191 : i32
        %get3A_1193 = arith.index_cast %add3A_1192 : i32 to index
        %get3A_1194 = arith.constant 48 : index
        %get3A_1195 = tpu.vector_load %arg12[%get3A_1193, %get3A_1194] {strides = array<i32>} : memref<128x64xf32, #tpu.memory_space<vmem>>, vector<16xf32>,
        %mul3A_1196 = arith.mulf %get3A_1195, %broadcast_in_dim3A_1143 : vector<16xf32>
        %mul3A_1197 = arith.constant 16 : i32
        %mul3A_1198 = arith.muli %scan3A_252, %mul3A_1197 : i32
        %add3A_1199 = arith.constant 14 : i32
        %add3A_1200 = arith.addi %mul3A_1198, %add3A_1199 : i32
        %swap3A_1201 = arith.index_cast %add3A_1200 : i32 to index
        %swap3A_1202 = arith.constant 48 : index
        %swap3A_1203 = tpu.vector_load %arg13[%swap3A_1201, %swap3A_1202] {strides = array<i32>} : memref<128x64xf32, #tpu.memory_space<vmem>>, vector<16xf32>,
        tpu.vector_store %arg13[%swap3A_1201, %swap3A_1202], %mul3A_1196 {strides = array<i32>} : memref<128x64xf32, #tpu.memory_space<vmem>>, vector<16xf32>,
        %slice3A_1204 = vector.extract_strided_slice %div3A_260 {offsets = [15], sizes = [1], strides = [1]} : vector<16xf32> to vector<1xf32>
        %squeeze3A_1205 = vector.extract %slice3A_1204[0] : f32 from vector<1xf32>
        %broadcast_in_dim3A_1206 = vector.broadcast %squeeze3A_1205 : f32 to vector<16xf32>
        %mul3A_1207 = arith.constant 16 : i32
        %mul3A_1208 = arith.muli %scan3A_252, %mul3A_1207 : i32
        %add3A_1209 = arith.constant 15 : i32
        %add3A_1210 = arith.addi %mul3A_1208, %add3A_1209 : i32
        %get3A_1211 = arith.index_cast %add3A_1210 : i32 to index
        %get3A_1212 = arith.constant 0 : index
        %get3A_1213 = tpu.vector_load %arg12[%get3A_1211, %get3A_1212] {strides = array<i32>} : memref<128x64xf32, #tpu.memory_space<vmem>>, vector<16xf32>,
        %mul3A_1214 = arith.mulf %get3A_1213, %broadcast_in_dim3A_1206 : vector<16xf32>
        %mul3A_1215 = arith.constant 16 : i32
        %mul3A_1216 = arith.muli %scan3A_252, %mul3A_1215 : i32
        %add3A_1217 = arith.constant 15 : i32
        %add3A_1218 = arith.addi %mul3A_1216, %add3A_1217 : i32
        %swap3A_1219 = arith.index_cast %add3A_1218 : i32 to index
        %swap3A_1220 = arith.constant 0 : index
        %swap3A_1221 = tpu.vector_load %arg13[%swap3A_1219, %swap3A_1220] {strides = array<i32>} : memref<128x64xf32, #tpu.memory_space<vmem>>, vector<16xf32>,
        tpu.vector_store %arg13[%swap3A_1219, %swap3A_1220], %mul3A_1214 {strides = array<i32>} : memref<128x64xf32, #tpu.memory_space<vmem>>, vector<16xf32>,
        %mul3A_1222 = arith.constant 16 : i32
        %mul3A_1223 = arith.muli %scan3A_252, %mul3A_1222 : i32
        %add3A_1224 = arith.constant 15 : i32
        %add3A_1225 = arith.addi %mul3A_1223, %add3A_1224 : i32
        %get3A_1226 = arith.index_cast %add3A_1225 : i32 to index
        %get3A_1227 = arith.constant 16 : index
        %get3A_1228 = tpu.vector_load %arg12[%get3A_1226, %get3A_1227] {strides = array<i32>} : memref<128x64xf32, #tpu.memory_space<vmem>>, vector<16xf32>,
        %mul3A_1229 = arith.mulf %get3A_1228, %broadcast_in_dim3A_1206 : vector<16xf32>
        %mul3A_1230 = arith.constant 16 : i32
        %mul3A_1231 = arith.muli %scan3A_252, %mul3A_1230 : i32
        %add3A_1232 = arith.constant 15 : i32
        %add3A_1233 = arith.addi %mul3A_1231, %add3A_1232 : i32
        %swap3A_1234 = arith.index_cast %add3A_1233 : i32 to index
        %swap3A_1235 = arith.constant 16 : index
        %swap3A_1236 = tpu.vector_load %arg13[%swap3A_1234, %swap3A_1235] {strides = array<i32>} : memref<128x64xf32, #tpu.memory_space<vmem>>, vector<16xf32>,
        tpu.vector_store %arg13[%swap3A_1234, %swap3A_1235], %mul3A_1229 {strides = array<i32>} : memref<128x64xf32, #tpu.memory_space<vmem>>, vector<16xf32>,
        %mul3A_1237 = arith.constant 16 : i32
        %mul3A_1238 = arith.muli %scan3A_252, %mul3A_1237 : i32
        %add3A_1239 = arith.constant 15 : i32
        %add3A_1240 = arith.addi %mul3A_1238, %add3A_1239 : i32
        %get3A_1241 = arith.index_cast %add3A_1240 : i32 to index
        %get3A_1242 = arith.constant 32 : index
        %get3A_1243 = tpu.vector_load %arg12[%get3A_1241, %get3A_1242] {strides = array<i32>} : memref<128x64xf32, #tpu.memory_space<vmem>>, vector<16xf32>,
        %mul3A_1244 = arith.mulf %get3A_1243, %broadcast_in_dim3A_1206 : vector<16xf32>
        %mul3A_1245 = arith.constant 16 : i32
        %mul3A_1246 = arith.muli %scan3A_252, %mul3A_1245 : i32
        %add3A_1247 = arith.constant 15 : i32
        %add3A_1248 = arith.addi %mul3A_1246, %add3A_1247 : i32
        %swap3A_1249 = arith.index_cast %add3A_1248 : i32 to index
        %swap3A_1250 = arith.constant 32 : index
        %swap3A_1251 = tpu.vector_load %arg13[%swap3A_1249, %swap3A_1250] {strides = array<i32>} : memref<128x64xf32, #tpu.memory_space<vmem>>, vector<16xf32>,
        tpu.vector_store %arg13[%swap3A_1249, %swap3A_1250], %mul3A_1244 {strides = array<i32>} : memref<128x64xf32, #tpu.memory_space<vmem>>, vector<16xf32>,
        %mul3A_1252 = arith.constant 16 : i32
        %mul3A_1253 = arith.muli %scan3A_252, %mul3A_1252 : i32
        %add3A_1254 = arith.constant 15 : i32
        %add3A_1255 = arith.addi %mul3A_1253, %add3A_1254 : i32
        %get3A_1256 = arith.index_cast %add3A_1255 : i32 to index
        %get3A_1257 = arith.constant 48 : index
        %get3A_1258 = tpu.vector_load %arg12[%get3A_1256, %get3A_1257] {strides = array<i32>} : memref<128x64xf32, #tpu.memory_space<vmem>>, vector<16xf32>,
        %mul3A_1259 = arith.mulf %get3A_1258, %broadcast_in_dim3A_1206 : vector<16xf32>
        %mul3A_1260 = arith.constant 16 : i32
        %mul3A_1261 = arith.muli %scan3A_252, %mul3A_1260 : i32
        %add3A_1262 = arith.constant 15 : i32
        %add3A_1263 = arith.addi %mul3A_1261, %add3A_1262 : i32
        %swap3A_1264 = arith.index_cast %add3A_1263 : i32 to index
        %swap3A_1265 = arith.constant 48 : index
        %swap3A_1266 = tpu.vector_load %arg13[%swap3A_1264, %swap3A_1265] {strides = array<i32>} : memref<128x64xf32, #tpu.memory_space<vmem>>, vector<16xf32>,
        tpu.vector_store %arg13[%swap3A_1264, %swap3A_1265], %mul3A_1259 {strides = array<i32>} : memref<128x64xf32, #tpu.memory_space<vmem>>, vector<16xf32>,
      }
      %scan3A_251 = arith.constant 8 : i32
      "tpu.region"() ({
        %run_scoped3A = tpu.sem_alloc : memref<!tpu.dma_semaphore, #tpu.memory_space<semaphore_mem>>
        %dma_start3A_252 = arith.constant 0 : i32
        %dma_start3A_253 = arith.constant 0 : i32
        %dma_start3A_254 = tpu.memref_slice %arg4[%arg0, %dma_start3A_252, %dma_start3A_253] : memref<2x10240x64xf32, #tpu.memory_space<hbm>> -> memref<1x10240x64xf32, #tpu.memory_space<hbm>>
        %dma_start3A_255 = tpu.memref_squeeze %dma_start3A_254 : memref<1x10240x64xf32, #tpu.memory_space<hbm>> -> memref<10240x64xf32, #tpu.memory_space<hbm>>
        %dma_start3A_256 = arith.constant 0 : i32
        %dma_start3A_257 = tpu.memref_slice %dma_start3A_255[%add3A_239, %dma_start3A_256] : memref<10240x64xf32, #tpu.memory_space<hbm>> -> memref<128x64xf32, #tpu.memory_space<hbm>>
        %dma_start3A_258 = arith.constant 0 : i32
        %dma_start3A_259 = arith.constant 0 : i32
        %dma_start3A_260 = tpu.memref_slice %arg4[%arg0, %dma_start3A_258, %dma_start3A_259] : memref<2x10240x64xf32, #tpu.memory_space<hbm>> -> memref<1x10240x64xf32, #tpu.memory_space<hbm>>
        %dma_start3A_261 = tpu.memref_squeeze %dma_start3A_260 : memref<1x10240x64xf32, #tpu.memory_space<hbm>> -> memref<10240x64xf32, #tpu.memory_space<hbm>>
        %dma_start3A_262 = arith.constant 0 : i32
        %dma_start3A_263 = tpu.memref_slice %dma_start3A_261[%add3A_239, %dma_start3A_262] : memref<10240x64xf32, #tpu.memory_space<hbm>> -> memref<128x64xf32, #tpu.memory_space<hbm>>
        tpu.enqueue_dma source(%arg13 : memref<128x64xf32, #tpu.memory_space<vmem>>) target(%dma_start3A_263 : memref<128x64xf32, #tpu.memory_space<hbm>>) target_semaphore(%run_scoped3A : memref<!tpu.dma_semaphore, #tpu.memory_space<semaphore_mem>>)
        %dma_wait3A_264 = arith.constant 0 : i32
        %dma_wait3A_265 = arith.constant 0 : i32
        %dma_wait3A_266 = tpu.memref_slice %arg4[%arg0, %dma_wait3A_264, %dma_wait3A_265] : memref<2x10240x64xf32, #tpu.memory_space<hbm>> -> memref<1x10240x64xf32, #tpu.memory_space<hbm>>
        %dma_wait3A_267 = tpu.memref_squeeze %dma_wait3A_266 : memref<1x10240x64xf32, #tpu.memory_space<hbm>> -> memref<10240x64xf32, #tpu.memory_space<hbm>>
        %dma_wait3A_268 = arith.constant 0 : i32
        %dma_wait3A_269 = tpu.memref_slice %dma_wait3A_267[%add3A_239, %dma_wait3A_268] : memref<10240x64xf32, #tpu.memory_space<hbm>> -> memref<128x64xf32, #tpu.memory_space<hbm>>
        %dma_wait3A_270 = arith.constant 0 : i32
        %dma_wait3A_271 = arith.constant 0 : i32
        %dma_wait3A_272 = tpu.memref_slice %arg4[%arg0, %dma_wait3A_270, %dma_wait3A_271] : memref<2x10240x64xf32, #tpu.memory_space<hbm>> -> memref<1x10240x64xf32, #tpu.memory_space<hbm>>
        %dma_wait3A_273 = tpu.memref_squeeze %dma_wait3A_272 : memref<1x10240x64xf32, #tpu.memory_space<hbm>> -> memref<10240x64xf32, #tpu.memory_space<hbm>>
        %dma_wait3A_274 = arith.constant 0 : i32
        %dma_wait3A_275 = tpu.memref_slice %dma_wait3A_273[%add3A_239, %dma_wait3A_274] : memref<10240x64xf32, #tpu.memory_space<hbm>> -> memref<128x64xf32, #tpu.memory_space<hbm>>
        tpu.wait_dma2 semaphore(%run_scoped3A : memref<!tpu.dma_semaphore, #tpu.memory_space<semaphore_mem>>) src(%arg13 : memref<128x64xf32, #tpu.memory_space<vmem>>) dst(%dma_wait3A_275 : memref<128x64xf32, #tpu.memory_space<hbm>>)
        tpu.yield
      }) : () -> ()
    }
    %scan3A_235 = arith.constant 5 : i32
    return
  }
}

module attributes {stable_mosaic.version = 14 : i64} {
  func.func @_mm_body(%arg0: i32, %arg1: memref<1000x128xf32, #tpu.memory_space<vmem>>, %arg2: memref<1000x128xf32, #tpu.memory_space<vmem>>, %arg3: memref<128x128xf32, #tpu.memory_space<vmem>>, %arg4: memref<128x128xf32, #tpu.memory_space<vmem>>, %arg5: memref<1x128xf32, #tpu.memory_space<vmem>>, %arg6: memref<1x128xf32, #tpu.memory_space<vmem>>, %arg7: memref<2x1000x64xf32, #tpu.memory_space<vmem>>, %arg8: memref<2x1000x64xf32, #tpu.memory_space<vmem>>) attributes {dimension_semantics = [#tpu.dimension_semantics<arbitrary>], iteration_bounds = array<i64: 10>, scalar_prefetch = 0 : i64, scratch_operands = 0 : i64, tpu.core_type = #tpu.core_type<tc>, window_params = [{transform_indices = @transform_0, window_bounds = array<i64: 1000, 128>}, {transform_indices = @transform_1, window_bounds = array<i64: 1000, 128>}, {pipeline_mode = #tpu.pipeline_mode<synchronous>, transform_indices = @transform_2, window_bounds = array<i64: 128, 128>}, {pipeline_mode = #tpu.pipeline_mode<synchronous>, transform_indices = @transform_3, window_bounds = array<i64: 128, 128>}, {pipeline_mode = #tpu.pipeline_mode<synchronous>, transform_indices = @transform_4, window_bounds = array<i64: 1, 128>}, {pipeline_mode = #tpu.pipeline_mode<synchronous>, transform_indices = @transform_5, window_bounds = array<i64: 1, 128>}, {transform_indices = @transform_6, window_bounds = array<i64: 2, 1000, 64>}, {transform_indices = @transform_7, window_bounds = array<i64: 2, 1000, 64>}]} {
    %get3A = arith.constant 0 : index
    %get3A_0 = arith.constant 0 : index
    %get3A_1 = vector.load %arg1[%get3A, %get3A_0] : memref<1000x128xf32, #tpu.memory_space<vmem>>, vector<1000x128xf32>
    %get3A_2 = arith.constant 0 : index
    %get3A_3 = arith.constant 0 : index
    %get3A_4 = vector.load %arg3[%get3A_2, %get3A_3] : memref<128x128xf32, #tpu.memory_space<vmem>>, vector<128x128xf32>
    %dot_general3A = arith.constant dense<0.000000e+00> : vector<1000x128xf32>
    %dot_general3A_5 = tpu.matmul %get3A_1, %get3A_4, %dot_general3A {dimension_numbers = #tpu.dot_dimension_numbers<[1], [0], [0], [1], [0, 0, 1, 1], [], []>, transpose_lhs_hint = false} : vector<1000x128xf32>, vector<128x128xf32>, vector<1000x128xf32> -> vector<1000x128xf32>
    %get3A_6 = arith.constant 0 : index
    %get3A_7 = arith.constant 0 : index
    %get3A_8 = vector.load %arg5[%get3A_6, %get3A_7] : memref<1x128xf32, #tpu.memory_space<vmem>>, vector<1x128xf32>
    %add3A = vector.broadcast %get3A_8 : vector<1x128xf32> to vector<1000x128xf32>
    %add3A_9 = arith.addf %dot_general3A_5, %add3A : vector<1000x128xf32>
    %get3A_10 = arith.constant 0 : index
    %get3A_11 = arith.constant 0 : index
    %get3A_12 = vector.load %arg2[%get3A_10, %get3A_11] : memref<1000x128xf32, #tpu.memory_space<vmem>>, vector<1000x128xf32>
    %get3A_13 = arith.constant 0 : index
    %get3A_14 = arith.constant 0 : index
    %get3A_15 = vector.load %arg4[%get3A_13, %get3A_14] : memref<128x128xf32, #tpu.memory_space<vmem>>, vector<128x128xf32>
    %dot_general3A_16 = arith.constant dense<0.000000e+00> : vector<1000x128xf32>
    %dot_general3A_17 = tpu.matmul %get3A_12, %get3A_15, %dot_general3A_16 {dimension_numbers = #tpu.dot_dimension_numbers<[1], [0], [0], [1], [0, 0, 1, 1], [], []>, transpose_lhs_hint = false} : vector<1000x128xf32>, vector<128x128xf32>, vector<1000x128xf32> -> vector<1000x128xf32>
    %get3A_18 = arith.constant 0 : index
    %get3A_19 = arith.constant 0 : index
    %get3A_20 = vector.load %arg6[%get3A_18, %get3A_19] : memref<1x128xf32, #tpu.memory_space<vmem>>, vector<1x128xf32>
    %add3A_21 = vector.broadcast %get3A_20 : vector<1x128xf32> to vector<1000x128xf32>
    %add3A_22 = arith.addf %dot_general3A_17, %add3A_21 : vector<1000x128xf32>
    %slice3A = vector.extract_strided_slice %add3A_9 {offsets = [0, 0], sizes = [1000, 64], strides = [1, 1]} : vector<1000x128xf32> to vector<1000x64xf32>
    %swap3A = arith.constant 0 : index
    %swap3A_23 = arith.constant 0 : index
    %swap3A_24 = arith.constant 0 : index
    %swap3A_25 = vector.load %arg7[%swap3A, %swap3A_23, %swap3A_24] : memref<2x1000x64xf32, #tpu.memory_space<vmem>>, vector<1x1000x64xf32>
    %swap3A_26 = vector.shape_cast %swap3A_25 : vector<1x1000x64xf32> to vector<1000x64xf32>
    %swap3A_27 = vector.shape_cast %slice3A : vector<1000x64xf32> to vector<1x1000x64xf32>
    tpu.vector_store %arg7[%swap3A, %swap3A_23, %swap3A_24], %swap3A_27 {strides = array<i32>} : memref<2x1000x64xf32, #tpu.memory_space<vmem>>, vector<1x1000x64xf32>,
    %slice3A_28 = vector.extract_strided_slice %add3A_22 {offsets = [0, 0], sizes = [1000, 64], strides = [1, 1]} : vector<1000x128xf32> to vector<1000x64xf32>
    %swap3A_29 = arith.constant 1 : index
    %swap3A_30 = arith.constant 0 : index
    %swap3A_31 = arith.constant 0 : index
    %swap3A_32 = vector.load %arg7[%swap3A_29, %swap3A_30, %swap3A_31] : memref<2x1000x64xf32, #tpu.memory_space<vmem>>, vector<1x1000x64xf32>
    %swap3A_33 = vector.shape_cast %swap3A_32 : vector<1x1000x64xf32> to vector<1000x64xf32>
    %swap3A_34 = vector.shape_cast %slice3A_28 : vector<1000x64xf32> to vector<1x1000x64xf32>
    tpu.vector_store %arg7[%swap3A_29, %swap3A_30, %swap3A_31], %swap3A_34 {strides = array<i32>} : memref<2x1000x64xf32, #tpu.memory_space<vmem>>, vector<1x1000x64xf32>,
    %slice3A_35 = vector.extract_strided_slice %add3A_22 {offsets = [0, 64], sizes = [1000, 64], strides = [1, 1]} : vector<1000x128xf32> to vector<1000x64xf32>
    %swap3A_36 = arith.constant 0 : index
    %swap3A_37 = arith.constant 0 : index
    %swap3A_38 = arith.constant 0 : index
    %swap3A_39 = vector.load %arg8[%swap3A_36, %swap3A_37, %swap3A_38] : memref<2x1000x64xf32, #tpu.memory_space<vmem>>, vector<1x1000x64xf32>
    %swap3A_40 = vector.shape_cast %swap3A_39 : vector<1x1000x64xf32> to vector<1000x64xf32>
    %swap3A_41 = vector.shape_cast %slice3A_35 : vector<1000x64xf32> to vector<1x1000x64xf32>
    tpu.vector_store %arg8[%swap3A_36, %swap3A_37, %swap3A_38], %swap3A_41 {strides = array<i32>} : memref<2x1000x64xf32, #tpu.memory_space<vmem>>, vector<1x1000x64xf32>,
    %slice3A_42 = vector.extract_strided_slice %add3A_9 {offsets = [0, 64], sizes = [1000, 64], strides = [1, 1]} : vector<1000x128xf32> to vector<1000x64xf32>
    %swap3A_43 = arith.constant 1 : index
    %swap3A_44 = arith.constant 0 : index
    %swap3A_45 = arith.constant 0 : index
    %swap3A_46 = vector.load %arg8[%swap3A_43, %swap3A_44, %swap3A_45] : memref<2x1000x64xf32, #tpu.memory_space<vmem>>, vector<1x1000x64xf32>
    %swap3A_47 = vector.shape_cast %swap3A_46 : vector<1x1000x64xf32> to vector<1000x64xf32>
    %swap3A_48 = vector.shape_cast %slice3A_42 : vector<1000x64xf32> to vector<1x1000x64xf32>
    tpu.vector_store %arg8[%swap3A_43, %swap3A_44, %swap3A_45], %swap3A_48 {strides = array<i32>} : memref<2x1000x64xf32, #tpu.memory_space<vmem>>, vector<1x1000x64xf32>,
    return
  }
  func.func @transform_0(%arg0: i32) -> (i32, i32) {
    %c0_i32 = arith.constant 0 : i32
    %c0_i32_0 = arith.constant 0 : i32
    return %arg0, %c0_i32 : i32, i32
  }
  func.func @transform_1(%arg0: i32) -> (i32, i32) {
    %c0_i32 = arith.constant 0 : i32
    %c0_i32_0 = arith.constant 0 : i32
    return %arg0, %c0_i32 : i32, i32
  }
  func.func @transform_2(%arg0: i32) -> (i32, i32) {
    %c0_i32 = arith.constant 0 : i32
    %c0_i32_0 = arith.constant 0 : i32
    %c0_i32_1 = arith.constant 0 : i32
    return %c0_i32, %c0_i32_0 : i32, i32
  }
  func.func @transform_3(%arg0: i32) -> (i32, i32) {
    %c0_i32 = arith.constant 0 : i32
    %c0_i32_0 = arith.constant 0 : i32
    %c0_i32_1 = arith.constant 0 : i32
    return %c0_i32, %c0_i32_0 : i32, i32
  }
  func.func @transform_4(%arg0: i32) -> (i32, i32) {
    %c0_i32 = arith.constant 0 : i32
    %c0_i32_0 = arith.constant 0 : i32
    %c0_i32_1 = arith.constant 0 : i32
    return %c0_i32, %c0_i32_0 : i32, i32
  }
  func.func @transform_5(%arg0: i32) -> (i32, i32) {
    %c0_i32 = arith.constant 0 : i32
    %c0_i32_0 = arith.constant 0 : i32
    %c0_i32_1 = arith.constant 0 : i32
    return %c0_i32, %c0_i32_0 : i32, i32
  }
  func.func @transform_6(%arg0: i32) -> (i32, i32, i32) {
    %c0_i32 = arith.constant 0 : i32
    %c0_i32_0 = arith.constant 0 : i32
    %c0_i32_1 = arith.constant 0 : i32
    return %c0_i32, %arg0, %c0_i32_0 : i32, i32, i32
  }
  func.func @transform_7(%arg0: i32) -> (i32, i32, i32) {
    %c0_i32 = arith.constant 0 : i32
    %c0_i32_0 = arith.constant 0 : i32
    %c0_i32_1 = arith.constant 0 : i32
    return %c0_i32, %arg0, %c0_i32_0 : i32, i32, i32
  }
}

module attributes {stable_mosaic.version = 14 : i64} {
  func.func @_split_body(%arg0: i32, %arg1: memref<2x1000x64xf32, #tpu.memory_space<vmem>>, %arg2: memref<2x1000x64xf32, #tpu.memory_space<vmem>>, %arg3: memref<1000x64xf32, #tpu.memory_space<vmem>>, %arg4: memref<1000x64xf32, #tpu.memory_space<vmem>>) attributes {dimension_semantics = [#tpu.dimension_semantics<arbitrary>], iteration_bounds = array<i64: 10>, scalar_prefetch = 0 : i64, scratch_operands = 0 : i64, tpu.core_type = #tpu.core_type<tc>, window_params = [{transform_indices = @transform_0, window_bounds = array<i64: 2, 1000, 64>}, {transform_indices = @transform_1, window_bounds = array<i64: 2, 1000, 64>}, {transform_indices = @transform_2, window_bounds = array<i64: 1000, 64>}, {transform_indices = @transform_3, window_bounds = array<i64: 1000, 64>}]} {
    %get3A = arith.constant 1 : index
    %get3A_0 = arith.constant 0 : index
    %get3A_1 = arith.constant 0 : index
    %get3A_2 = vector.load %arg1[%get3A, %get3A_0, %get3A_1] : memref<2x1000x64xf32, #tpu.memory_space<vmem>>, vector<1x1000x64xf32>
    %get3A_3 = vector.shape_cast %get3A_2 : vector<1x1000x64xf32> to vector<1000x64xf32>
    %get3A_4 = arith.constant 1 : index
    %get3A_5 = arith.constant 0 : index
    %get3A_6 = arith.constant 0 : index
    %get3A_7 = vector.load %arg2[%get3A_4, %get3A_5, %get3A_6] : memref<2x1000x64xf32, #tpu.memory_space<vmem>>, vector<1x1000x64xf32>
    %get3A_8 = vector.shape_cast %get3A_7 : vector<1x1000x64xf32> to vector<1000x64xf32>
    %add3A = arith.addf %get3A_3, %get3A_8 : vector<1000x64xf32>
    %max3A = arith.constant 0.000000e+00 : f32
    %max3A_9 = vector.broadcast %max3A : f32 to vector<1000x64xf32>
    %max3A_10 = arith.maximumf %add3A, %max3A_9 : vector<1000x64xf32>
    %swap3A = arith.constant 0 : index
    %swap3A_11 = arith.constant 0 : index
    %swap3A_12 = vector.load %arg3[%swap3A, %swap3A_11] : memref<1000x64xf32, #tpu.memory_space<vmem>>, vector<1000x64xf32>
    tpu.vector_store %arg3[%swap3A, %swap3A_11], %max3A_10 {strides = array<i32>} : memref<1000x64xf32, #tpu.memory_space<vmem>>, vector<1000x64xf32>,
    %get3A_13 = arith.constant 0 : index
    %get3A_14 = arith.constant 0 : index
    %get3A_15 = arith.constant 0 : index
    %get3A_16 = vector.load %arg1[%get3A_13, %get3A_14, %get3A_15] : memref<2x1000x64xf32, #tpu.memory_space<vmem>>, vector<1x1000x64xf32>
    %get3A_17 = vector.shape_cast %get3A_16 : vector<1x1000x64xf32> to vector<1000x64xf32>
    %get3A_18 = arith.constant 0 : index
    %get3A_19 = arith.constant 0 : index
    %get3A_20 = arith.constant 0 : index
    %get3A_21 = vector.load %arg2[%get3A_18, %get3A_19, %get3A_20] : memref<2x1000x64xf32, #tpu.memory_space<vmem>>, vector<1x1000x64xf32>
    %get3A_22 = vector.shape_cast %get3A_21 : vector<1x1000x64xf32> to vector<1000x64xf32>
    %add3A_23 = arith.addf %get3A_17, %get3A_22 : vector<1000x64xf32>
    %max3A_24 = arith.constant 0.000000e+00 : f32
    %max3A_25 = vector.broadcast %max3A_24 : f32 to vector<1000x64xf32>
    %max3A_26 = arith.maximumf %add3A_23, %max3A_25 : vector<1000x64xf32>
    %swap3A_27 = arith.constant 0 : index
    %swap3A_28 = arith.constant 0 : index
    %swap3A_29 = vector.load %arg4[%swap3A_27, %swap3A_28] : memref<1000x64xf32, #tpu.memory_space<vmem>>, vector<1000x64xf32>
    tpu.vector_store %arg4[%swap3A_27, %swap3A_28], %max3A_26 {strides = array<i32>} : memref<1000x64xf32, #tpu.memory_space<vmem>>, vector<1000x64xf32>,
    return
  }
  func.func @transform_0(%arg0: i32) -> (i32, i32, i32) {
    %c0_i32 = arith.constant 0 : i32
    %c0_i32_0 = arith.constant 0 : i32
    %c0_i32_1 = arith.constant 0 : i32
    return %c0_i32, %arg0, %c0_i32_0 : i32, i32, i32
  }
  func.func @transform_1(%arg0: i32) -> (i32, i32, i32) {
    %c0_i32 = arith.constant 0 : i32
    %c0_i32_0 = arith.constant 0 : i32
    %c0_i32_1 = arith.constant 0 : i32
    return %c0_i32, %arg0, %c0_i32_0 : i32, i32, i32
  }
  func.func @transform_2(%arg0: i32) -> (i32, i32) {
    %c0_i32 = arith.constant 0 : i32
    %c0_i32_0 = arith.constant 0 : i32
    return %arg0, %c0_i32 : i32, i32
  }
  func.func @transform_3(%arg0: i32) -> (i32, i32) {
    %c0_i32 = arith.constant 0 : i32
    %c0_i32_0 = arith.constant 0 : i32
    return %arg0, %c0_i32 : i32, i32
  }
}

</mosaic_0001>

<sc_bundles>
// kernel: kernel.5.cloned.1.call-start
scs
__scs_entry_jumppad:
0x0: {  	(pc) =	sbr.rel $0x88, $3  }
0x1: {  	(tag) =	ssettag $0x0;
	lr =	simm.s32 $0x1  }
0x2: {  	[smem:$0x3F97] =	sst lr;
	_ =	strace $0xD0000000  }
0x3: {  	_ = 	snop  }
0x4: {  	_ = 	snop  }
0x5: {  	_ = 	snop  }
0x6: {  	_ = 	snop  }
0x7: {  	_ = 	snop  }
__scs_overlays_trampoline_lowered:
0x8: {  	[smem:$0x3FA6] =	sst s0  }
0x9: {  	[smem:$0x3FA7] =	sst s1  }
0xa: {  	[smem:$0x3FA8] =	sst s2  }
0xb: {  	[smem:$0x3FA9] =	sst s3  }
0xc: {  	[smem:$0x3FAA] =	sst s4  }
0xd: {  	[smem:$0x3FAB] =	sst s5  }
0xe: {  	[smem:$0x3FAC] =	sst s6  }
0xf: {  	[smem:$0x3FAD] =	sst s7  }
0x10: {  	[smem:$0x3FAE] =	sst s8  }
0x11: {  	[smem:$0x3FAF] =	sst s9;
	s0 =	simm.s32 @!p0 $0x0  }
0x12: {  	s1 =	sld [smem:$0x3F95];
	s0 =	simm.s32 @p0 $0x1  }
0x13: {  	[smem:$0x3FB0] =	sst s0;
	s0 =	simm.s32 @!p1 $0x0  }
0x14: {  	s2 =	sld [smem:$0x3F94];
	s0 =	simm.s32 @p1 $0x1  }
0x15: {  	[smem:$0x3FB1] =	sst s0;
	s0 =	simm.s32 @!p2 $0x0  }
0x16: {  	s3 =	sld [smem:$0x3FDB];
	s0 =	simm.s32 @p2 $0x1  }
0x17: {  	s4 =	simm.s32 $0x1BF5;
	[smem:$0x3FB3] =	sst s0  }
0x18: {  	s0 =	sld [smem:$0x3F96];
	_ =	swait.ge [sflag:s4], $0x0  }
0x19: {  	s7 =	sld [smem:$0x3F97]  }
0x1a: {  	s8 =	sadd.s32 $0xFFFFE003, lr  }
0x1b: {  	s9 =	sadd.s32 $0xFFFFFEF7, lr;
	s5 =	simm.s32 $0xFFFFFFFF;
	p2 =	slt.u32 s8, $0xFFFFF086  }
0x1c: {  	p1 =	slt.u32 s9, $0xF7A;
	s5 =	simm.s32 @!p2 $0x0  }
0x1d: {  	s5 =	simm.s32 @p1 $0x1;
	p0 =	seq.s32 s7, s2  }
0x1e: {  	s7 =	smul.u32 @!p0 $0xF7A, s2;
	p2 =	seq.s32 @!p0 s5, $0x0  }
0x1f: {  	s9 =	smul.u32 $0xF7A, s1;
	s8 =	simm.s32 @!p0 $0x1BF5;
	p2 =	por !p2, p0  }
0x20: {  	[sflag:s8] =	ssyncset.s32 @!p0 $0xFFFFF086;
	s6 =	sadd.s32 @!p0 s3, s7;
	s7 =	simm.s32 @!p0 $0x108  }
0x21: {  	s3 =	sadd.s32 s3, s9;
	s6 =	sadd.s32 @!p0 $0x88, s6;
	s7 =	simm.s32 @p2 $0x1082  }
0x22: {  	[simem:s7], [sflag:s8] =	dma.local @!p0 [hbm:s6], $0xF7A  }
0x23: {  	s9 =	sor.u32 $0xD0000000, s2;
	s6 =	simm.s32 $0x108;
	_ =	swait.ge @!p0 [sflag:s8], $0x0  }
0x24: {  	s3 =	sadd.s32 $0x88, s3;
	s6 =	simm.s32 @!p1 $0x1082;
	[sflag:s4] =	ssyncset.s32 $0xFFFFF086  }
0x25: {  	[simem:s6], [sflag:s4] =	dma.local [hbm:s3], $0xF7A  }
0x26: {  	[smem:$0x3F97] =	sst s1;
	(tag) =	ssettag s2;
	_ =	strace s9  }
0x27: {  	s1 =	sld [smem:$0x3FA7]  }
0x28: {  	s2 =	sld [smem:$0x3FA8]  }
0x29: {  	s4 =	sld [smem:$0x3FAA]  }
0x2a: {  	p0 =	seq.s32 s5, $0x0;
	s5 =	sld [smem:$0x3FAB]  }
0x2b: {  	s6 =	sld [smem:$0x3FAC]  }
0x2c: {  	s7 =	sld [smem:$0x3FAD]  }
0x2d: {  	s3 =	simm.s32 $0x108;
	s8 =	sld [smem:$0x3FAE]  }
0x2e: {  	s3 =	simm.s32 @!p0 $0x1082;
	s9 =	sld [smem:$0x3FAF]  }
0x2f: {  	lr =	sadd.s32 s0, s3;
	s0 =	sld [smem:$0x3FA6]  }
0x30: {  	s3 =	sld [smem:$0x3FA9]  }
0x31: {  	[smem:$0x3FB2] =	sst s10  }
0x32: {  	s10 =	sld [smem:$0x3FB0];
	_ =	sdelay $0x3  }
0x33: {  	p0 =	seq.s32 s10, $0x1;
	s10 =	sld [smem:$0x3FB2];
	_ =	sdelay $0x3  }
0x34: {  	[smem:$0x3FB2] =	sst s10  }
0x35: {  	s10 =	sld [smem:$0x3FB1];
	_ =	sdelay $0x3  }
0x36: {  	p1 =	seq.s32 s10, $0x1;
	s10 =	sld [smem:$0x3FB2];
	_ =	sdelay $0x3  }
0x37: {  	[smem:$0x3FB2] =	sst s10  }
0x38: {  	s10 =	sld [smem:$0x3FB3]  }
0x39: {  	_ = 	snop;
	(pc) =	sbr.ind lr, $3  }
0x3a: {  	_ = 	snop  }
0x3b: {  	_ = 	snop  }
0x3c: {  	p2 =	seq.s32 s10, $0x1;
	s10 =	sld [smem:$0x3FB2]  }
0x3d: {  	_ =	shalt  }
0x3e: {  	_ =	shalt  }
0x3f: {  	_ =	shalt  }
0x40: {  	_ =	shalt  }
0x41: {  	_ =	shalt  }
0x42: {  	_ =	shalt  }
0x43: {  	_ =	shalt  }
0x44: {  	_ =	shalt  }
0x45: {  	_ =	shalt  }
0x46: {  	_ =	shalt  }
0x47: {  	_ =	shalt  }
0x48: {  	_ =	shalt  }
0x49: {  	_ =	shalt  }
0x4a: {  	_ =	shalt  }
0x4b: {  	_ =	shalt  }
0x4c: {  	_ =	shalt  }
0x4d: {  	_ =	shalt  }
0x4e: {  	_ =	shalt  }
0x4f: {  	_ =	shalt  }
0x50: {  	_ =	shalt  }
0x51: {  	_ =	shalt  }
0x52: {  	_ =	shalt  }
0x53: {  	_ =	shalt  }
0x54: {  	_ =	shalt  }
0x55: {  	_ =	shalt  }
0x56: {  	_ =	shalt  }
0x57: {  	_ =	shalt  }
0x58: {  	_ =	shalt  }
0x59: {  	_ =	shalt  }
0x5a: {  	_ =	shalt  }
0x5b: {  	_ =	shalt  }
0x5c: {  	_ =	shalt  }
0x5d: {  	_ =	shalt  }
0x5e: {  	_ =	shalt  }
0x5f: {  	_ =	shalt  }
0x60: {  	_ =	shalt  }
0x61: {  	_ =	shalt  }
0x62: {  	_ =	shalt  }
0x63: {  	_ =	shalt  }
0x64: {  	_ =	shalt  }
0x65: {  	_ =	shalt  }
0x66: {  	_ =	shalt  }
0x67: {  	_ =	shalt  }
0x68: {  	_ =	shalt  }
0x69: {  	_ =	shalt  }
0x6a: {  	_ =	shalt  }
0x6b: {  	_ =	shalt  }
0x6c: {  	_ =	shalt  }
0x6d: {  	_ =	shalt  }
0x6e: {  	_ =	shalt  }
0x6f: {  	_ =	shalt  }
0x70: {  	_ =	shalt  }
0x71: {  	_ =	shalt  }
0x72: {  	_ =	shalt  }
0x73: {  	_ =	shalt  }
0x74: {  	_ =	shalt  }
0x75: {  	_ =	shalt  }
0x76: {  	_ =	shalt  }
0x77: {  	_ =	shalt  }
0x78: {  	_ =	shalt  }
0x79: {  	_ =	shalt  }
0x7a: {  	_ =	shalt  }
0x7b: {  	_ =	shalt  }
0x7c: {  	_ =	shalt  }
0x7d: {  	_ =	shalt  }
0x7e: {  	_ =	shalt  }
0x7f: {  	_ =	shalt  }
0x80: {  	_ =	shalt  }
0x81: {  	_ =	shalt  }
0x82: {  	_ =	shalt  }
0x83: {  	_ =	shalt  }
0x84: {  	_ =	shalt  }
0x85: {  	_ =	shalt  }
0x86: {  	_ =	shalt  }
0x87: {  	_ =	shalt  }
.Lfunc_end0:
.L_simem_size_0:
called_computation_lowered:
.L_overlay_start_0:
0x88: {  	s2 =	sld [smem:$0x3FD9]  }
0x89: {  	s3 =	sld [smem:$0x3FFE];
	_ =	sdelay $0x1  }
0x8a: {  	s1 =	srdreg.scid  }
0x8b: {  	s0 =	sand.u32 $0x1, s1  }
0x8c: {  	s14 =	sshll.u32 s0, $0xA;
	s2 =	sadd.s32 s3, s2  }
0x8d: {  	s2 =	sadd.s32 s2, s14  }
0x8e: {  	[smem:$0x3FBE] =	sst s2  }
0x8f: {  	_ = 	snop  }
0x90: {  	s2 =	sld [smem:$0x3FD0];
	_ =	sdelay $0x2  }
0x91: {  	s15 =	simm.s32 $0xA;
	s4 =	simm.s32 $0x10  }
0x92: {  	[smem:s4], [sflag:s15] =	dma.local [hbm:s2], $0x1  }
0x93: {  	_ =	swait.eq [sflag:s15], $0x1  }
0x94: {  	[sflag:s15] =	ssyncset.done $0x0  }
0x95: {  	[sflag:s15] =	ssyncadd.s32 $0xFFFFFFFF  }
0x96: {  	s16 =	sld [smem:$0x11];
	(tm) =	ssettm $0x1  }
0x97: {  	s17 =	sld [smem:$0x3FFB];
	_ =	sdelay $0x3  }
0x98: {  	_ =	strace s17  }
0x99: {  	s3 =	sld [smem:$0x3FFC];
	_ =	sdelay $0x3  }
0x9a: {  	_ =	strace s3  }
0x9b: {  	s3 =	sld [smem:$0x3FFD];
	_ =	sdelay $0x3  }
0x9c: {  	_ =	strace s3  }
0x9d: {  	_ =	strace $0x8FFFFFFF  }
0x9e: {  	s18 =	sld [smem:$0x3FDB];
	_ =	sdelay $0x1  }
0x9f: {  	s19 =	simm.s32 $_scs_section_size  }
0xa0: {  	s5 =	simm.s32 $_size__tile_overlayer_lowered;
	s6 =	simm.s32 $_tile_overlayer_lowered  }
0xa1: {  	s22 =	simm.s32 $0x1BFF;
	s21 =	sshll.u32 s6, $0x1;
	s3 =	sadd.s32 s19, s18  }
0xa2: {  	s7 =	simm.s32 $0x0;
	s20 =	sshll.u32 s5, $0x1;
	s5 =	sadd.s32 s21, s3  }
0xa3: {  	[timem:s7], [sflag:s22] =	dma.local [hbm:s5], s20  }
0xa4: {  	_ =	swait.ge [sflag:s22], s20  }
0xa5: {  	s4 =	ssub.s32 $0x0, s20;
	[sflag:s22] =	ssyncset.done $0x0  }
0xa6: {  	[sflag:s22] =	ssyncadd.s32 s4;
	_ =	sdelay $0x1  }
0xa7: {  	s23 =	simm.s32 $0x1B8B  }
0xa8: {  	_ =	swait.ge [sflag:s23], $0x1  }
0xa9: {  	[sflag:s23] =	ssyncset.done $0x0  }
0xaa: {  	s25 =	simm.s32 $0x1B8E;
	s24 =	sld [smem:$0x3FFE];
	[sflag:s23] =	ssyncadd.s32 $0xFFFFFFFF  }
0xab: {  	s26 =	simm.s32 $execute0_lowered;
	[smem:$0x3FD2] =	sst s25  }
0xac: {  	s5 =	sshll.u32 s26, $0x1;
	_ =	strace $0x80000046;
	[dreg:$0x1] =	wrdreg $0xFFFFFFFF  }
0xad: {  	s28 =	simm.s32 $_size_execute0_lowered;
	s3 =	sadd.s32 s3, s5;
	[dreg:$0x0] =	wrdreg $0x0  }
0xae: {  	s5 =	sshll.u32 s28, $0x1;
	[dreg:$0x2] =	wrdreg s3  }
0xaf: {  	[dreg:$0x3] =	wrdreg s5  }
0xb0: {  	[dreg:$0x4] =	wrdreg $0xC0  }
0xb1: {  	_ =	task [dreg:s7], $0x5FFFF  }
0xb2: {  	[dreg:$0x1] =	wrdreg $0xFFFFFFFF  }
0xb3: {  	[dreg:$0x0] =	wrdreg $0x60  }
0xb4: {  	[dreg:$0x2] =	wrdreg s24  }
0xb5: {  	[dreg:$0x3] =	wrdreg s16  }
0xb6: {  	[dreg:$0x4] =	wrdreg $0x123800  }
0xb7: {  	[dreg:$0x5] =	wrdreg $0x9  }
0xb8: {  	_ =	task.clear_ibuf [dreg:s7], $0x6FFFF;
	_ =	strace $0x90000046  }
0xb9: {  	s29 =	simm.s32 $0x9;
	_ =	strace $0x80000048  }
0xba: {  	_ =	swait.ge [sflag:s29], $0x1  }
0xbb: {  	[sflag:s29] =	ssyncadd.s32 $0xFFFFFFFF  }
0xbc: {  	_ =	strace $0x90000048  }
0xbd: {  	_ =	sfence  }
0xbe: {  	s30 =	sld [smem:$0x0];
	_ =	sdelay $0x2  }
0xbf: {  	s31 =	sshll.u32 s1, $0xD;
	s1 =	sshrl.u32 s1, $0x2  }
0xc0: {  	s3 =	sand.u32 $0x4000, s31;
	s1 =	sadd.s32 s1, s30  }
0xc1: {  	s0 =	sor.u32 s3, s0;
	s1 =	sshll.u32 s1, $0x11  }
0xc2: {  	s0 =	sor.u32 s1, s0  }
0xc3: {  	s0 =	sadd.s32 $0x8F2B, s0  }
0xc4: {  	[sflag:s0] =	ssyncadd.remote.s32 $0x1  }
0xc5: {  	_ =	sfence.sel $0xFFFF  }
0xc6: {  	[dreg:$0x0] =	wrdreg $0xFFFFFFFF;
	(pc) =	sbr.abs _section_cstart, $3  }
0xc7: {  	[dreg:$0x1] =	wrdreg $0xFFFFFFFF  }
0xc8: {  	_ =	task.clear_ibuf [dreg:s7], $0x2FFFF;
	_ =	strace $0x9FFFFFFF  }
0xc9: {  	(tm) =	ssettm $0x7FFFFFFF  }
tec
execute0_lowered:
.L_overlay_start_1:
0x0: {  	(tag) =	ssettag $0x1  }
0x1: {  	s0 =	rddreg [dreg:$0x0]  }
0x2: {  	s1 =	srdreg.scid;
	s2 =	rddreg [dreg:$0x1]  }
0x3: {  	s11 =	stileid.u32;
	s3 =	rddreg [dreg:$0x2]  }
0x4: {  	s4 =	simm.s32 $0x0;
	s17 =	simm.s32 $0x9300;
	s18 =	simm.s32 $0x3  }
0x5: {  	s19 =	simm.s32 $0x80;
	s28 =	simm.s32 $0x2;
	s6 =	smul.u32 $0x5000, s11  }
0x6: {  	s29 =	simm.s32 $0x5280;
	s30 =	simm.s32 $0xB300;
	s8 =	smul.u32 $0x28000, s11  }
0x7: {  	s31 =	simm.s32 $0x2800;
	s1 =	sand.u32 $0x1, s1;
	s10 =	smul.u32 $0x2800, s11  }
0x8: {  	s20 =	simm.s32 $0x0;
	[smem:$0x7FF] =	sst s4;
	s5 =	smul.u32 $0x50000, s1  }
0x9: {  	_ =	strace $0x80000047;
	s7 =	smul.u32 $0x14000, s1;
	s21 =	ssub.s32 $0x2, s1  }
0xa: {  	s22 =	sshrl.u32 s21, $0x1;
	s8 =	sshrl.u32 s8, $0x2;
	s5 =	sadd.s32 s6, s5  }
0xb: {  	s8 =	sadd.s32 s8, s3;
	s6 =	sshrl.u32 s5, $0x3;
	s5 =	sadd.s32 $0x50200, s0  }
0xc: {  	s23 =	sadd.s32 $0x2000, s8;
	s24 =	sadd.s32 $0x4000, s8;
	s25 =	sadd.s32 $0x6000, s8  }
0xd: {  	s26 =	sadd.s32 $0x8000, s8;
	s9 =	sadd.s32 s6, s0;
	[dreg:$0x4] =	wrdreg s23  }
0xe: {  	s0 =	sadd.s32 s7, s0;
	s6 =	smul.u32 $0x28000, s1;
	[dreg:$0x5] =	wrdreg s24  }
0xf: {  	s1 =	ssub.s32 s21, s22;
	s7 =	smul.u32 $0x280, s11;
	[dreg:$0x6] =	wrdreg s25  }
0x10: {  	[dreg:$0x7] =	wrdreg s26;
	s21 =	simm.s32 $0x5300;
	s23 =	simm.s32 $0x7300  }
0x11: {  	s24 =	simm.s32 $0x1;
	s25 =	simm.s32 $0xF300;
	s26 =	simm.s32 $0x5200  }
0x12: {  	s9 =	sadd.s32 $0x77400, s9;
	s15 =	sadd.s32 $0x8B400, s0;
	s10 =	sadd.s32 s10, s6  }
0x13: {  	s16 =	smax.u32 s1, $0x1;
	s1 =	simm.s32 $0x11B00;
	s10 =	sshrl.u32 s10, $0x3  }
0x14: {  	v0 =	vimm.f32 $0.0e+00;
	v1 =	vimm.f32 $1.000000000e+00;
	s0 =	simm.s32 $0xD300;
	[dreg:$0x8] =	wrdreg s9;
	s14 =	sadd.s32 s2, s10  }
.LBB2_1:
0x15: {  	s9 =	simm.s32 $0x0  }
.LBB2_2:
0x16: {  	p0 =	sne.s32 s9, $0x7F00  }
.Ltmp0:
0x17: {  	s10 =	sshra.s32 s9, $0x2;
	(pc) =	sbr.rel @p0 .LBB2_2-.Ltmp0, $4  }
0x18: {  	[tilespmem:s10+$0x9300] =	vst v0  }
0x19: {  	[tilespmem:s10+$0x9310] =	vst v0  }
0x1a: {  	[tilespmem:s10+$0x9320] =	vst v0  }
0x1b: {  	s9 =	sadd.s32 $0x100, s9;
	[tilespmem:s10+$0x9330] =	vst v0  }
0x1c: {  	s9 =	simm.s32 $0x40;
	s10 =	simm.s32 $0x0  }
.LBB2_4:
0x1d: {  	p0 =	sne.s32 s9, $0x9FC0;
	[tilespmem:s10+$0xF300] =	vst v0;
	s10 =	smov.u32 s9;
	s9 =	sadd.s32 $0x40, s9  }
.Ltmp1:
0x1e: {  	(pc) =	sbr.rel @p0 .LBB2_4-.Ltmp1, $2  }
0x1f: {  	_ =	sdelay $0x2  }
0x20: {  	s10 =	sshra.s32 s10, $0x2  }
0x21: {  	[tilespmem:s10+$0xF300] =	vst v0  }
0x22: {  	[spmem:s8] =	stream.linear.scatter [tilespmem:s17], [sflag:$0x3], $0x2000, $0x38;
	[tilespmem:$0x1C380] =	vst v63  }
0x23: {  	_ =	swait.ge [sflag:s18], $0x2000  }
0x24: {  	[sflag:s18] =	ssyncset.done $0x0  }
0x25: {  	s9 =	rddreg [dreg:$0x4];
	[sflag:s18] =	ssyncadd.s32 $0xFFFFE000  }
0x26: {  	[spmem:s9] =	stream.linear.scatter [tilespmem:s17], [sflag:$0x3], $0x2000, $0x38;
	[tilespmem:$0x1C380] =	vst v63  }
0x27: {  	_ =	swait.ge [sflag:s18], $0x2000  }
0x28: {  	[sflag:s18] =	ssyncset.done $0x0  }
0x29: {  	s22 =	rddreg [dreg:$0x5];
	[sflag:s18] =	ssyncadd.s32 $0xFFFFE000  }
0x2a: {  	[spmem:s22] =	stream.linear.scatter [tilespmem:s17], [sflag:$0x3], $0x2000, $0x38;
	[tilespmem:$0x1C380] =	vst v63  }
0x2b: {  	_ =	swait.ge [sflag:s18], $0x2000  }
0x2c: {  	[sflag:s18] =	ssyncset.done $0x0  }
0x2d: {  	s10 =	rddreg [dreg:$0x6];
	[sflag:s18] =	ssyncadd.s32 $0xFFFFE000  }
0x2e: {  	[spmem:s10] =	stream.linear.scatter [tilespmem:s17], [sflag:$0x3], $0x2000, $0x38;
	[tilespmem:$0x1C380] =	vst v63  }
0x2f: {  	_ =	swait.ge [sflag:s18], $0x2000  }
0x30: {  	[sflag:s18] =	ssyncset.done $0x0  }
0x31: {  	s11 =	rddreg [dreg:$0x7];
	[sflag:s18] =	ssyncadd.s32 $0xFFFFE000  }
0x32: {  	[spmem:s11] =	stream.linear.scatter [tilespmem:s17], [sflag:$0x3], $0x2000, $0x38;
	[tilespmem:$0x1C380] =	vst v63  }
0x33: {  	_ =	swait.ge [sflag:s18], $0x2000  }
0x34: {  	[sflag:s18] =	ssyncset.done $0x0  }
0x35: {  	s12 =	rddreg [dreg:$0x8];
	[sflag:s18] =	ssyncadd.s32 $0xFFFFE000  }
0x36: {  	[tilespmem:s4], [sflag:$0x3] =	stream.linear.gather [hbm4b:s12+s4], $0x5000, $0x38;
	[tilespmem:$0x1C380] =	vst v63  }
0x37: {  	_ =	swait.ge [sflag:s18], $0x5000  }
0x38: {  	[sflag:s18] =	ssyncset.done $0x0  }
0x39: {  	[sflag:s18] =	ssyncadd.s32 $0xFFFFB000  }
0x3a: {  	[bflag:$0x0] =	sbarrier.arrive $0xFFFF  }
0x3b: {  	v2 =	vld [tilespmem:$0x0]  }
0x3c: {  	v3 =	vld [tilespmem:$0x10]  }
0x3d: {  	v4 =	vld [tilespmem:$0x20]  }
0x3e: {  	v5 =	vld [tilespmem:$0x30]  }
0x3f: {  	v6 =	vld [tilespmem:$0x40]  }
0x40: {  	v7 =	vld [tilespmem:$0x50];
	v2 =	vand.u32 $0x7FFF, v2  }
0x41: {  	[tilespmem:$0x5000] =	vst v2;
	v2 =	vand.u32 $0x7FFF, v3;
	v3 =	vld [tilespmem:$0x60]  }
0x42: {  	v58 =	vld [tilespmem:$0x70];
	[tilespmem:$0x5010] =	vst v2;
	v2 =	vand.u32 $0x7FFF, v4  }
0x43: {  	[tilespmem:$0x5020] =	vst v2;
	v2 =	vand.u32 $0x7FFF, v5  }
0x44: {  	[tilespmem:$0x5030] =	vst v2;
	v2 =	vand.u32 $0x7FFF, v6  }
0x45: {  	[tilespmem:$0x5040] =	vst v2;
	v2 =	vand.u32 $0x7FFF, v7  }
0x46: {  	[tilespmem:$0x5050] =	vst v2;
	v2 =	vand.u32 $0x7FFF, v3  }
0x47: {  	[tilespmem:$0x5060] =	vst v2;
	v2 =	vand.u32 $0x7FFF, v58  }
0x48: {  	s13 =	simm.s32 $0x5000;
	[tilespmem:$0x5070] =	vst v2  }
0x49: {  	[tilespmem:s21], [sflag:$0x1] =	stream.indirect.gather [hbm4b:s5+s19], $0x40, s13, s19, $0xb8;
	[tilespmem:$0x1C380] =	vst v63  }
0x4a: {  	v2 =	vld [tilespmem:$0x80]  }
0x4b: {  	v3 =	vld [tilespmem:$0x90]  }
0x4c: {  	v59 =	vld [tilespmem:$0xA0]  }
0x4d: {  	v60 =	vld [tilespmem:$0xB0]  }
0x4e: {  	v61 =	vld [tilespmem:$0xC0]  }
0x4f: {  	v62 =	vld [tilespmem:$0xD0];
	v2 =	vand.u32 $0x7FFF, v2  }
0x50: {  	[tilespmem:$0x5080] =	vst v2;
	v2 =	vand.u32 $0x7FFF, v3;
	v3 =	vld [tilespmem:$0xE0]  }
0x51: {  	v63 =	vld [tilespmem:$0xF0];
	[tilespmem:$0x5090] =	vst v2;
	v2 =	vand.u32 $0x7FFF, v59  }
0x52: {  	[tilespmem:$0x50A0] =	vst v2;
	v2 =	vand.u32 $0x7FFF, v60  }
0x53: {  	[tilespmem:$0x50B0] =	vst v2;
	v2 =	vand.u32 $0x7FFF, v61  }
0x54: {  	[tilespmem:$0x50C0] =	vst v2;
	v2 =	vand.u32 $0x7FFF, v62  }
0x55: {  	[tilespmem:$0x50D0] =	vst v2;
	v2 =	vand.u32 $0x7FFF, v3  }
0x56: {  	[tilespmem:$0x50E0] =	vst v2;
	v2 =	vand.u32 $0x7FFF, v63  }
0x57: {  	s9 =	simm.s32 $0x180;
	s22 =	simm.s32 $0x5080;
	s10 =	simm.s32 $0x100;
	[tilespmem:$0x50F0] =	vst v2  }
0x58: {  	[tilespmem:s23], [sflag:$0x2] =	stream.indirect.gather [hbm4b:s5+s19], $0x40, s22, s19, $0xb8;
	[tilespmem:$0x1C380] =	vst v63  }
.LBB2_6:
0x59: {  	_ =	swait.ge [sflag:s24], $0x2000  }
0x5a: {  	[sflag:s24] =	ssyncset.done $0x0  }
0x5b: {  	[sflag:s24] =	ssyncadd.s32 $0xFFFFE000  }
0x5c: {  	v2 =	vld [tilespmem:s10+$0xFFFFFF00];
	_ =	sdelay $0x4  }
0x5d: {  	v2 =	vshrl.u32 v2, $0xF;
	_ =	sdelay $0x3  }
0x5e: {  	[tilespmem:$0x5200] =	vst v2  }
0x5f: {  	[tilespmem:v2+s25+$0x0] =	vst.idx.add.f32.msk $0xffff, v1  }
0x60: {  	v2 =	vld [tilespmem:s10+$0xFFFFFF10];
	_ =	sdelay $0x4  }
0x61: {  	v2 =	vshrl.u32 v2, $0xF;
	_ =	sdelay $0x3  }
0x62: {  	[tilespmem:$0x5210] =	vst v2  }
0x63: {  	[tilespmem:v2+s25+$0x0] =	vst.idx.add.f32.msk $0xffff, v1  }
0x64: {  	v2 =	vld [tilespmem:s10+$0xFFFFFF20];
	_ =	sdelay $0x4  }
0x65: {  	v2 =	vshrl.u32 v2, $0xF;
	_ =	sdelay $0x3  }
0x66: {  	[tilespmem:$0x5220] =	vst v2  }
0x67: {  	[tilespmem:v2+s25+$0x0] =	vst.idx.add.f32.msk $0xffff, v1  }
0x68: {  	v2 =	vld [tilespmem:s10+$0xFFFFFF30];
	_ =	sdelay $0x4  }
0x69: {  	v2 =	vshrl.u32 v2, $0xF;
	_ =	sdelay $0x3  }
0x6a: {  	[tilespmem:$0x5230] =	vst v2  }
0x6b: {  	[tilespmem:v2+s25+$0x0] =	vst.idx.add.f32.msk $0xffff, v1  }
0x6c: {  	v2 =	vld [tilespmem:s10+$0xFFFFFF40];
	_ =	sdelay $0x4  }
0x6d: {  	v2 =	vshrl.u32 v2, $0xF;
	_ =	sdelay $0x3  }
0x6e: {  	[tilespmem:$0x5240] =	vst v2  }
0x6f: {  	[tilespmem:v2+s25+$0x0] =	vst.idx.add.f32.msk $0xffff, v1  }
0x70: {  	v2 =	vld [tilespmem:s10+$0xFFFFFF50];
	_ =	sdelay $0x4  }
0x71: {  	v2 =	vshrl.u32 v2, $0xF;
	_ =	sdelay $0x3  }
0x72: {  	[tilespmem:$0x5250] =	vst v2  }
0x73: {  	[tilespmem:v2+s25+$0x0] =	vst.idx.add.f32.msk $0xffff, v1  }
0x74: {  	v2 =	vld [tilespmem:s10+$0xFFFFFF60];
	_ =	sdelay $0x4  }
0x75: {  	v2 =	vshrl.u32 v2, $0xF;
	_ =	sdelay $0x3  }
0x76: {  	[tilespmem:$0x5260] =	vst v2  }
0x77: {  	[tilespmem:v2+s25+$0x0] =	vst.idx.add.f32.msk $0xffff, v1  }
0x78: {  	v2 =	vld [tilespmem:s10+$0xFFFFFF70];
	_ =	sdelay $0x4  }
0x79: {  	v2 =	vshrl.u32 v2, $0xF;
	_ =	sdelay $0x3  }
0x7a: {  	[tilespmem:$0x5270] =	vst v2  }
0x7b: {  	[tilespmem:v2+s25+$0x0] =	vst.idx.add.f32.msk $0xffff, v1  }
0x7c: {  	[spmem:s3] =	stream.indirect.scatter.add.f32 [tilespmem:s21], [sflag:$0x3], $0x40, s26, s19, $0xb8;
	[tilespmem:$0x1C380] =	vst v63  }
0x7d: {  	_ =	swait.ge [sflag:s18], $0x2000  }
0x7e: {  	[sflag:s18] =	ssyncset.done $0x0  }
0x7f: {  	[sflag:s18] =	ssyncadd.s32 $0xFFFFE000  }
0x80: {  	v2 =	vld [tilespmem:s10+$0x0];
	_ =	sdelay $0x3  }
0x81: {  	s11 =	sadd.s32 $0xFFFFFF80, s9  }
0x82: {  	s11 =	sand.u32 $0x100, s11;
	v2 =	vand.u32 $0x7FFF, v2  }
0x83: {  	[tilespmem:s11+$0x5000] =	vst v2  }
0x84: {  	v2 =	vld [tilespmem:s10+$0x10];
	_ =	sdelay $0x4  }
0x85: {  	v2 =	vand.u32 $0x7FFF, v2  }
0x86: {  	[tilespmem:s11+$0x5010] =	vst v2  }
0x87: {  	v2 =	vld [tilespmem:s10+$0x20];
	_ =	sdelay $0x4  }
0x88: {  	v2 =	vand.u32 $0x7FFF, v2  }
0x89: {  	[tilespmem:s11+$0x5020] =	vst v2  }
0x8a: {  	v2 =	vld [tilespmem:s10+$0x30];
	_ =	sdelay $0x4  }
0x8b: {  	v2 =	vand.u32 $0x7FFF, v2  }
0x8c: {  	[tilespmem:s11+$0x5030] =	vst v2  }
0x8d: {  	v2 =	vld [tilespmem:s10+$0x40];
	_ =	sdelay $0x4  }
0x8e: {  	v2 =	vand.u32 $0x7FFF, v2  }
0x8f: {  	[tilespmem:s11+$0x5040] =	vst v2  }
0x90: {  	v2 =	vld [tilespmem:s10+$0x50];
	_ =	sdelay $0x4  }
0x91: {  	v2 =	vand.u32 $0x7FFF, v2  }
0x92: {  	[tilespmem:s11+$0x5050] =	vst v2  }
0x93: {  	v2 =	vld [tilespmem:s10+$0x60];
	_ =	sdelay $0x4  }
0x94: {  	v2 =	vand.u32 $0x7FFF, v2  }
0x95: {  	[tilespmem:s11+$0x5060] =	vst v2  }
0x96: {  	v2 =	vld [tilespmem:s10+$0x70];
	_ =	sdelay $0x4  }
0x97: {  	v2 =	vand.u32 $0x7FFF, v2  }
0x98: {  	s12 =	sor.u32 $0x5000, s11;
	[tilespmem:s11+$0x5070] =	vst v2  }
0x99: {  	[tilespmem:s21], [sflag:$0x1] =	stream.indirect.gather [hbm4b:s5+s19], $0x40, s12, s19, $0xb8;
	[tilespmem:$0x1C380] =	vst v63  }
0x9a: {  	_ =	swait.ge [sflag:s28], $0x2000  }
0x9b: {  	[sflag:s28] =	ssyncset.done $0x0  }
0x9c: {  	[sflag:s28] =	ssyncadd.s32 $0xFFFFE000  }
0x9d: {  	v2 =	vld [tilespmem:s10+$0xFFFFFF80];
	_ =	sdelay $0x4  }
0x9e: {  	v2 =	vshrl.u32 v2, $0xF;
	_ =	sdelay $0x3  }
0x9f: {  	[tilespmem:$0x5280] =	vst v2  }
0xa0: {  	[tilespmem:v2+s25+$0x0] =	vst.idx.add.f32.msk $0xffff, v1  }
0xa1: {  	v2 =	vld [tilespmem:s10+$0xFFFFFF90];
	_ =	sdelay $0x4  }
0xa2: {  	v2 =	vshrl.u32 v2, $0xF;
	_ =	sdelay $0x3  }
0xa3: {  	[tilespmem:$0x5290] =	vst v2  }
0xa4: {  	[tilespmem:v2+s25+$0x0] =	vst.idx.add.f32.msk $0xffff, v1  }
0xa5: {  	v2 =	vld [tilespmem:s10+$0xFFFFFFA0];
	_ =	sdelay $0x4  }
0xa6: {  	v2 =	vshrl.u32 v2, $0xF;
	_ =	sdelay $0x3  }
0xa7: {  	[tilespmem:$0x52A0] =	vst v2  }
0xa8: {  	[tilespmem:v2+s25+$0x0] =	vst.idx.add.f32.msk $0xffff, v1  }
0xa9: {  	v2 =	vld [tilespmem:s10+$0xFFFFFFB0];
	_ =	sdelay $0x4  }
0xaa: {  	v2 =	vshrl.u32 v2, $0xF;
	_ =	sdelay $0x3  }
0xab: {  	[tilespmem:$0x52B0] =	vst v2  }
0xac: {  	[tilespmem:v2+s25+$0x0] =	vst.idx.add.f32.msk $0xffff, v1  }
0xad: {  	v2 =	vld [tilespmem:s10+$0xFFFFFFC0];
	_ =	sdelay $0x4  }
0xae: {  	v2 =	vshrl.u32 v2, $0xF;
	_ =	sdelay $0x3  }
0xaf: {  	[tilespmem:$0x52C0] =	vst v2  }
0xb0: {  	[tilespmem:v2+s25+$0x0] =	vst.idx.add.f32.msk $0xffff, v1  }
0xb1: {  	v2 =	vld [tilespmem:s10+$0xFFFFFFD0];
	_ =	sdelay $0x4  }
0xb2: {  	v2 =	vshrl.u32 v2, $0xF;
	_ =	sdelay $0x3  }
0xb3: {  	[tilespmem:$0x52D0] =	vst v2  }
0xb4: {  	[tilespmem:v2+s25+$0x0] =	vst.idx.add.f32.msk $0xffff, v1  }
0xb5: {  	v2 =	vld [tilespmem:s10+$0xFFFFFFE0];
	_ =	sdelay $0x4  }
0xb6: {  	v2 =	vshrl.u32 v2, $0xF;
	_ =	sdelay $0x3  }
0xb7: {  	[tilespmem:$0x52E0] =	vst v2  }
0xb8: {  	[tilespmem:v2+s25+$0x0] =	vst.idx.add.f32.msk $0xffff, v1  }
0xb9: {  	v2 =	vld [tilespmem:s10+$0xFFFFFFF0];
	_ =	sdelay $0x4  }
0xba: {  	v2 =	vshrl.u32 v2, $0xF;
	_ =	sdelay $0x3  }
0xbb: {  	[tilespmem:$0x52F0] =	vst v2  }
0xbc: {  	[tilespmem:v2+s25+$0x0] =	vst.idx.add.f32.msk $0xffff, v1  }
0xbd: {  	[spmem:s3] =	stream.indirect.scatter.add.f32 [tilespmem:s23], [sflag:$0x3], $0x40, s29, s19, $0xb8;
	[tilespmem:$0x1C380] =	vst v63  }
0xbe: {  	_ =	swait.ge [sflag:s18], $0x2000  }
0xbf: {  	[sflag:s18] =	ssyncset.done $0x0  }
0xc0: {  	[sflag:s18] =	ssyncadd.s32 $0xFFFFE000  }
0xc1: {  	v2 =	vld [tilespmem:s10+$0x80];
	_ =	sdelay $0x4  }
0xc2: {  	s13 =	sand.u32 $0x180, s9;
	v2 =	vand.u32 $0x7FFF, v2  }
0xc3: {  	[tilespmem:s13+$0x5000] =	vst v2  }
0xc4: {  	v2 =	vld [tilespmem:s10+$0x90];
	_ =	sdelay $0x4  }
0xc5: {  	v2 =	vand.u32 $0x7FFF, v2  }
0xc6: {  	[tilespmem:s13+$0x5010] =	vst v2  }
0xc7: {  	v2 =	vld [tilespmem:s10+$0xA0];
	_ =	sdelay $0x4  }
0xc8: {  	v2 =	vand.u32 $0x7FFF, v2  }
0xc9: {  	[tilespmem:s13+$0x5020] =	vst v2  }
0xca: {  	v2 =	vld [tilespmem:s10+$0xB0];
	_ =	sdelay $0x4  }
0xcb: {  	v2 =	vand.u32 $0x7FFF, v2  }
0xcc: {  	[tilespmem:s13+$0x5030] =	vst v2  }
0xcd: {  	v2 =	vld [tilespmem:s10+$0xC0];
	_ =	sdelay $0x4  }
0xce: {  	v2 =	vand.u32 $0x7FFF, v2  }
0xcf: {  	[tilespmem:s13+$0x5040] =	vst v2  }
0xd0: {  	v2 =	vld [tilespmem:s10+$0xD0];
	_ =	sdelay $0x4  }
0xd1: {  	v2 =	vand.u32 $0x7FFF, v2  }
0xd2: {  	[tilespmem:s13+$0x5050] =	vst v2  }
0xd3: {  	v2 =	vld [tilespmem:s10+$0xE0];
	_ =	sdelay $0x4  }
0xd4: {  	v2 =	vand.u32 $0x7FFF, v2  }
0xd5: {  	[tilespmem:s13+$0x5060] =	vst v2  }
0xd6: {  	v2 =	vld [tilespmem:s10+$0xF0];
	_ =	sdelay $0x1  }
0xd7: {  	p0 =	sne.s32 s9, $0x4F80  }
.Ltmp2:
0xd8: {  	_ = 	snop;
	(pc) =	sbr.rel @p0 .LBB2_6-.Ltmp2, $4  }
0xd9: {  	_ = 	snop  }
0xda: {  	v2 =	vand.u32 $0x7FFF, v2  }
0xdb: {  	s9 =	sadd.s32 $0x100, s9;
	s22 =	sor.u32 $0x5000, s13;
	s10 =	sadd.s32 $0x100, s10;
	[tilespmem:s13+$0x5070] =	vst v2  }
0xdc: {  	[tilespmem:s23], [sflag:$0x2] =	stream.indirect.gather [hbm4b:s5+s19], $0x40, s22, s19, $0xb8;
	[tilespmem:$0x1C380] =	vst v63  }
0xdd: {  	_ =	swait.ge [sflag:s24], $0x2000  }
0xde: {  	[sflag:s24] =	ssyncset.done $0x0  }
0xdf: {  	[sflag:s24] =	ssyncadd.s32 $0xFFFFE000  }
0xe0: {  	_ =	swait.ge [sflag:s28], $0x2000  }
0xe1: {  	[sflag:s28] =	ssyncset.done $0x0  }
0xe2: {  	s22 =	simm.s32 $0x0;
	[sflag:s28] =	ssyncadd.s32 $0xFFFFE000  }
0xe3: {  	[hbm4b:s14+s22] =	stream.linear.scatter [tilespmem:s25], [sflag:$0x3], $0x2800, $0x38;
	[tilespmem:$0x1C380] =	vst v63  }
0xe4: {  	_ =	swait.ge [sflag:s18], $0x2800  }
0xe5: {  	[sflag:s18] =	ssyncset.done $0x0  }
0xe6: {  	[sflag:s18] =	ssyncadd.s32 $0xFFFFD800  }
0xe7: {  	[bflag:$0x0] =	sbarrier.arrive $0xFFFF  }
.LBB2_8:
0xe8: {  	s9 =	sshll.u32 s22, $0x7  }
0xe9: {  	s9 =	sadd.s32 s7, s9  }
0xea: {  	s10 =	sshll.u32 s9, $0x6  }
0xeb: {  	s10 =	sand.u32 $0x3FFFFFC0, s10  }
0xec: {  	s10 =	sadd.s32 s10, s3  }
0xed: {  	[tilespmem:s30], [sflag:$0x3] =	stream.linear.gather [spmem:s10], $0x2000, $0x38;
	[tilespmem:$0x1C380] =	vst v63  }
0xee: {  	s13 =	sor.u32 s6, s9;
	_ =	swait.ge [sflag:s18], $0x2000  }
0xef: {  	s10 =	sshrl.u32 s13, $0x3;
	[sflag:s18] =	ssyncset.done $0x0  }
0xf0: {  	s10 =	sadd.s32 s2, s10;
	[sflag:s18] =	ssyncadd.s32 $0xFFFFE000  }
0xf1: {  	[tilespmem:s1], [sflag:$0x3] =	stream.strided.gather [hbm4b:s10+s19], $0x800, s31, s19, $0x38;
	[tilespmem:$0x1C380] =	vst v63  }
0xf2: {  	_ =	swait.ge [sflag:s18], $0x800  }
0xf3: {  	[sflag:s18] =	ssyncset.done $0x0  }
0xf4: {  	s11 =	simm.s32 $0x0;
	[sflag:s18] =	ssyncadd.s32 $0xFFFFF800  }
0xf5: {  	v2 =	vld [tilespmem:s11+$0x11B00];
	_ =	sdelay $0x1  }
0xf6: {  	v3 =	vld [tilespmem:s11+$0x11B80];
	_ =	sdelay $0x1  }
0xf7: {  	v4 =	vld [tilespmem:s11+$0x11C00]  }
0xf8: {  	v2 =	vadd.f32 $0.0e+00, v2  }
0xf9: {  	v5 =	vld [tilespmem:s11+$0x11C80]  }
0xfa: {  	v2 =	vadd.f32 v3, v2  }
0xfb: {  	v3 =	vld [tilespmem:s11+$0x11D00]  }
0xfc: {  	v2 =	vadd.f32 v4, v2  }
0xfd: {  	v4 =	vld [tilespmem:s11+$0x11D80]  }
0xfe: {  	v2 =	vadd.f32 v5, v2  }
0xff: {  	v5 =	vld [tilespmem:s11+$0x11E00]  }
0x100: {  	v2 =	vadd.f32 v3, v2  }
0x101: {  	s10 =	simm.s32 $0x10;
	v3 =	vld [tilespmem:s11+$0x11E80]  }
0x102: {  	v6 =	vld [tilespmem:s10+$0x11B00];
	v2 =	vadd.f32 v4, v2  }
0x103: {  	v4 =	vld [tilespmem:s11+$0x11F00]  }
0x104: {  	v7 =	vld [tilespmem:s10+$0x11B80];
	v2 =	vadd.f32 v5, v2  }
0x105: {  	v5 =	vld [tilespmem:s11+$0x11F80]  }
0x106: {  	v8 =	vld [tilespmem:s10+$0x11C00];
	v2 =	vadd.f32 v3, v2  }
0x107: {  	v3 =	vld [tilespmem:s11+$0x12000]  }
0x108: {  	v9 =	vld [tilespmem:s10+$0x11C80];
	v6 =	vadd.f32 $0.0e+00, v6;
	v2 =	vadd.f32 v4, v2  }
0x109: {  	v4 =	vld [tilespmem:s11+$0x12080]  }
0x10a: {  	v10 =	vld [tilespmem:s10+$0x11D00];
	v6 =	vadd.f32 v7, v6;
	v2 =	vadd.f32 v5, v2  }
0x10b: {  	v7 =	vld [tilespmem:s11+$0x12100]  }
0x10c: {  	v11 =	vld [tilespmem:s10+$0x11D80];
	v5 =	vadd.f32 v8, v6;
	v2 =	vadd.f32 v3, v2  }
0x10d: {  	v8 =	vld [tilespmem:s11+$0x12180]  }
0x10e: {  	v3 =	vadd.f32 v9, v5;
	v5 =	vld [tilespmem:s10+$0x11E00];
	v4 =	vadd.f32 v4, v2  }
0x10f: {  	v2 =	vld [tilespmem:s11+$0x12200]  }
0x110: {  	v6 =	vld [tilespmem:s10+$0x11E80];
	v9 =	vadd.f32 v10, v3;
	v10 =	vadd.f32 v7, v4  }
0x111: {  	v3 =	vld [tilespmem:s11+$0x12280]  }
0x112: {  	s12 =	simm.s32 $0x20;
	s13 =	simm.s32 $0xC0;
	v7 =	vadd.f32 v11, v9;
	v4 =	vld [tilespmem:s10+$0x11F00];
	v8 =	vadd.f32 v8, v10  }
.LBB2_9:
0x113: {  	p0 =	sne.s32 s13, $0x1C0;
	v9 =	vld [tilespmem:s12+$0x11B00]  }
0x114: {  	v5 =	vadd.f32 v5, v7;
	v7 =	vld [tilespmem:s10+$0x11F80];
	v2 =	vadd.f32 v2, v8  }
0x115: {  	v8 =	vld [tilespmem:s12+$0x11B80]  }
0x116: {  	v5 =	vadd.f32 v6, v5;
	v6 =	vld [tilespmem:s10+$0x12000];
	v2 =	vadd.f32 v3, v2  }
0x117: {  	v3 =	vld [tilespmem:s12+$0x11C00]  }
0x118: {  	v9 =	vadd.f32 $0.0e+00, v9;
	v4 =	vadd.f32 v4, v5;
	v5 =	vld [tilespmem:s10+$0x12080];
	[tilespmem:s11+$0x12300] =	vst v2;
	s11 =	smov.u32 s10;
	s10 =	smov.u32 s12  }
0x119: {  	v2 =	vld [tilespmem:s10+$0x11C80]  }
0x11a: {  	v8 =	vadd.f32 v8, v9;
	v4 =	vadd.f32 v7, v4;
	v7 =	vld [tilespmem:s11+$0x12100]  }
0x11b: {  	v9 =	vld [tilespmem:s10+$0x11D00]  }
0x11c: {  	v3 =	vadd.f32 v3, v8;
	v4 =	vadd.f32 v6, v4;
	v8 =	vld [tilespmem:s11+$0x12180]  }
0x11d: {  	v10 =	vld [tilespmem:s10+$0x11D80]  }
.Ltmp3:
0x11e: {  	v3 =	vadd.f32 v2, v3;
	v4 =	vadd.f32 v5, v4;
	v2 =	vld [tilespmem:s11+$0x12200];
	(pc) =	sbr.rel @p0 .LBB2_9-.Ltmp3, $4  }
0x11f: {  	v5 =	vld [tilespmem:s10+$0x11E00]  }
0x120: {  	v9 =	vadd.f32 v9, v3;
	v11 =	vadd.f32 v7, v4;
	v3 =	vld [tilespmem:s11+$0x12280]  }
0x121: {  	v6 =	vld [tilespmem:s10+$0x11E80]  }
0x122: {  	s12 =	sshra.s32 s13, $0x2;
	s13 =	sadd.s32 $0x40, s13;
	v7 =	vadd.f32 v10, v9;
	v4 =	vld [tilespmem:s10+$0x11F00];
	v8 =	vadd.f32 v8, v11  }
0x123: {  	v9 =	vld [tilespmem:s12+$0x11B00]  }
0x124: {  	v10 =	vld [tilespmem:s10+$0x11F80];
	v2 =	vadd.f32 v2, v8  }
0x125: {  	v8 =	vld [tilespmem:s12+$0x11B80]  }
0x126: {  	v11 =	vld [tilespmem:s10+$0x12000];
	v5 =	vadd.f32 v5, v7;
	v2 =	vadd.f32 v3, v2  }
0x127: {  	v3 =	vld [tilespmem:s12+$0x11C00]  }
0x128: {  	v7 =	vld [tilespmem:s10+$0x12080];
	v5 =	vadd.f32 v6, v5;
	v6 =	vadd.f32 $0.0e+00, v9;
	[tilespmem:s11+$0x12300] =	vst v2  }
0x129: {  	v2 =	vld [tilespmem:s12+$0x11C80]  }
0x12a: {  	v4 =	vadd.f32 v4, v5;
	v5 =	vadd.f32 v8, v6  }
0x12b: {  	v6 =	vld [tilespmem:s12+$0x11D00]  }
0x12c: {  	v4 =	vadd.f32 v10, v4;
	v8 =	vld [tilespmem:s10+$0x12100];
	v3 =	vadd.f32 v3, v5  }
0x12d: {  	v5 =	vld [tilespmem:s12+$0x11D80]  }
0x12e: {  	v9 =	vld [tilespmem:s10+$0x12180];
	v4 =	vadd.f32 v11, v4;
	v2 =	vadd.f32 v2, v3  }
0x12f: {  	v3 =	vld [tilespmem:s12+$0x11E00]  }
0x130: {  	v4 =	vadd.f32 v7, v4;
	v7 =	vld [tilespmem:s10+$0x12200];
	v2 =	vadd.f32 v6, v2  }
0x131: {  	v6 =	vld [tilespmem:s12+$0x11E80]  }
0x132: {  	v4 =	vadd.f32 v8, v4;
	v8 =	vld [tilespmem:s10+$0x12280];
	v2 =	vadd.f32 v5, v2  }
0x133: {  	v5 =	vld [tilespmem:s12+$0x11F00]  }
0x134: {  	v4 =	vadd.f32 v9, v4;
	v2 =	vadd.f32 v3, v2  }
0x135: {  	v3 =	vld [tilespmem:s12+$0x11F80]  }
0x136: {  	v4 =	vadd.f32 v7, v4;
	v2 =	vadd.f32 v6, v2  }
0x137: {  	v6 =	vld [tilespmem:s12+$0x12000]  }
0x138: {  	v4 =	vadd.f32 v8, v4;
	v2 =	vadd.f32 v5, v2  }
0x139: {  	v5 =	vld [tilespmem:s12+$0x12080]  }
0x13a: {  	[tilespmem:s10+$0x12300] =	vst v4;
	v2 =	vadd.f32 v3, v2  }
0x13b: {  	v3 =	vld [tilespmem:s12+$0x12100]  }
0x13c: {  	v2 =	vadd.f32 v6, v2  }
0x13d: {  	v4 =	vld [tilespmem:s12+$0x12180]  }
0x13e: {  	v2 =	vadd.f32 v5, v2  }
0x13f: {  	v5 =	vld [tilespmem:s12+$0x12200]  }
0x140: {  	v2 =	vadd.f32 v3, v2  }
0x141: {  	v3 =	vld [tilespmem:s12+$0x12280]  }
0x142: {  	v2 =	vadd.f32 v4, v2;
	_ =	sdelay $0x1  }
0x143: {  	v2 =	vadd.f32 v5, v2;
	_ =	sdelay $0x1  }
0x144: {  	v2 =	vadd.f32 v3, v2;
	_ =	sdelay $0x1  }
0x145: {  	s10 =	simm.s32 $0x0;
	[tilespmem:s12+$0x12300] =	vst v2  }
0x146: {  	v15 =	vld [tilespmem:s10+$0xB300]  }
0x147: {  	v16 =	vld [tilespmem:s10+$0xB310]  }
0x148: {  	v14 =	vld [tilespmem:s10+$0xB320]  }
0x149: {  	v13 =	vld [tilespmem:s10+$0xB330]  }
0x14a: {  	v11 =	vld [tilespmem:s10+$0xB340]  }
0x14b: {  	v12 =	vld [tilespmem:s10+$0xB350]  }
0x14c: {  	v10 =	vld [tilespmem:s10+$0xB360]  }
0x14d: {  	v9 =	vld [tilespmem:s10+$0xB370]  }
0x14e: {  	v7 =	vld [tilespmem:s10+$0xB380]  }
0x14f: {  	v8 =	vld [tilespmem:s10+$0xB390]  }
0x150: {  	v6 =	vld [tilespmem:s10+$0xB3A0]  }
0x151: {  	v5 =	vld [tilespmem:s10+$0xB3B0]  }
0x152: {  	v3 =	vld [tilespmem:s10+$0xB3C0]  }
0x153: {  	s11 =	simm.s32 $0x12300;
	v4 =	vld [tilespmem:s10+$0xB3D0]  }
0x154: {  	s12 =	simm.s32 $0x1000;
	v2 =	vld [tilespmem:s11+$0x0]  }
.LBB2_11:
0x155: {  	p0 =	sne.s32 s12, $0x7000;
	v17 =	vld [tilespmem:s10+$0xB3E0]  }
0x156: {  	v18 =	vld [tilespmem:s10+$0xB3F0]  }
0x157: {  	v19 =	vld [tilespmem:s10+$0xB400]  }
0x158: {  	v20 =	vld [tilespmem:s10+$0xB410]  }
0x159: {  	v2 =	vmax.f32 v2, $1.000000000e+00;
	v21 =	vld [tilespmem:s10+$0xB420]  }
0x15a: {  	v22 =	vld [tilespmem:s10+$0xB430];
	(erf) = vrcp.f32 v2  }
0x15b: {  	v23 =	vld [tilespmem:s10+$0xB440]  }
0x15c: {  	v24 =	vld [tilespmem:s10+$0xB450]  }
0x15d: {  	v25 =	vld [tilespmem:s10+$0xB460]  }
0x15e: {  	v26 =	vld [tilespmem:s10+$0xB470]  }
0x15f: {  	v27 =	vld [tilespmem:s10+$0xB480]  }
0x160: {  	v28 =	vld [tilespmem:s10+$0xB490]  }
0x161: {  	v29 =	vld [tilespmem:s10+$0xB4A0]  }
0x162: {  	v30 =	vld [tilespmem:s10+$0xB4B0]  }
0x163: {  	v31 =	vld [tilespmem:s10+$0xB4C0];
	v2 =	vpop (erf)  }
0x164: {  	v32 =	vbroadcast v2, $0x0;
	v33 =	vbroadcast v2, $0x1;
	v34 =	vld [tilespmem:s10+$0xB4D0]  }
0x165: {  	v35 =	vbroadcast v2, $0x2;
	v36 =	vbroadcast v2, $0x3;
	v37 =	vld [tilespmem:s10+$0xB4E0]  }
0x166: {  	v15 =	vmul.f32 v32, v15;
	v16 =	vmul.f32 v32, v16;
	v38 =	vld [tilespmem:s10+$0xB4F0]  }
0x167: {  	v14 =	vmul.f32 v14, v32;
	v13 =	vmul.f32 v13, v32;
	v32 =	vld [tilespmem:s10+$0xB500]  }
0x168: {  	v11 =	vmul.f32 v11, v33;
	v12 =	vmul.f32 v12, v33;
	[tilespmem:s10+$0xD300] =	vst v15;
	v15 =	vld [tilespmem:s10+$0xB510]  }
0x169: {  	v10 =	vmul.f32 v10, v33;
	v9 =	vmul.f32 v9, v33;
	[tilespmem:s10+$0xD310] =	vst v16;
	v16 =	vld [tilespmem:s10+$0xB520]  }
0x16a: {  	v7 =	vmul.f32 v7, v35;
	v8 =	vmul.f32 v8, v35;
	[tilespmem:s10+$0xD320] =	vst v14;
	v14 =	vld [tilespmem:s10+$0xB530]  }
0x16b: {  	v6 =	vmul.f32 v6, v35;
	v5 =	vmul.f32 v5, v35;
	[tilespmem:s10+$0xD330] =	vst v13;
	v13 =	vld [tilespmem:s10+$0xB540]  }
0x16c: {  	v3 =	vmul.f32 v3, v36;
	v4 =	vmul.f32 v4, v36;
	[tilespmem:s10+$0xD340] =	vst v11;
	v11 =	vld [tilespmem:s10+$0xB550]  }
0x16d: {  	[tilespmem:s10+$0xD350] =	vst v12;
	v12 =	vmul.f32 v17, v36;
	v17 =	vmul.f32 v18, v36;
	v18 =	vld [tilespmem:s10+$0xB560]  }
0x16e: {  	v33 =	vbroadcast v2, $0x5;
	[tilespmem:s10+$0xD360] =	vst v10;
	v10 =	vbroadcast v2, $0x4;
	v35 =	vld [tilespmem:s10+$0xB570]  }
0x16f: {  	v36 =	vbroadcast v2, $0x7;
	[tilespmem:s10+$0xD370] =	vst v9;
	v9 =	vbroadcast v2, $0x6;
	v39 =	vld [tilespmem:s10+$0xB580]  }
0x170: {  	[tilespmem:s10+$0xD380] =	vst v7;
	v7 =	vmul.f32 v19, v10;
	v19 =	vmul.f32 v20, v10;
	v20 =	vld [tilespmem:s10+$0xB590]  }
0x171: {  	[tilespmem:s10+$0xD390] =	vst v8;
	v8 =	vmul.f32 v21, v10;
	v10 =	vmul.f32 v22, v10;
	v21 =	vld [tilespmem:s10+$0xB5A0]  }
0x172: {  	v22 =	vmul.f32 v24, v33;
	[tilespmem:s10+$0xD3A0] =	vst v6;
	v6 =	vmul.f32 v23, v33;
	v23 =	vld [tilespmem:s10+$0xB5B0]  }
0x173: {  	v24 =	vmul.f32 v26, v33;
	[tilespmem:s10+$0xD3B0] =	vst v5;
	v5 =	vmul.f32 v25, v33;
	v25 =	vld [tilespmem:s10+$0xB5C0]  }
0x174: {  	v26 =	vmul.f32 v28, v9;
	[tilespmem:s10+$0xD3C0] =	vst v3;
	v3 =	vmul.f32 v27, v9;
	v27 =	vld [tilespmem:s10+$0xB5D0]  }
0x175: {  	[tilespmem:s10+$0xD3D0] =	vst v4;
	v4 =	vmul.f32 v29, v9;
	v9 =	vmul.f32 v30, v9;
	v28 =	vld [tilespmem:s10+$0xB5E0]  }
0x176: {  	v29 =	vmul.f32 v34, v36;
	[tilespmem:s10+$0xD3E0] =	vst v12;
	v12 =	vmul.f32 v31, v36;
	v30 =	vld [tilespmem:s10+$0xB5F0]  }
0x177: {  	v31 =	vmul.f32 v38, v36;
	[tilespmem:s10+$0xD3F0] =	vst v17;
	v17 =	vmul.f32 v37, v36;
	v33 =	vld [tilespmem:s10+$0xB600]  }
0x178: {  	v34 =	vbroadcast v2, $0x9;
	[tilespmem:s10+$0xD400] =	vst v7;
	v7 =	vbroadcast v2, $0x8;
	v36 =	vld [tilespmem:s10+$0xB610]  }
0x179: {  	v37 =	vbroadcast v2, $0xB;
	[tilespmem:s10+$0xD410] =	vst v19;
	v19 =	vbroadcast v2, $0xA;
	v38 =	vld [tilespmem:s10+$0xB620]  }
0x17a: {  	[tilespmem:s10+$0xD420] =	vst v8;
	v8 =	vmul.f32 v32, v7;
	v15 =	vmul.f32 v15, v7;
	v32 =	vld [tilespmem:s10+$0xB630]  }
0x17b: {  	[tilespmem:s10+$0xD430] =	vst v10;
	v10 =	vmul.f32 v16, v7;
	v7 =	vmul.f32 v14, v7;
	v14 =	vld [tilespmem:s10+$0xB640]  }
0x17c: {  	v11 =	vmul.f32 v11, v34;
	[tilespmem:s10+$0xD440] =	vst v6;
	v6 =	vmul.f32 v13, v34;
	v13 =	vld [tilespmem:s10+$0xB650]  }
0x17d: {  	v16 =	vmul.f32 v18, v34;
	v18 =	vmul.f32 v35, v34;
	[tilespmem:s10+$0xD450] =	vst v22;
	v22 =	vld [tilespmem:s10+$0xB660]  }
0x17e: {  	v20 =	vmul.f32 v20, v19;
	[tilespmem:s10+$0xD460] =	vst v5;
	v5 =	vmul.f32 v39, v19;
	v34 =	vld [tilespmem:s10+$0xB670]  }
0x17f: {  	v21 =	vmul.f32 v21, v19;
	v19 =	vmul.f32 v23, v19;
	[tilespmem:s10+$0xD470] =	vst v24;
	v23 =	vld [tilespmem:s10+$0xB680]  }
0x180: {  	v24 =	vmul.f32 v27, v37;
	[tilespmem:s10+$0xD480] =	vst v3;
	v3 =	vmul.f32 v25, v37;
	v25 =	vld [tilespmem:s10+$0xB690]  }
0x181: {  	v27 =	vmul.f32 v30, v37;
	[tilespmem:s10+$0xD490] =	vst v26;
	v26 =	vmul.f32 v28, v37;
	v28 =	vld [tilespmem:s10+$0xB6A0]  }
0x182: {  	v30 =	vbroadcast v2, $0xD;
	[tilespmem:s10+$0xD4A0] =	vst v4;
	v4 =	vbroadcast v2, $0xC;
	v35 =	vld [tilespmem:s10+$0xB6B0]  }
0x183: {  	[tilespmem:s10+$0xD4B0] =	vst v9;
	v9 =	vbroadcast v2, $0xE;
	v2 =	vbroadcast v2, $0xF;
	v37 =	vld [tilespmem:s10+$0xB6C0]  }
0x184: {  	[tilespmem:s10+$0xD4C0] =	vst v12;
	v12 =	vmul.f32 v33, v4;
	v33 =	vmul.f32 v36, v4;
	v36 =	vld [tilespmem:s10+$0xB6D0]  }
0x185: {  	[tilespmem:s10+$0xD4D0] =	vst v29;
	v29 =	vmul.f32 v38, v4;
	v4 =	vmul.f32 v32, v4;
	v32 =	vld [tilespmem:s10+$0xB6E0]  }
0x186: {  	v38 =	vmul.f32 v13, v30;
	[tilespmem:s10+$0xD4E0] =	vst v17;
	v17 =	vmul.f32 v14, v30;
	v13 =	vld [tilespmem:s10+$0xB6F0]  }
0x187: {  	v22 =	vmul.f32 v22, v30;
	v30 =	vmul.f32 v34, v30;
	[tilespmem:s10+$0xD4F0] =	vst v31  }
0x188: {  	[tilespmem:s10+$0xD500] =	vst v8;
	v8 =	vmul.f32 v23, v9;
	v23 =	vmul.f32 v25, v9  }
0x189: {  	v25 =	vmul.f32 v28, v9;
	v28 =	vmul.f32 v35, v9;
	[tilespmem:s10+$0xD510] =	vst v15  }
0x18a: {  	v31 =	vmul.f32 v37, v2;
	v34 =	vmul.f32 v36, v2;
	[tilespmem:s10+$0xD520] =	vst v10  }
0x18b: {  	v32 =	vmul.f32 v32, v2;
	[tilespmem:s10+$0xD530] =	vst v7;
	v2 =	vmul.f32 v13, v2  }
0x18c: {  	[tilespmem:s10+$0xD540] =	vst v6  }
0x18d: {  	[tilespmem:s10+$0xD550] =	vst v11  }
0x18e: {  	[tilespmem:s10+$0xD560] =	vst v16  }
0x18f: {  	[tilespmem:s10+$0xD570] =	vst v18  }
0x190: {  	[tilespmem:s10+$0xD580] =	vst v5  }
0x191: {  	[tilespmem:s10+$0xD590] =	vst v20  }
0x192: {  	[tilespmem:s10+$0xD5A0] =	vst v21  }
0x193: {  	[tilespmem:s10+$0xD5B0] =	vst v19  }
0x194: {  	[tilespmem:s10+$0xD5C0] =	vst v3  }
0x195: {  	[tilespmem:s10+$0xD5D0] =	vst v24  }
0x196: {  	[tilespmem:s10+$0xD5E0] =	vst v26  }
0x197: {  	[tilespmem:s10+$0xD5F0] =	vst v27  }
0x198: {  	[tilespmem:s10+$0xD600] =	vst v12  }
0x199: {  	s13 =	sshra.s32 s12, $0x2;
	[tilespmem:s10+$0xD610] =	vst v33  }
0x19a: {  	v15 =	vld [tilespmem:s13+$0xB300];
	[tilespmem:s10+$0xD620] =	vst v29  }
0x19b: {  	v16 =	vld [tilespmem:s13+$0xB310];
	[tilespmem:s10+$0xD630] =	vst v4  }
0x19c: {  	v14 =	vld [tilespmem:s13+$0xB320];
	[tilespmem:s10+$0xD640] =	vst v17  }
0x19d: {  	v13 =	vld [tilespmem:s13+$0xB330];
	[tilespmem:s10+$0xD650] =	vst v38  }
0x19e: {  	v11 =	vld [tilespmem:s13+$0xB340];
	[tilespmem:s10+$0xD660] =	vst v22  }
0x19f: {  	v12 =	vld [tilespmem:s13+$0xB350];
	[tilespmem:s10+$0xD670] =	vst v30  }
0x1a0: {  	v10 =	vld [tilespmem:s13+$0xB360];
	[tilespmem:s10+$0xD680] =	vst v8  }
0x1a1: {  	v9 =	vld [tilespmem:s13+$0xB370];
	[tilespmem:s10+$0xD690] =	vst v23  }
0x1a2: {  	v7 =	vld [tilespmem:s13+$0xB380];
	[tilespmem:s10+$0xD6A0] =	vst v25  }
0x1a3: {  	v8 =	vld [tilespmem:s13+$0xB390];
	[tilespmem:s10+$0xD6B0] =	vst v28  }
.Ltmp4:
0x1a4: {  	v6 =	vld [tilespmem:s13+$0xB3A0];
	[tilespmem:s10+$0xD6C0] =	vst v31;
	(pc) =	sbr.rel @p0 .LBB2_11-.Ltmp4, $4  }
0x1a5: {  	v5 =	vld [tilespmem:s13+$0xB3B0];
	[tilespmem:s10+$0xD6D0] =	vst v34  }
0x1a6: {  	v3 =	vld [tilespmem:s13+$0xB3C0];
	[tilespmem:s10+$0xD6E0] =	vst v32  }
0x1a7: {  	s11 =	sadd.s32 $0x10, s11;
	v4 =	vld [tilespmem:s13+$0xB3D0];
	[tilespmem:s10+$0xD6F0] =	vst v2;
	s10 =	smov.u32 s13  }
0x1a8: {  	s12 =	sadd.s32 $0x1000, s12;
	v2 =	vld [tilespmem:s11+$0x0]  }
0x1a9: {  	_ =	sdelay $0x3  }
0x1aa: {  	v2 =	vmax.f32 v2, $1.000000000e+00  }
0x1ab: {  	(erf) = vrcp.f32 v2;
	_ =	sdelay $0x8  }
0x1ac: {  	v2 =	vpop (erf)  }
0x1ad: {  	v32 =	vbroadcast v2, $0x0;
	_ =	sdelay $0x1  }
0x1ae: {  	v15 =	vmul.f32 v32, v15  }
0x1af: {  	v16 =	vmul.f32 v32, v16  }
0x1b0: {  	v37 =	vbroadcast v2, $0x1;
	v14 =	vmul.f32 v14, v32;
	[tilespmem:s10+$0xD300] =	vst v15  }
0x1b1: {  	v13 =	vmul.f32 v13, v32;
	[tilespmem:s10+$0xD310] =	vst v16  }
0x1b2: {  	v11 =	vmul.f32 v11, v37;
	[tilespmem:s10+$0xD320] =	vst v14  }
0x1b3: {  	v12 =	vmul.f32 v12, v37;
	[tilespmem:s10+$0xD330] =	vst v13  }
0x1b4: {  	v48 =	vbroadcast v2, $0x2;
	v10 =	vmul.f32 v10, v37;
	[tilespmem:s10+$0xD340] =	vst v11  }
0x1b5: {  	v9 =	vmul.f32 v9, v37;
	[tilespmem:s10+$0xD350] =	vst v12  }
0x1b6: {  	v7 =	vmul.f32 v7, v48;
	[tilespmem:s10+$0xD360] =	vst v10  }
0x1b7: {  	v17 =	vld [tilespmem:s10+$0xB3E0];
	v8 =	vmul.f32 v8, v48;
	[tilespmem:s10+$0xD370] =	vst v9  }
0x1b8: {  	v18 =	vld [tilespmem:s10+$0xB3F0];
	v49 =	vbroadcast v2, $0x3;
	v6 =	vmul.f32 v6, v48;
	[tilespmem:s10+$0xD380] =	vst v7  }
0x1b9: {  	v19 =	vld [tilespmem:s10+$0xB400];
	v5 =	vmul.f32 v5, v48;
	[tilespmem:s10+$0xD390] =	vst v8  }
0x1ba: {  	v20 =	vld [tilespmem:s10+$0xB410];
	v3 =	vmul.f32 v3, v49;
	[tilespmem:s10+$0xD3A0] =	vst v6  }
0x1bb: {  	v21 =	vld [tilespmem:s10+$0xB420];
	v4 =	vmul.f32 v4, v49;
	[tilespmem:s10+$0xD3B0] =	vst v5  }
0x1bc: {  	v22 =	vld [tilespmem:s10+$0xB430];
	v50 =	vbroadcast v2, $0x4;
	v17 =	vmul.f32 v17, v49;
	[tilespmem:s10+$0xD3C0] =	vst v3  }
0x1bd: {  	v23 =	vld [tilespmem:s10+$0xB440];
	v18 =	vmul.f32 v18, v49;
	[tilespmem:s10+$0xD3D0] =	vst v4  }
0x1be: {  	v24 =	vld [tilespmem:s10+$0xB450];
	v19 =	vmul.f32 v19, v50;
	[tilespmem:s10+$0xD3E0] =	vst v17  }
0x1bf: {  	v25 =	vld [tilespmem:s10+$0xB460];
	v20 =	vmul.f32 v20, v50;
	[tilespmem:s10+$0xD3F0] =	vst v18  }
0x1c0: {  	v26 =	vld [tilespmem:s10+$0xB470];
	v54 =	vbroadcast v2, $0x5;
	v21 =	vmul.f32 v21, v50;
	[tilespmem:s10+$0xD400] =	vst v19  }
0x1c1: {  	v27 =	vld [tilespmem:s10+$0xB480];
	v22 =	vmul.f32 v22, v50;
	[tilespmem:s10+$0xD410] =	vst v20  }
0x1c2: {  	v28 =	vld [tilespmem:s10+$0xB490];
	v23 =	vmul.f32 v23, v54;
	[tilespmem:s10+$0xD420] =	vst v21  }
0x1c3: {  	v29 =	vld [tilespmem:s10+$0xB4A0];
	v24 =	vmul.f32 v24, v54;
	[tilespmem:s10+$0xD430] =	vst v22  }
0x1c4: {  	v30 =	vld [tilespmem:s10+$0xB4B0];
	v57 =	vbroadcast v2, $0x6;
	v25 =	vmul.f32 v25, v54;
	[tilespmem:s10+$0xD440] =	vst v23  }
0x1c5: {  	v31 =	vld [tilespmem:s10+$0xB4C0];
	v26 =	vmul.f32 v26, v54;
	[tilespmem:s10+$0xD450] =	vst v24  }
0x1c6: {  	v33 =	vld [tilespmem:s10+$0xB4D0];
	v27 =	vmul.f32 v27, v57;
	[tilespmem:s10+$0xD460] =	vst v25  }
0x1c7: {  	v34 =	vld [tilespmem:s10+$0xB4E0];
	v28 =	vmul.f32 v28, v57;
	[tilespmem:s10+$0xD470] =	vst v26  }
0x1c8: {  	v35 =	vld [tilespmem:s10+$0xB4F0];
	v61 =	vbroadcast v2, $0x7;
	v29 =	vmul.f32 v29, v57;
	[tilespmem:s10+$0xD480] =	vst v27  }
0x1c9: {  	v36 =	vld [tilespmem:s10+$0xB500];
	v30 =	vmul.f32 v30, v57;
	[tilespmem:s10+$0xD490] =	vst v28  }
0x1ca: {  	v47 =	vld [tilespmem:s10+$0xB510];
	v31 =	vmul.f32 v31, v61;
	[tilespmem:s10+$0xD4A0] =	vst v29  }
0x1cb: {  	v51 =	vld [tilespmem:s10+$0xB5F0];
	v40 =	vmul.f32 v33, v61;
	[tilespmem:s10+$0xD4B0] =	vst v30  }
0x1cc: {  	v43 =	vbroadcast v2, $0x8;
	v42 =	vmul.f32 v34, v61;
	v16 =	vld [tilespmem:s10+$0xB520];
	[tilespmem:s10+$0xD4C0] =	vst v31  }
0x1cd: {  	v35 =	vmul.f32 v35, v61;
	v14 =	vld [tilespmem:s10+$0xB530];
	[tilespmem:s10+$0xD4D0] =	vst v40  }
0x1ce: {  	v45 =	vmul.f32 v36, v43;
	v49 =	vbroadcast v2, $0xB;
	v13 =	vld [tilespmem:s10+$0xB540];
	[tilespmem:s10+$0xD4E0] =	vst v42  }
0x1cf: {  	v11 =	vld [tilespmem:s10+$0xB550];
	v15 =	vmul.f32 v47, v43;
	[tilespmem:s10+$0xD4F0] =	vst v35  }
0x1d0: {  	v12 =	vld [tilespmem:s10+$0xB560];
	[tilespmem:s10+$0xD500] =	vst v45;
	v51 =	vmul.f32 v51, v49  }
0x1d1: {  	v10 =	vld [tilespmem:s10+$0xB570];
	v47 =	vbroadcast v2, $0x9;
	[tilespmem:s10+$0xD510] =	vst v15;
	v16 =	vmul.f32 v16, v43  }
0x1d2: {  	v9 =	vld [tilespmem:s10+$0xB580];
	[tilespmem:s10+$0xD5F0] =	vst v51;
	v14 =	vmul.f32 v14, v43  }
0x1d3: {  	v7 =	vld [tilespmem:s10+$0xB590];
	v13 =	vmul.f32 v13, v47;
	[tilespmem:s10+$0xD520] =	vst v16  }
0x1d4: {  	v8 =	vld [tilespmem:s10+$0xB5A0];
	v11 =	vmul.f32 v11, v47;
	[tilespmem:s10+$0xD530] =	vst v14  }
0x1d5: {  	v48 =	vbroadcast v2, $0xA;
	v6 =	vld [tilespmem:s10+$0xB5B0];
	v12 =	vmul.f32 v12, v47;
	[tilespmem:s10+$0xD540] =	vst v13  }
0x1d6: {  	v5 =	vld [tilespmem:s10+$0xB5C0];
	v10 =	vmul.f32 v10, v47;
	[tilespmem:s10+$0xD550] =	vst v11  }
0x1d7: {  	v3 =	vld [tilespmem:s10+$0xB5D0];
	v9 =	vmul.f32 v9, v48;
	[tilespmem:s10+$0xD560] =	vst v12  }
0x1d8: {  	v4 =	vld [tilespmem:s10+$0xB5E0];
	v7 =	vmul.f32 v7, v48;
	[tilespmem:s10+$0xD570] =	vst v10  }
0x1d9: {  	v20 =	vld [tilespmem:s10+$0xB620];
	v8 =	vmul.f32 v8, v48;
	[tilespmem:s10+$0xD580] =	vst v9  }
0x1da: {  	v52 =	vld [tilespmem:s10+$0xB600];
	v6 =	vmul.f32 v6, v48;
	[tilespmem:s10+$0xD590] =	vst v7  }
0x1db: {  	v53 =	vld [tilespmem:s10+$0xB610];
	v5 =	vmul.f32 v5, v49;
	[tilespmem:s10+$0xD5A0] =	vst v8  }
0x1dc: {  	v50 =	vbroadcast v2, $0xC;
	v21 =	vld [tilespmem:s10+$0xB630];
	v3 =	vmul.f32 v3, v49;
	[tilespmem:s10+$0xD5B0] =	vst v6  }
0x1dd: {  	v55 =	vld [tilespmem:s10+$0xB640];
	v4 =	vmul.f32 v4, v49;
	[tilespmem:s10+$0xD5C0] =	vst v5  }
0x1de: {  	v56 =	vld [tilespmem:s10+$0xB650];
	v54 =	vmul.f32 v20, v50;
	[tilespmem:s10+$0xD5D0] =	vst v3  }
0x1df: {  	v24 =	vld [tilespmem:s10+$0xB660];
	v3 =	vmul.f32 v52, v50;
	[tilespmem:s10+$0xD5E0] =	vst v4  }
0x1e0: {  	v58 =	vld [tilespmem:s10+$0xB670];
	v52 =	vmul.f32 v53, v50;
	v53 =	vbroadcast v2, $0xD;
	[tilespmem:s10+$0xD620] =	vst v54  }
0x1e1: {  	v59 =	vld [tilespmem:s10+$0xB680];
	[tilespmem:s10+$0xD600] =	vst v3;
	v3 =	vmul.f32 v21, v50  }
0x1e2: {  	v60 =	vld [tilespmem:s10+$0xB690];
	[tilespmem:s10+$0xD610] =	vst v52;
	v55 =	vmul.f32 v55, v53  }
0x1e3: {  	v28 =	vld [tilespmem:s10+$0xB6A0];
	v56 =	vmul.f32 v56, v53;
	[tilespmem:s10+$0xD630] =	vst v3  }
0x1e4: {  	v62 =	vld [tilespmem:s10+$0xB6B0];
	v57 =	vmul.f32 v24, v53;
	v3 =	vbroadcast v2, $0xE;
	[tilespmem:s10+$0xD640] =	vst v55  }
0x1e5: {  	v63 =	vld [tilespmem:s10+$0xB6C0];
	v58 =	vmul.f32 v58, v53;
	[tilespmem:s10+$0xD650] =	vst v56  }
0x1e6: {  	v41 =	vld [tilespmem:s10+$0xB6D0];
	[tilespmem:s10+$0xD660] =	vst v57;
	v59 =	vmul.f32 v59, v3  }
0x1e7: {  	v44 =	vld [tilespmem:s10+$0xB6E0];
	[tilespmem:s10+$0xD670] =	vst v58;
	v60 =	vmul.f32 v60, v3  }
0x1e8: {  	v46 =	vld [tilespmem:s10+$0xB6F0];
	v2 =	vbroadcast v2, $0xF;
	v61 =	vmul.f32 v28, v3;
	[tilespmem:s10+$0xD680] =	vst v59  }
0x1e9: {  	v3 =	vmul.f32 v62, v3;
	[tilespmem:s10+$0xD690] =	vst v60  }
0x1ea: {  	v62 =	vmul.f32 v63, v2;
	[tilespmem:s10+$0xD6A0] =	vst v61  }
0x1eb: {  	v63 =	vmul.f32 v41, v2;
	[tilespmem:s10+$0xD6B0] =	vst v3  }
0x1ec: {  	v3 =	vmul.f32 v44, v2;
	[tilespmem:s10+$0xD6C0] =	vst v62  }
0x1ed: {  	s22 =	sadd.s32 $0x1, s22;
	v2 =	vmul.f32 v46, v2;
	[tilespmem:s10+$0xD6D0] =	vst v63  }
0x1ee: {  	s9 =	sshll.u32 s9, $0x3;
	p0 =	sne.s32 s22, $0x5;
	[tilespmem:s10+$0xD6E0] =	vst v3  }
.Ltmp5:
0x1ef: {  	s9 =	sadd.s32 s9, s15;
	[tilespmem:s10+$0xD6F0] =	vst v2;
	(pc) =	sbr.rel @p0 .LBB2_8-.Ltmp5, $4  }
0x1f0: {  	[hbm4b:s9+s4] =	stream.linear.scatter [tilespmem:s0], [sflag:$0x3], $0x2000, $0x38;
	[tilespmem:$0x1C380] =	vst v63  }
0x1f1: {  	_ =	swait.ge [sflag:s18], $0x2000  }
0x1f2: {  	[sflag:s18] =	ssyncset.done $0x0  }
0x1f3: {  	[sflag:s18] =	ssyncadd.s32 $0xFFFFE000  }
0x1f4: {  	s20 =	sadd.s32 $0x1, s20  }
0x1f5: {  	p0 =	sne.s32 s20, s16  }
.Ltmp6:
0x1f6: {  	_ = 	snop;
	(pc) =	sbr.rel @p0 .LBB2_1-.Ltmp6, $1  }
0x1f7: {  	_ =	sdelay $0x3  }
0x1f8: {  	_ =	sfence.sel $0x180000  }
0x1f9: {  	[bflag:$0x0] =	sbarrier.arrive $0xFFFF  }
0x1fa: {  	_ =	strace $0x90000047  }
0x1fb: {  	s0 =	stileid.u32;
	[bflag:$0x2] =	sbarrier.arrive $0xFFFF  }
0x1fc: {  	p0 =	sne.s32 s0, $0x0;
	s0 =	rddreg [dreg:$0x3]  }
0x1fd: {  	s0 =	sadd.s32 @!p0 $0x100000, s0  }
0x1fe: {  	[sflag:s0] =	ssyncadd.tile.s32 @!p0 $0x1;
	_ =	shalt  }
.Lfunc_end2:
_tile_overlayer_lowered:
.L_overlay_start_2:
0x1ff: {  	(tag) =	ssettag $0x2  }
0x200: {  	s0 =	rddreg [dreg:$0x0];
	s2 =	stileid.u32  }
0x201: {  	s1 =	rddreg [dreg:$0x1];
	p0 =	sne.s32 s2, $0x0  }
0x202: {  	s3 =	rddreg [dreg:$0x2];
	[bflag:$0x3] =	sbarrier.arrive $0xFFFF;
	s2 =	simm.s32 @!p0 $0x1C03  }
0x203: {  	[timem:s3], [sflag:s2] =	dma.local @!p0 [hbm:s0], s1  }
0x204: {  	s0 =	simm.s32 @!p0 $0x3  }
0x205: {  	_ =	swait.ge @!p0 [sflag:s0], s1  }
0x206: {  	s1 =	ssub.s32 @!p0 $0x0, s1;
	[sflag:s0] =	ssyncset.done @!p0 $0x0  }
0x207: {  	[sflag:s0] =	ssyncadd.s32 @!p0 s1  }
0x208: {  	[bflag:$0x3] =	sbarrier.arrive $0xFFFF  }
0x209: {  	_ =	shalt  }

</sc_bundles>
